<compile_context>
chip_gen: v7x
topology: tpu7x:2x2x1
jax: 0.10.2.dev20260603
libtpu: 0.0.44.dev20260713+nightly
codegen_flags: <defaults>
</compile_context>

<pallas_src>
import jax
import jax.numpy as jnp
from jax import lax
from jax.experimental import pallas as pl
from jax.experimental.pallas import tpu as pltpu
from jax.experimental.pallas import tpu_sc as plsc

BATCH = 16384
FEAT = 8
NC = 2
NS = 16
NW = NC * NS
B_PER_W = BATCH // NW
LANES = 16
N_GROUPS = B_PER_W // LANES
TILE = 128


def _sc_gather_body(users_hbm, tracks_hbm, utbl_hbm, ttbl_hbm,
                    u_out_hbm, t_out_hbm, uidx_v, tidx_v,
                    utiles_v, ttiles_v, urows_v, trows_v, sem_idx, sem_data):
    wid = lax.axis_index("s") * NC + lax.axis_index("c")
    base = wid * B_PER_W
    cp_u = pltpu.make_async_copy(users_hbm.at[pl.ds(base, B_PER_W)], uidx_v,
                                 sem_idx)
    cp_t = pltpu.make_async_copy(tracks_hbm.at[pl.ds(base, B_PER_W)], tidx_v,
                                 sem_idx)
    cp_u.start()
    cp_t.start()
    cp_u.wait()
    cp_t.wait()

    lanes = lax.iota(jnp.int32, LANES)

    def starts_of(vec):
        return vec & ~jnp.int32(TILE - 1)

    def loop(g, carry):
        vecs = []
        for h in range(2):
            uvec = uidx_v[pl.ds((2 * g + h) * LANES, LANES)]
            tvec = tidx_v[pl.ds((2 * g + h) * LANES, LANES)]
            us = starts_of(uvec)
            ts = starts_of(tvec)
            vecs.append((uvec, tvec, us, ts))
            for j in range(LANES):
                su = pl.multiple_of(us[j], TILE)
                st = pl.multiple_of(ts[j], TILE)
                pltpu.make_async_copy(utbl_hbm.at[:, pl.ds(su, TILE)],
                                      utiles_v.at[h * LANES + j],
                                      sem_data).start()
                pltpu.make_async_copy(ttbl_hbm.at[:, pl.ds(st, TILE)],
                                      ttiles_v.at[h * LANES + j],
                                      sem_data).start()
        pltpu.make_async_copy(utbl_hbm.at[:, pl.ds(0, TILE * 2 * LANES)],
                              utiles_v, sem_data).wait()
        pltpu.make_async_copy(ttbl_hbm.at[:, pl.ds(0, TILE * 2 * LANES)],
                              ttiles_v, sem_data).wait()
        for h in range(2):
            uvec, tvec, us, ts = vecs[h]
            ulane = uvec - us
            tlane = tvec - ts
            slot = lanes + h * LANES
            for f in range(FEAT):
                fvec = jnp.full((LANES,), f, jnp.int32)
                uvals = plsc.load_gather(utiles_v, [slot, fvec, ulane])
                tvals = plsc.load_gather(ttiles_v, [slot, fvec, tlane])
                b0 = f * B_PER_W + (2 * g + h) * LANES
                urows_v[pl.ds(b0, LANES)] = uvals
                trows_v[pl.ds(b0, LANES)] = tvals
        return carry

    lax.fori_loop(0, N_GROUPS // 2, loop, 0)

    for f in range(FEAT):
        pltpu.sync_copy(
            urows_v.at[pl.ds(f * B_PER_W, B_PER_W)],
            u_out_hbm.at[f, pl.ds(base, B_PER_W)])
        pltpu.sync_copy(
            trows_v.at[pl.ds(f * B_PER_W, B_PER_W)],
            t_out_hbm.at[f, pl.ds(base, B_PER_W)])


def _sc_gather(users, tracks, utbl_t, ttbl_t):
    mesh = plsc.VectorSubcoreMesh(core_axis_name="c", subcore_axis_name="s",
                                  num_cores=NC, num_subcores=NS)
    return pl.kernel(
        _sc_gather_body,
        out_type=[
            jax.ShapeDtypeStruct((FEAT, BATCH), jnp.float32),
            jax.ShapeDtypeStruct((FEAT, BATCH), jnp.float32),
        ],
        mesh=mesh,
        compiler_params=pltpu.CompilerParams(needs_layout_passes=False),
        scratch_types=[
            pltpu.VMEM((B_PER_W,), jnp.int32),
            pltpu.VMEM((B_PER_W,), jnp.int32),
            pltpu.VMEM((2 * LANES, FEAT, TILE), jnp.float32),
            pltpu.VMEM((2 * LANES, FEAT, TILE), jnp.float32),
            pltpu.VMEM((FEAT * B_PER_W,), jnp.float32),
            pltpu.VMEM((FEAT * B_PER_W,), jnp.float32),
            pltpu.SemaphoreType.DMA,
            pltpu.SemaphoreType.DMA,
        ],
    )(users, tracks, utbl_t, ttbl_t)


def _mlp_body(u_ref, t_ref, w1a_ref, w1b_ref, b1_ref, w2_ref, b2_ref,
              w3_ref, b3_ref, out_ref):
    cdims = (((0,), (0,)), ((), ()))
    h = lax.dot_general(u_ref[...], w1a_ref[...], cdims,
                        preferred_element_type=jnp.float32)
    h += lax.dot_general(t_ref[...], w1b_ref[...], cdims,
                         preferred_element_type=jnp.float32)
    h = jax.nn.relu(h + b1_ref[...])
    h = jnp.dot(h, w2_ref[...], preferred_element_type=jnp.float32)
    h = jax.nn.relu(h + b2_ref[...])
    o = lax.dot_general(w3_ref[...], h, (((0,), (1,)), ((), ())),
                        preferred_element_type=jnp.float32)
    out_ref[...] = jax.nn.sigmoid(o + b3_ref[...])


def _mlp(u_et, t_et, W1, b1, W2, b2, W3, b3):
    w1a, w1b = W1[:FEAT], W1[FEAT:]
    return pl.pallas_call(
        _mlp_body,
        out_shape=jax.ShapeDtypeStruct((1, BATCH), jnp.float32),
    )(u_et, t_et, w1a, w1b, b1.reshape(1, 64), W2, b2.reshape(1, 32),
      W3.reshape(32, 1), b3.reshape(1, 1))


def kernel(users, tracks, user_table, track_table, W1, b1, W2, b2, W3, b3):
    u_et, t_et = _sc_gather(users, tracks, user_table.T, track_table.T)
    out_t = _mlp(u_et, t_et, W1, b1, W2, b2, W3, b3)
    return out_t.reshape(BATCH, 1)

# --- scband reference (transcript-rebuilt; emitter-appended) ---
"""Pipeline reference for scband-spotify-net-7980049236191 (READ-ONLY COPY).

The authoritative reference and input builder live on the scoring server;
editing this copy changes nothing except your own understanding.
"""

import jax, jax.numpy as jnp
import numpy as np

NUM_USERS = 1000000
NUM_TRACKS = 1000000
FEATURE_SIZE = 8
BATCH = 16384


def setup_inputs(seed: int = 0) -> dict:
    key = jax.random.key(seed)
    ks = jax.random.split(key, 12)
    users = jax.random.randint(ks[0], (BATCH,), 0, NUM_USERS, dtype=jnp.int64 if jax.config.jax_enable_x64 else jnp.int32).astype(jnp.int32)
    tracks = jax.random.randint(ks[1], (BATCH,), 0, NUM_TRACKS, dtype=jnp.int32)
    user_table = jax.random.normal(ks[2], (NUM_USERS, FEATURE_SIZE), dtype=jnp.float32)
    track_table = jax.random.normal(ks[3], (NUM_TRACKS, FEATURE_SIZE), dtype=jnp.float32)
    # Linear params stored as [in, out]; y = x @ W + b (equivalent to torch x @ W.T + b)
    W1 = jax.random.normal(ks[4], (16, 64), dtype=jnp.float32) * (1.0 / np.sqrt(16))
    b1 = jnp.zeros((64,), dtype=jnp.float32)
    W2 = jax.random.normal(ks[5], (64, 32), dtype=jnp.float32) * (1.0 / np.sqrt(64))
    b2 = jnp.zeros((32,), dtype=jnp.float32)
    W3 = jax.random.normal(ks[6], (32, 1), dtype=jnp.float32) * (1.0 / np.sqrt(32))
    b3 = jnp.zeros((1,), dtype=jnp.float32)
    return {"users": users, "tracks": tracks, "user_table": user_table, "track_table": track_table,
            "W1": W1, "b1": b1, "W2": W2, "b2": b2, "W3": W3, "b3": b3}


def reference(users, tracks, user_table, track_table, W1, b1, W2, b2, W3, b3):
    user_embed = jnp.take(user_table, users, axis=0)
    track_embed = jnp.take(track_table, tracks, axis=0)
    x = jnp.concatenate([user_embed, track_embed], axis=-1)
    x = x @ W1 + b1
    x = jax.nn.relu(x)
    x = x @ W2 + b2
    x = jax.nn.relu(x)
    out = x @ W3 + b3
    prediction = jax.nn.sigmoid(out)
    return prediction

if __name__ == "__main__":
    import jax
    _d = setup_inputs()
    print(jax.jit(kernel)(*tuple(_d.values())))

</pallas_src>

<mosaic_0001>
#map = affine_map<(d0, d1) -> (0)>
#map1 = affine_map<(d0, d1) -> (0, 0)>
module attributes {stable_mosaic.version = 14 : i64} {
  func.func @_sc_gather_body(%arg0: i32, %arg1: i32, %arg2: memref<16384xi32, #tpu.memory_space<hbm>>, %arg3: memref<16384xi32, #tpu.memory_space<hbm>>, %arg4: memref<8x1000000xf32, #tpu.memory_space<hbm>>, %arg5: memref<8x1000000xf32, #tpu.memory_space<hbm>>, %arg6: memref<8x16384xf32, #tpu.memory_space<hbm>>, %arg7: memref<8x16384xf32, #tpu.memory_space<hbm>>, %arg8: memref<512xi32, #tpu.memory_space<vmem>>, %arg9: memref<512xi32, #tpu.memory_space<vmem>>, %arg10: memref<32x8x128xf32, #tpu.memory_space<vmem>>, %arg11: memref<32x8x128xf32, #tpu.memory_space<vmem>>, %arg12: memref<4096xf32, #tpu.memory_space<vmem>>, %arg13: memref<4096xf32, #tpu.memory_space<vmem>>, %arg14: memref<!tpu.dma_semaphore, #tpu.memory_space<semaphore_mem>>, %arg15: memref<!tpu.dma_semaphore, #tpu.memory_space<semaphore_mem>>) attributes {dimension_semantics = [#tpu.dimension_semantics<core_parallel>, #tpu.dimension_semantics<subcore_parallel>], iteration_bounds = array<i64: 2, 16>, scalar_prefetch = 0 : i64, scratch_operands = 8 : i64, tpu.core_type = #tpu.core_type<sc_vector_subcore>, window_params = [{transform_indices = #map}, {transform_indices = #map}, {transform_indices = #map1}, {transform_indices = #map1}, {transform_indices = #map1}, {transform_indices = #map1}]} {
    %mul3A = arith.constant 2 : i32
    %mul3A_0 = arith.muli %arg1, %mul3A : i32
    %add3A = arith.addi %mul3A_0, %arg0 : i32
    %mul3A_1 = arith.constant 512 : i32
    %mul3A_2 = arith.muli %add3A, %mul3A_1 : i32
    %dma_start3A = tpu.memref_slice %arg2[%mul3A_2] : memref<16384xi32, #tpu.memory_space<hbm>> -> memref<512xi32, #tpu.memory_space<hbm>>
    %dma_start3A_3 = tpu.memref_slice %arg2[%mul3A_2] : memref<16384xi32, #tpu.memory_space<hbm>> -> memref<512xi32, #tpu.memory_space<hbm>>
    tpu.enqueue_dma source(%dma_start3A_3 : memref<512xi32, #tpu.memory_space<hbm>>) target(%arg8 : memref<512xi32, #tpu.memory_space<vmem>>) target_semaphore(%arg14 : memref<!tpu.dma_semaphore, #tpu.memory_space<semaphore_mem>>)
    %dma_start3A_4 = tpu.memref_slice %arg3[%mul3A_2] : memref<16384xi32, #tpu.memory_space<hbm>> -> memref<512xi32, #tpu.memory_space<hbm>>
    %dma_start3A_5 = tpu.memref_slice %arg3[%mul3A_2] : memref<16384xi32, #tpu.memory_space<hbm>> -> memref<512xi32, #tpu.memory_space<hbm>>
    tpu.enqueue_dma source(%dma_start3A_5 : memref<512xi32, #tpu.memory_space<hbm>>) target(%arg9 : memref<512xi32, #tpu.memory_space<vmem>>) target_semaphore(%arg14 : memref<!tpu.dma_semaphore, #tpu.memory_space<semaphore_mem>>)
    %dma_wait3A = tpu.memref_slice %arg2[%mul3A_2] : memref<16384xi32, #tpu.memory_space<hbm>> -> memref<512xi32, #tpu.memory_space<hbm>>
    %dma_wait3A_6 = tpu.memref_slice %arg2[%mul3A_2] : memref<16384xi32, #tpu.memory_space<hbm>> -> memref<512xi32, #tpu.memory_space<hbm>>
    tpu.wait_dma2 semaphore(%arg14 : memref<!tpu.dma_semaphore, #tpu.memory_space<semaphore_mem>>) src(%dma_wait3A_6 : memref<512xi32, #tpu.memory_space<hbm>>) dst(%arg8 : memref<512xi32, #tpu.memory_space<vmem>>)
    %dma_wait3A_7 = tpu.memref_slice %arg3[%mul3A_2] : memref<16384xi32, #tpu.memory_space<hbm>> -> memref<512xi32, #tpu.memory_space<hbm>>
    %dma_wait3A_8 = tpu.memref_slice %arg3[%mul3A_2] : memref<16384xi32, #tpu.memory_space<hbm>> -> memref<512xi32, #tpu.memory_space<hbm>>
    tpu.wait_dma2 semaphore(%arg14 : memref<!tpu.dma_semaphore, #tpu.memory_space<semaphore_mem>>) src(%dma_wait3A_8 : memref<512xi32, #tpu.memory_space<hbm>>) dst(%arg9 : memref<512xi32, #tpu.memory_space<vmem>>)
    %iota3A = tpu.iota {dimensions = array<i32: 0>} : vector<16xi32>
    %scan3A = arith.constant 0 : i32
    %scan3A_9 = arith.constant 0 : i32
    %scan3A_10 = arith.constant 16 : i32
    %scan3A_11 = arith.addi %scan3A_9, %scan3A_10 : i32
    %scan3A_12 = arith.constant 1 : i32
    scf.for %scan3A_29 = %scan3A_9 to %scan3A_11 step %scan3A_12  : i32 {
      %mul3A_30 = arith.constant 2 : i32
      %mul3A_31 = arith.muli %mul3A_30, %scan3A_29 : i32
      %add3A_32 = arith.constant 0 : i32
      %add3A_33 = arith.addi %mul3A_31, %add3A_32 : i32
      %mul3A_34 = arith.constant 16 : i32
      %mul3A_35 = arith.muli %add3A_33, %mul3A_34 : i32
      %get3A = arith.index_cast %mul3A_35 : i32 to index
      %get3A_36 = tpu.vector_load %arg8[%get3A] {strides = array<i32>} : memref<512xi32, #tpu.memory_space<vmem>>, vector<16xi32>,
      %mul3A_37 = arith.constant 2 : i32
      %mul3A_38 = arith.muli %mul3A_37, %scan3A_29 : i32
      %add3A_39 = arith.constant 0 : i32
      %add3A_40 = arith.addi %mul3A_38, %add3A_39 : i32
      %mul3A_41 = arith.constant 16 : i32
      %mul3A_42 = arith.muli %add3A_40, %mul3A_41 : i32
      %get3A_43 = arith.index_cast %mul3A_42 : i32 to index
      %get3A_44 = tpu.vector_load %arg9[%get3A_43] {strides = array<i32>} : memref<512xi32, #tpu.memory_space<vmem>>, vector<16xi32>,
      %not3A = arith.constant 127 : i32
      %not3A_45 = arith.constant -1 : i32
      %not3A_46 = arith.xori %not3A, %not3A_45 : i32
      %and3A = vector.broadcast %not3A_46 : i32 to vector<16xi32>
      %and3A_47 = arith.andi %get3A_36, %and3A : vector<16xi32>
      %not3A_48 = arith.constant 127 : i32
      %not3A_49 = arith.constant -1 : i32
      %not3A_50 = arith.xori %not3A_48, %not3A_49 : i32
      %and3A_51 = vector.broadcast %not3A_50 : i32 to vector<16xi32>
      %and3A_52 = arith.andi %get3A_44, %and3A_51 : vector<16xi32>
      %slice3A = vector.extract_strided_slice %and3A_47 {offsets = [0], sizes = [1], strides = [1]} : vector<16xi32> to vector<1xi32>
      %squeeze3A = vector.extract %slice3A[0] : i32 from vector<1xi32>
      %multiple_of3A = tpu.assume_multiple %squeeze3A, 128 : i32
      %slice3A_53 = vector.extract_strided_slice %and3A_52 {offsets = [0], sizes = [1], strides = [1]} : vector<16xi32> to vector<1xi32>
      %squeeze3A_54 = vector.extract %slice3A_53[0] : i32 from vector<1xi32>
      %multiple_of3A_55 = tpu.assume_multiple %squeeze3A_54, 128 : i32
      %dma_start3A_56 = arith.constant 0 : i32
      %dma_start3A_57 = arith.constant 0 : i32
      %dma_start3A_58 = arith.constant 0 : i32
      %dma_start3A_59 = tpu.memref_slice %arg10[%dma_start3A_56, %dma_start3A_57, %dma_start3A_58] : memref<32x8x128xf32, #tpu.memory_space<vmem>> -> memref<1x8x128xf32, #tpu.memory_space<vmem>>
      %dma_start3A_60 = tpu.memref_squeeze %dma_start3A_59 : memref<1x8x128xf32, #tpu.memory_space<vmem>> -> memref<8x128xf32, #tpu.memory_space<vmem>>
      %dma_start3A_61 = arith.constant 0 : i32
      %dma_start3A_62 = tpu.memref_slice %arg4[%dma_start3A_61, %multiple_of3A] : memref<8x1000000xf32, #tpu.memory_space<hbm>> -> memref<8x128xf32, #tpu.memory_space<hbm>>
      %dma_start3A_63 = arith.constant 0 : i32
      %dma_start3A_64 = arith.constant 0 : i32
      %dma_start3A_65 = tpu.memref_slice %arg10[%dma_start3A_56, %dma_start3A_63, %dma_start3A_64] : memref<32x8x128xf32, #tpu.memory_space<vmem>> -> memref<1x8x128xf32, #tpu.memory_space<vmem>>
      %dma_start3A_66 = tpu.memref_squeeze %dma_start3A_65 : memref<1x8x128xf32, #tpu.memory_space<vmem>> -> memref<8x128xf32, #tpu.memory_space<vmem>>
      %dma_start3A_67 = arith.constant 0 : i32
      %dma_start3A_68 = tpu.memref_slice %arg4[%dma_start3A_67, %multiple_of3A] : memref<8x1000000xf32, #tpu.memory_space<hbm>> -> memref<8x128xf32, #tpu.memory_space<hbm>>
      tpu.enqueue_dma source(%dma_start3A_68 : memref<8x128xf32, #tpu.memory_space<hbm>>) target(%dma_start3A_66 : memref<8x128xf32, #tpu.memory_space<vmem>>) target_semaphore(%arg15 : memref<!tpu.dma_semaphore, #tpu.memory_space<semaphore_mem>>)
      %dma_start3A_69 = arith.constant 0 : i32
      %dma_start3A_70 = arith.constant 0 : i32
      %dma_start3A_71 = arith.constant 0 : i32
      %dma_start3A_72 = tpu.memref_slice %arg11[%dma_start3A_69, %dma_start3A_70, %dma_start3A_71] : memref<32x8x128xf32, #tpu.memory_space<vmem>> -> memref<1x8x128xf32, #tpu.memory_space<vmem>>
      %dma_start3A_73 = tpu.memref_squeeze %dma_start3A_72 : memref<1x8x128xf32, #tpu.memory_space<vmem>> -> memref<8x128xf32, #tpu.memory_space<vmem>>
      %dma_start3A_74 = arith.constant 0 : i32
      %dma_start3A_75 = tpu.memref_slice %arg5[%dma_start3A_74, %multiple_of3A_55] : memref<8x1000000xf32, #tpu.memory_space<hbm>> -> memref<8x128xf32, #tpu.memory_space<hbm>>
      %dma_start3A_76 = arith.constant 0 : i32
      %dma_start3A_77 = arith.constant 0 : i32
      %dma_start3A_78 = tpu.memref_slice %arg11[%dma_start3A_69, %dma_start3A_76, %dma_start3A_77] : memref<32x8x128xf32, #tpu.memory_space<vmem>> -> memref<1x8x128xf32, #tpu.memory_space<vmem>>
      %dma_start3A_79 = tpu.memref_squeeze %dma_start3A_78 : memref<1x8x128xf32, #tpu.memory_space<vmem>> -> memref<8x128xf32, #tpu.memory_space<vmem>>
      %dma_start3A_80 = arith.constant 0 : i32
      %dma_start3A_81 = tpu.memref_slice %arg5[%dma_start3A_80, %multiple_of3A_55] : memref<8x1000000xf32, #tpu.memory_space<hbm>> -> memref<8x128xf32, #tpu.memory_space<hbm>>
      tpu.enqueue_dma source(%dma_start3A_81 : memref<8x128xf32, #tpu.memory_space<hbm>>) target(%dma_start3A_79 : memref<8x128xf32, #tpu.memory_space<vmem>>) target_semaphore(%arg15 : memref<!tpu.dma_semaphore, #tpu.memory_space<semaphore_mem>>)
      %slice3A_82 = vector.extract_strided_slice %and3A_47 {offsets = [1], sizes = [1], strides = [1]} : vector<16xi32> to vector<1xi32>
      %squeeze3A_83 = vector.extract %slice3A_82[0] : i32 from vector<1xi32>
      %multiple_of3A_84 = tpu.assume_multiple %squeeze3A_83, 128 : i32
      %slice3A_85 = vector.extract_strided_slice %and3A_52 {offsets = [1], sizes = [1], strides = [1]} : vector<16xi32> to vector<1xi32>
      %squeeze3A_86 = vector.extract %slice3A_85[0] : i32 from vector<1xi32>
      %multiple_of3A_87 = tpu.assume_multiple %squeeze3A_86, 128 : i32
      %dma_start3A_88 = arith.constant 1 : i32
      %dma_start3A_89 = arith.constant 0 : i32
      %dma_start3A_90 = arith.constant 0 : i32
      %dma_start3A_91 = tpu.memref_slice %arg10[%dma_start3A_88, %dma_start3A_89, %dma_start3A_90] : memref<32x8x128xf32, #tpu.memory_space<vmem>> -> memref<1x8x128xf32, #tpu.memory_space<vmem>>
      %dma_start3A_92 = tpu.memref_squeeze %dma_start3A_91 : memref<1x8x128xf32, #tpu.memory_space<vmem>> -> memref<8x128xf32, #tpu.memory_space<vmem>>
      %dma_start3A_93 = arith.constant 0 : i32
      %dma_start3A_94 = tpu.memref_slice %arg4[%dma_start3A_93, %multiple_of3A_84] : memref<8x1000000xf32, #tpu.memory_space<hbm>> -> memref<8x128xf32, #tpu.memory_space<hbm>>
      %dma_start3A_95 = arith.constant 0 : i32
      %dma_start3A_96 = arith.constant 0 : i32
      %dma_start3A_97 = tpu.memref_slice %arg10[%dma_start3A_88, %dma_start3A_95, %dma_start3A_96] : memref<32x8x128xf32, #tpu.memory_space<vmem>> -> memref<1x8x128xf32, #tpu.memory_space<vmem>>
      %dma_start3A_98 = tpu.memref_squeeze %dma_start3A_97 : memref<1x8x128xf32, #tpu.memory_space<vmem>> -> memref<8x128xf32, #tpu.memory_space<vmem>>
      %dma_start3A_99 = arith.constant 0 : i32
      %dma_start3A_100 = tpu.memref_slice %arg4[%dma_start3A_99, %multiple_of3A_84] : memref<8x1000000xf32, #tpu.memory_space<hbm>> -> memref<8x128xf32, #tpu.memory_space<hbm>>
      tpu.enqueue_dma source(%dma_start3A_100 : memref<8x128xf32, #tpu.memory_space<hbm>>) target(%dma_start3A_98 : memref<8x128xf32, #tpu.memory_space<vmem>>) target_semaphore(%arg15 : memref<!tpu.dma_semaphore, #tpu.memory_space<semaphore_mem>>)
      %dma_start3A_101 = arith.constant 1 : i32
      %dma_start3A_102 = arith.constant 0 : i32
      %dma_start3A_103 = arith.constant 0 : i32
      %dma_start3A_104 = tpu.memref_slice %arg11[%dma_start3A_101, %dma_start3A_102, %dma_start3A_103] : memref<32x8x128xf32, #tpu.memory_space<vmem>> -> memref<1x8x128xf32, #tpu.memory_space<vmem>>
      %dma_start3A_105 = tpu.memref_squeeze %dma_start3A_104 : memref<1x8x128xf32, #tpu.memory_space<vmem>> -> memref<8x128xf32, #tpu.memory_space<vmem>>
      %dma_start3A_106 = arith.constant 0 : i32
      %dma_start3A_107 = tpu.memref_slice %arg5[%dma_start3A_106, %multiple_of3A_87] : memref<8x1000000xf32, #tpu.memory_space<hbm>> -> memref<8x128xf32, #tpu.memory_space<hbm>>
      %dma_start3A_108 = arith.constant 0 : i32
      %dma_start3A_109 = arith.constant 0 : i32
      %dma_start3A_110 = tpu.memref_slice %arg11[%dma_start3A_101, %dma_start3A_108, %dma_start3A_109] : memref<32x8x128xf32, #tpu.memory_space<vmem>> -> memref<1x8x128xf32, #tpu.memory_space<vmem>>
      %dma_start3A_111 = tpu.memref_squeeze %dma_start3A_110 : memref<1x8x128xf32, #tpu.memory_space<vmem>> -> memref<8x128xf32, #tpu.memory_space<vmem>>
      %dma_start3A_112 = arith.constant 0 : i32
      %dma_start3A_113 = tpu.memref_slice %arg5[%dma_start3A_112, %multiple_of3A_87] : memref<8x1000000xf32, #tpu.memory_space<hbm>> -> memref<8x128xf32, #tpu.memory_space<hbm>>
      tpu.enqueue_dma source(%dma_start3A_113 : memref<8x128xf32, #tpu.memory_space<hbm>>) target(%dma_start3A_111 : memref<8x128xf32, #tpu.memory_space<vmem>>) target_semaphore(%arg15 : memref<!tpu.dma_semaphore, #tpu.memory_space<semaphore_mem>>)
      %slice3A_114 = vector.extract_strided_slice %and3A_47 {offsets = [2], sizes = [1], strides = [1]} : vector<16xi32> to vector<1xi32>
      %squeeze3A_115 = vector.extract %slice3A_114[0] : i32 from vector<1xi32>
      %multiple_of3A_116 = tpu.assume_multiple %squeeze3A_115, 128 : i32
      %slice3A_117 = vector.extract_strided_slice %and3A_52 {offsets = [2], sizes = [1], strides = [1]} : vector<16xi32> to vector<1xi32>
      %squeeze3A_118 = vector.extract %slice3A_117[0] : i32 from vector<1xi32>
      %multiple_of3A_119 = tpu.assume_multiple %squeeze3A_118, 128 : i32
      %dma_start3A_120 = arith.constant 2 : i32
      %dma_start3A_121 = arith.constant 0 : i32
      %dma_start3A_122 = arith.constant 0 : i32
      %dma_start3A_123 = tpu.memref_slice %arg10[%dma_start3A_120, %dma_start3A_121, %dma_start3A_122] : memref<32x8x128xf32, #tpu.memory_space<vmem>> -> memref<1x8x128xf32, #tpu.memory_space<vmem>>
      %dma_start3A_124 = tpu.memref_squeeze %dma_start3A_123 : memref<1x8x128xf32, #tpu.memory_space<vmem>> -> memref<8x128xf32, #tpu.memory_space<vmem>>
      %dma_start3A_125 = arith.constant 0 : i32
      %dma_start3A_126 = tpu.memref_slice %arg4[%dma_start3A_125, %multiple_of3A_116] : memref<8x1000000xf32, #tpu.memory_space<hbm>> -> memref<8x128xf32, #tpu.memory_space<hbm>>
      %dma_start3A_127 = arith.constant 0 : i32
      %dma_start3A_128 = arith.constant 0 : i32
      %dma_start3A_129 = tpu.memref_slice %arg10[%dma_start3A_120, %dma_start3A_127, %dma_start3A_128] : memref<32x8x128xf32, #tpu.memory_space<vmem>> -> memref<1x8x128xf32, #tpu.memory_space<vmem>>
      %dma_start3A_130 = tpu.memref_squeeze %dma_start3A_129 : memref<1x8x128xf32, #tpu.memory_space<vmem>> -> memref<8x128xf32, #tpu.memory_space<vmem>>
      %dma_start3A_131 = arith.constant 0 : i32
      %dma_start3A_132 = tpu.memref_slice %arg4[%dma_start3A_131, %multiple_of3A_116] : memref<8x1000000xf32, #tpu.memory_space<hbm>> -> memref<8x128xf32, #tpu.memory_space<hbm>>
      tpu.enqueue_dma source(%dma_start3A_132 : memref<8x128xf32, #tpu.memory_space<hbm>>) target(%dma_start3A_130 : memref<8x128xf32, #tpu.memory_space<vmem>>) target_semaphore(%arg15 : memref<!tpu.dma_semaphore, #tpu.memory_space<semaphore_mem>>)
      %dma_start3A_133 = arith.constant 2 : i32
      %dma_start3A_134 = arith.constant 0 : i32
      %dma_start3A_135 = arith.constant 0 : i32
      %dma_start3A_136 = tpu.memref_slice %arg11[%dma_start3A_133, %dma_start3A_134, %dma_start3A_135] : memref<32x8x128xf32, #tpu.memory_space<vmem>> -> memref<1x8x128xf32, #tpu.memory_space<vmem>>
      %dma_start3A_137 = tpu.memref_squeeze %dma_start3A_136 : memref<1x8x128xf32, #tpu.memory_space<vmem>> -> memref<8x128xf32, #tpu.memory_space<vmem>>
      %dma_start3A_138 = arith.constant 0 : i32
      %dma_start3A_139 = tpu.memref_slice %arg5[%dma_start3A_138, %multiple_of3A_119] : memref<8x1000000xf32, #tpu.memory_space<hbm>> -> memref<8x128xf32, #tpu.memory_space<hbm>>
      %dma_start3A_140 = arith.constant 0 : i32
      %dma_start3A_141 = arith.constant 0 : i32
      %dma_start3A_142 = tpu.memref_slice %arg11[%dma_start3A_133, %dma_start3A_140, %dma_start3A_141] : memref<32x8x128xf32, #tpu.memory_space<vmem>> -> memref<1x8x128xf32, #tpu.memory_space<vmem>>
      %dma_start3A_143 = tpu.memref_squeeze %dma_start3A_142 : memref<1x8x128xf32, #tpu.memory_space<vmem>> -> memref<8x128xf32, #tpu.memory_space<vmem>>
      %dma_start3A_144 = arith.constant 0 : i32
      %dma_start3A_145 = tpu.memref_slice %arg5[%dma_start3A_144, %multiple_of3A_119] : memref<8x1000000xf32, #tpu.memory_space<hbm>> -> memref<8x128xf32, #tpu.memory_space<hbm>>
      tpu.enqueue_dma source(%dma_start3A_145 : memref<8x128xf32, #tpu.memory_space<hbm>>) target(%dma_start3A_143 : memref<8x128xf32, #tpu.memory_space<vmem>>) target_semaphore(%arg15 : memref<!tpu.dma_semaphore, #tpu.memory_space<semaphore_mem>>)
      %slice3A_146 = vector.extract_strided_slice %and3A_47 {offsets = [3], sizes = [1], strides = [1]} : vector<16xi32> to vector<1xi32>
      %squeeze3A_147 = vector.extract %slice3A_146[0] : i32 from vector<1xi32>
      %multiple_of3A_148 = tpu.assume_multiple %squeeze3A_147, 128 : i32
      %slice3A_149 = vector.extract_strided_slice %and3A_52 {offsets = [3], sizes = [1], strides = [1]} : vector<16xi32> to vector<1xi32>
      %squeeze3A_150 = vector.extract %slice3A_149[0] : i32 from vector<1xi32>
      %multiple_of3A_151 = tpu.assume_multiple %squeeze3A_150, 128 : i32
      %dma_start3A_152 = arith.constant 3 : i32
      %dma_start3A_153 = arith.constant 0 : i32
      %dma_start3A_154 = arith.constant 0 : i32
      %dma_start3A_155 = tpu.memref_slice %arg10[%dma_start3A_152, %dma_start3A_153, %dma_start3A_154] : memref<32x8x128xf32, #tpu.memory_space<vmem>> -> memref<1x8x128xf32, #tpu.memory_space<vmem>>
      %dma_start3A_156 = tpu.memref_squeeze %dma_start3A_155 : memref<1x8x128xf32, #tpu.memory_space<vmem>> -> memref<8x128xf32, #tpu.memory_space<vmem>>
      %dma_start3A_157 = arith.constant 0 : i32
      %dma_start3A_158 = tpu.memref_slice %arg4[%dma_start3A_157, %multiple_of3A_148] : memref<8x1000000xf32, #tpu.memory_space<hbm>> -> memref<8x128xf32, #tpu.memory_space<hbm>>
      %dma_start3A_159 = arith.constant 0 : i32
      %dma_start3A_160 = arith.constant 0 : i32
      %dma_start3A_161 = tpu.memref_slice %arg10[%dma_start3A_152, %dma_start3A_159, %dma_start3A_160] : memref<32x8x128xf32, #tpu.memory_space<vmem>> -> memref<1x8x128xf32, #tpu.memory_space<vmem>>
      %dma_start3A_162 = tpu.memref_squeeze %dma_start3A_161 : memref<1x8x128xf32, #tpu.memory_space<vmem>> -> memref<8x128xf32, #tpu.memory_space<vmem>>
      %dma_start3A_163 = arith.constant 0 : i32
      %dma_start3A_164 = tpu.memref_slice %arg4[%dma_start3A_163, %multiple_of3A_148] : memref<8x1000000xf32, #tpu.memory_space<hbm>> -> memref<8x128xf32, #tpu.memory_space<hbm>>
      tpu.enqueue_dma source(%dma_start3A_164 : memref<8x128xf32, #tpu.memory_space<hbm>>) target(%dma_start3A_162 : memref<8x128xf32, #tpu.memory_space<vmem>>) target_semaphore(%arg15 : memref<!tpu.dma_semaphore, #tpu.memory_space<semaphore_mem>>)
      %dma_start3A_165 = arith.constant 3 : i32
      %dma_start3A_166 = arith.constant 0 : i32
      %dma_start3A_167 = arith.constant 0 : i32
      %dma_start3A_168 = tpu.memref_slice %arg11[%dma_start3A_165, %dma_start3A_166, %dma_start3A_167] : memref<32x8x128xf32, #tpu.memory_space<vmem>> -> memref<1x8x128xf32, #tpu.memory_space<vmem>>
      %dma_start3A_169 = tpu.memref_squeeze %dma_start3A_168 : memref<1x8x128xf32, #tpu.memory_space<vmem>> -> memref<8x128xf32, #tpu.memory_space<vmem>>
      %dma_start3A_170 = arith.constant 0 : i32
      %dma_start3A_171 = tpu.memref_slice %arg5[%dma_start3A_170, %multiple_of3A_151] : memref<8x1000000xf32, #tpu.memory_space<hbm>> -> memref<8x128xf32, #tpu.memory_space<hbm>>
      %dma_start3A_172 = arith.constant 0 : i32
      %dma_start3A_173 = arith.constant 0 : i32
      %dma_start3A_174 = tpu.memref_slice %arg11[%dma_start3A_165, %dma_start3A_172, %dma_start3A_173] : memref<32x8x128xf32, #tpu.memory_space<vmem>> -> memref<1x8x128xf32, #tpu.memory_space<vmem>>
      %dma_start3A_175 = tpu.memref_squeeze %dma_start3A_174 : memref<1x8x128xf32, #tpu.memory_space<vmem>> -> memref<8x128xf32, #tpu.memory_space<vmem>>
      %dma_start3A_176 = arith.constant 0 : i32
      %dma_start3A_177 = tpu.memref_slice %arg5[%dma_start3A_176, %multiple_of3A_151] : memref<8x1000000xf32, #tpu.memory_space<hbm>> -> memref<8x128xf32, #tpu.memory_space<hbm>>
      tpu.enqueue_dma source(%dma_start3A_177 : memref<8x128xf32, #tpu.memory_space<hbm>>) target(%dma_start3A_175 : memref<8x128xf32, #tpu.memory_space<vmem>>) target_semaphore(%arg15 : memref<!tpu.dma_semaphore, #tpu.memory_space<semaphore_mem>>)
      %slice3A_178 = vector.extract_strided_slice %and3A_47 {offsets = [4], sizes = [1], strides = [1]} : vector<16xi32> to vector<1xi32>
      %squeeze3A_179 = vector.extract %slice3A_178[0] : i32 from vector<1xi32>
      %multiple_of3A_180 = tpu.assume_multiple %squeeze3A_179, 128 : i32
      %slice3A_181 = vector.extract_strided_slice %and3A_52 {offsets = [4], sizes = [1], strides = [1]} : vector<16xi32> to vector<1xi32>
      %squeeze3A_182 = vector.extract %slice3A_181[0] : i32 from vector<1xi32>
      %multiple_of3A_183 = tpu.assume_multiple %squeeze3A_182, 128 : i32
      %dma_start3A_184 = arith.constant 4 : i32
      %dma_start3A_185 = arith.constant 0 : i32
      %dma_start3A_186 = arith.constant 0 : i32
      %dma_start3A_187 = tpu.memref_slice %arg10[%dma_start3A_184, %dma_start3A_185, %dma_start3A_186] : memref<32x8x128xf32, #tpu.memory_space<vmem>> -> memref<1x8x128xf32, #tpu.memory_space<vmem>>
      %dma_start3A_188 = tpu.memref_squeeze %dma_start3A_187 : memref<1x8x128xf32, #tpu.memory_space<vmem>> -> memref<8x128xf32, #tpu.memory_space<vmem>>
      %dma_start3A_189 = arith.constant 0 : i32
      %dma_start3A_190 = tpu.memref_slice %arg4[%dma_start3A_189, %multiple_of3A_180] : memref<8x1000000xf32, #tpu.memory_space<hbm>> -> memref<8x128xf32, #tpu.memory_space<hbm>>
      %dma_start3A_191 = arith.constant 0 : i32
      %dma_start3A_192 = arith.constant 0 : i32
      %dma_start3A_193 = tpu.memref_slice %arg10[%dma_start3A_184, %dma_start3A_191, %dma_start3A_192] : memref<32x8x128xf32, #tpu.memory_space<vmem>> -> memref<1x8x128xf32, #tpu.memory_space<vmem>>
      %dma_start3A_194 = tpu.memref_squeeze %dma_start3A_193 : memref<1x8x128xf32, #tpu.memory_space<vmem>> -> memref<8x128xf32, #tpu.memory_space<vmem>>
      %dma_start3A_195 = arith.constant 0 : i32
      %dma_start3A_196 = tpu.memref_slice %arg4[%dma_start3A_195, %multiple_of3A_180] : memref<8x1000000xf32, #tpu.memory_space<hbm>> -> memref<8x128xf32, #tpu.memory_space<hbm>>
      tpu.enqueue_dma source(%dma_start3A_196 : memref<8x128xf32, #tpu.memory_space<hbm>>) target(%dma_start3A_194 : memref<8x128xf32, #tpu.memory_space<vmem>>) target_semaphore(%arg15 : memref<!tpu.dma_semaphore, #tpu.memory_space<semaphore_mem>>)
      %dma_start3A_197 = arith.constant 4 : i32
      %dma_start3A_198 = arith.constant 0 : i32
      %dma_start3A_199 = arith.constant 0 : i32
      %dma_start3A_200 = tpu.memref_slice %arg11[%dma_start3A_197, %dma_start3A_198, %dma_start3A_199] : memref<32x8x128xf32, #tpu.memory_space<vmem>> -> memref<1x8x128xf32, #tpu.memory_space<vmem>>
      %dma_start3A_201 = tpu.memref_squeeze %dma_start3A_200 : memref<1x8x128xf32, #tpu.memory_space<vmem>> -> memref<8x128xf32, #tpu.memory_space<vmem>>
      %dma_start3A_202 = arith.constant 0 : i32
      %dma_start3A_203 = tpu.memref_slice %arg5[%dma_start3A_202, %multiple_of3A_183] : memref<8x1000000xf32, #tpu.memory_space<hbm>> -> memref<8x128xf32, #tpu.memory_space<hbm>>
      %dma_start3A_204 = arith.constant 0 : i32
      %dma_start3A_205 = arith.constant 0 : i32
      %dma_start3A_206 = tpu.memref_slice %arg11[%dma_start3A_197, %dma_start3A_204, %dma_start3A_205] : memref<32x8x128xf32, #tpu.memory_space<vmem>> -> memref<1x8x128xf32, #tpu.memory_space<vmem>>
      %dma_start3A_207 = tpu.memref_squeeze %dma_start3A_206 : memref<1x8x128xf32, #tpu.memory_space<vmem>> -> memref<8x128xf32, #tpu.memory_space<vmem>>
      %dma_start3A_208 = arith.constant 0 : i32
      %dma_start3A_209 = tpu.memref_slice %arg5[%dma_start3A_208, %multiple_of3A_183] : memref<8x1000000xf32, #tpu.memory_space<hbm>> -> memref<8x128xf32, #tpu.memory_space<hbm>>
      tpu.enqueue_dma source(%dma_start3A_209 : memref<8x128xf32, #tpu.memory_space<hbm>>) target(%dma_start3A_207 : memref<8x128xf32, #tpu.memory_space<vmem>>) target_semaphore(%arg15 : memref<!tpu.dma_semaphore, #tpu.memory_space<semaphore_mem>>)
      %slice3A_210 = vector.extract_strided_slice %and3A_47 {offsets = [5], sizes = [1], strides = [1]} : vector<16xi32> to vector<1xi32>
      %squeeze3A_211 = vector.extract %slice3A_210[0] : i32 from vector<1xi32>
      %multiple_of3A_212 = tpu.assume_multiple %squeeze3A_211, 128 : i32
      %slice3A_213 = vector.extract_strided_slice %and3A_52 {offsets = [5], sizes = [1], strides = [1]} : vector<16xi32> to vector<1xi32>
      %squeeze3A_214 = vector.extract %slice3A_213[0] : i32 from vector<1xi32>
      %multiple_of3A_215 = tpu.assume_multiple %squeeze3A_214, 128 : i32
      %dma_start3A_216 = arith.constant 5 : i32
      %dma_start3A_217 = arith.constant 0 : i32
      %dma_start3A_218 = arith.constant 0 : i32
      %dma_start3A_219 = tpu.memref_slice %arg10[%dma_start3A_216, %dma_start3A_217, %dma_start3A_218] : memref<32x8x128xf32, #tpu.memory_space<vmem>> -> memref<1x8x128xf32, #tpu.memory_space<vmem>>
      %dma_start3A_220 = tpu.memref_squeeze %dma_start3A_219 : memref<1x8x128xf32, #tpu.memory_space<vmem>> -> memref<8x128xf32, #tpu.memory_space<vmem>>
      %dma_start3A_221 = arith.constant 0 : i32
      %dma_start3A_222 = tpu.memref_slice %arg4[%dma_start3A_221, %multiple_of3A_212] : memref<8x1000000xf32, #tpu.memory_space<hbm>> -> memref<8x128xf32, #tpu.memory_space<hbm>>
      %dma_start3A_223 = arith.constant 0 : i32
      %dma_start3A_224 = arith.constant 0 : i32
      %dma_start3A_225 = tpu.memref_slice %arg10[%dma_start3A_216, %dma_start3A_223, %dma_start3A_224] : memref<32x8x128xf32, #tpu.memory_space<vmem>> -> memref<1x8x128xf32, #tpu.memory_space<vmem>>
      %dma_start3A_226 = tpu.memref_squeeze %dma_start3A_225 : memref<1x8x128xf32, #tpu.memory_space<vmem>> -> memref<8x128xf32, #tpu.memory_space<vmem>>
      %dma_start3A_227 = arith.constant 0 : i32
      %dma_start3A_228 = tpu.memref_slice %arg4[%dma_start3A_227, %multiple_of3A_212] : memref<8x1000000xf32, #tpu.memory_space<hbm>> -> memref<8x128xf32, #tpu.memory_space<hbm>>
      tpu.enqueue_dma source(%dma_start3A_228 : memref<8x128xf32, #tpu.memory_space<hbm>>) target(%dma_start3A_226 : memref<8x128xf32, #tpu.memory_space<vmem>>) target_semaphore(%arg15 : memref<!tpu.dma_semaphore, #tpu.memory_space<semaphore_mem>>)
      %dma_start3A_229 = arith.constant 5 : i32
      %dma_start3A_230 = arith.constant 0 : i32
      %dma_start3A_231 = arith.constant 0 : i32
      %dma_start3A_232 = tpu.memref_slice %arg11[%dma_start3A_229, %dma_start3A_230, %dma_start3A_231] : memref<32x8x128xf32, #tpu.memory_space<vmem>> -> memref<1x8x128xf32, #tpu.memory_space<vmem>>
      %dma_start3A_233 = tpu.memref_squeeze %dma_start3A_232 : memref<1x8x128xf32, #tpu.memory_space<vmem>> -> memref<8x128xf32, #tpu.memory_space<vmem>>
      %dma_start3A_234 = arith.constant 0 : i32
      %dma_start3A_235 = tpu.memref_slice %arg5[%dma_start3A_234, %multiple_of3A_215] : memref<8x1000000xf32, #tpu.memory_space<hbm>> -> memref<8x128xf32, #tpu.memory_space<hbm>>
      %dma_start3A_236 = arith.constant 0 : i32
      %dma_start3A_237 = arith.constant 0 : i32
      %dma_start3A_238 = tpu.memref_slice %arg11[%dma_start3A_229, %dma_start3A_236, %dma_start3A_237] : memref<32x8x128xf32, #tpu.memory_space<vmem>> -> memref<1x8x128xf32, #tpu.memory_space<vmem>>
      %dma_start3A_239 = tpu.memref_squeeze %dma_start3A_238 : memref<1x8x128xf32, #tpu.memory_space<vmem>> -> memref<8x128xf32, #tpu.memory_space<vmem>>
      %dma_start3A_240 = arith.constant 0 : i32
      %dma_start3A_241 = tpu.memref_slice %arg5[%dma_start3A_240, %multiple_of3A_215] : memref<8x1000000xf32, #tpu.memory_space<hbm>> -> memref<8x128xf32, #tpu.memory_space<hbm>>
      tpu.enqueue_dma source(%dma_start3A_241 : memref<8x128xf32, #tpu.memory_space<hbm>>) target(%dma_start3A_239 : memref<8x128xf32, #tpu.memory_space<vmem>>) target_semaphore(%arg15 : memref<!tpu.dma_semaphore, #tpu.memory_space<semaphore_mem>>)
      %slice3A_242 = vector.extract_strided_slice %and3A_47 {offsets = [6], sizes = [1], strides = [1]} : vector<16xi32> to vector<1xi32>
      %squeeze3A_243 = vector.extract %slice3A_242[0] : i32 from vector<1xi32>
      %multiple_of3A_244 = tpu.assume_multiple %squeeze3A_243, 128 : i32
      %slice3A_245 = vector.extract_strided_slice %and3A_52 {offsets = [6], sizes = [1], strides = [1]} : vector<16xi32> to vector<1xi32>
      %squeeze3A_246 = vector.extract %slice3A_245[0] : i32 from vector<1xi32>
      %multiple_of3A_247 = tpu.assume_multiple %squeeze3A_246, 128 : i32
      %dma_start3A_248 = arith.constant 6 : i32
      %dma_start3A_249 = arith.constant 0 : i32
      %dma_start3A_250 = arith.constant 0 : i32
      %dma_start3A_251 = tpu.memref_slice %arg10[%dma_start3A_248, %dma_start3A_249, %dma_start3A_250] : memref<32x8x128xf32, #tpu.memory_space<vmem>> -> memref<1x8x128xf32, #tpu.memory_space<vmem>>
      %dma_start3A_252 = tpu.memref_squeeze %dma_start3A_251 : memref<1x8x128xf32, #tpu.memory_space<vmem>> -> memref<8x128xf32, #tpu.memory_space<vmem>>
      %dma_start3A_253 = arith.constant 0 : i32
      %dma_start3A_254 = tpu.memref_slice %arg4[%dma_start3A_253, %multiple_of3A_244] : memref<8x1000000xf32, #tpu.memory_space<hbm>> -> memref<8x128xf32, #tpu.memory_space<hbm>>
      %dma_start3A_255 = arith.constant 0 : i32
      %dma_start3A_256 = arith.constant 0 : i32
      %dma_start3A_257 = tpu.memref_slice %arg10[%dma_start3A_248, %dma_start3A_255, %dma_start3A_256] : memref<32x8x128xf32, #tpu.memory_space<vmem>> -> memref<1x8x128xf32, #tpu.memory_space<vmem>>
      %dma_start3A_258 = tpu.memref_squeeze %dma_start3A_257 : memref<1x8x128xf32, #tpu.memory_space<vmem>> -> memref<8x128xf32, #tpu.memory_space<vmem>>
      %dma_start3A_259 = arith.constant 0 : i32
      %dma_start3A_260 = tpu.memref_slice %arg4[%dma_start3A_259, %multiple_of3A_244] : memref<8x1000000xf32, #tpu.memory_space<hbm>> -> memref<8x128xf32, #tpu.memory_space<hbm>>
      tpu.enqueue_dma source(%dma_start3A_260 : memref<8x128xf32, #tpu.memory_space<hbm>>) target(%dma_start3A_258 : memref<8x128xf32, #tpu.memory_space<vmem>>) target_semaphore(%arg15 : memref<!tpu.dma_semaphore, #tpu.memory_space<semaphore_mem>>)
      %dma_start3A_261 = arith.constant 6 : i32
      %dma_start3A_262 = arith.constant 0 : i32
      %dma_start3A_263 = arith.constant 0 : i32
      %dma_start3A_264 = tpu.memref_slice %arg11[%dma_start3A_261, %dma_start3A_262, %dma_start3A_263] : memref<32x8x128xf32, #tpu.memory_space<vmem>> -> memref<1x8x128xf32, #tpu.memory_space<vmem>>
      %dma_start3A_265 = tpu.memref_squeeze %dma_start3A_264 : memref<1x8x128xf32, #tpu.memory_space<vmem>> -> memref<8x128xf32, #tpu.memory_space<vmem>>
      %dma_start3A_266 = arith.constant 0 : i32
      %dma_start3A_267 = tpu.memref_slice %arg5[%dma_start3A_266, %multiple_of3A_247] : memref<8x1000000xf32, #tpu.memory_space<hbm>> -> memref<8x128xf32, #tpu.memory_space<hbm>>
      %dma_start3A_268 = arith.constant 0 : i32
      %dma_start3A_269 = arith.constant 0 : i32
      %dma_start3A_270 = tpu.memref_slice %arg11[%dma_start3A_261, %dma_start3A_268, %dma_start3A_269] : memref<32x8x128xf32, #tpu.memory_space<vmem>> -> memref<1x8x128xf32, #tpu.memory_space<vmem>>
      %dma_start3A_271 = tpu.memref_squeeze %dma_start3A_270 : memref<1x8x128xf32, #tpu.memory_space<vmem>> -> memref<8x128xf32, #tpu.memory_space<vmem>>
      %dma_start3A_272 = arith.constant 0 : i32
      %dma_start3A_273 = tpu.memref_slice %arg5[%dma_start3A_272, %multiple_of3A_247] : memref<8x1000000xf32, #tpu.memory_space<hbm>> -> memref<8x128xf32, #tpu.memory_space<hbm>>
      tpu.enqueue_dma source(%dma_start3A_273 : memref<8x128xf32, #tpu.memory_space<hbm>>) target(%dma_start3A_271 : memref<8x128xf32, #tpu.memory_space<vmem>>) target_semaphore(%arg15 : memref<!tpu.dma_semaphore, #tpu.memory_space<semaphore_mem>>)
      %slice3A_274 = vector.extract_strided_slice %and3A_47 {offsets = [7], sizes = [1], strides = [1]} : vector<16xi32> to vector<1xi32>
      %squeeze3A_275 = vector.extract %slice3A_274[0] : i32 from vector<1xi32>
      %multiple_of3A_276 = tpu.assume_multiple %squeeze3A_275, 128 : i32
      %slice3A_277 = vector.extract_strided_slice %and3A_52 {offsets = [7], sizes = [1], strides = [1]} : vector<16xi32> to vector<1xi32>
      %squeeze3A_278 = vector.extract %slice3A_277[0] : i32 from vector<1xi32>
      %multiple_of3A_279 = tpu.assume_multiple %squeeze3A_278, 128 : i32
      %dma_start3A_280 = arith.constant 7 : i32
      %dma_start3A_281 = arith.constant 0 : i32
      %dma_start3A_282 = arith.constant 0 : i32
      %dma_start3A_283 = tpu.memref_slice %arg10[%dma_start3A_280, %dma_start3A_281, %dma_start3A_282] : memref<32x8x128xf32, #tpu.memory_space<vmem>> -> memref<1x8x128xf32, #tpu.memory_space<vmem>>
      %dma_start3A_284 = tpu.memref_squeeze %dma_start3A_283 : memref<1x8x128xf32, #tpu.memory_space<vmem>> -> memref<8x128xf32, #tpu.memory_space<vmem>>
      %dma_start3A_285 = arith.constant 0 : i32
      %dma_start3A_286 = tpu.memref_slice %arg4[%dma_start3A_285, %multiple_of3A_276] : memref<8x1000000xf32, #tpu.memory_space<hbm>> -> memref<8x128xf32, #tpu.memory_space<hbm>>
      %dma_start3A_287 = arith.constant 0 : i32
      %dma_start3A_288 = arith.constant 0 : i32
      %dma_start3A_289 = tpu.memref_slice %arg10[%dma_start3A_280, %dma_start3A_287, %dma_start3A_288] : memref<32x8x128xf32, #tpu.memory_space<vmem>> -> memref<1x8x128xf32, #tpu.memory_space<vmem>>
      %dma_start3A_290 = tpu.memref_squeeze %dma_start3A_289 : memref<1x8x128xf32, #tpu.memory_space<vmem>> -> memref<8x128xf32, #tpu.memory_space<vmem>>
      %dma_start3A_291 = arith.constant 0 : i32
      %dma_start3A_292 = tpu.memref_slice %arg4[%dma_start3A_291, %multiple_of3A_276] : memref<8x1000000xf32, #tpu.memory_space<hbm>> -> memref<8x128xf32, #tpu.memory_space<hbm>>
      tpu.enqueue_dma source(%dma_start3A_292 : memref<8x128xf32, #tpu.memory_space<hbm>>) target(%dma_start3A_290 : memref<8x128xf32, #tpu.memory_space<vmem>>) target_semaphore(%arg15 : memref<!tpu.dma_semaphore, #tpu.memory_space<semaphore_mem>>)
      %dma_start3A_293 = arith.constant 7 : i32
      %dma_start3A_294 = arith.constant 0 : i32
      %dma_start3A_295 = arith.constant 0 : i32
      %dma_start3A_296 = tpu.memref_slice %arg11[%dma_start3A_293, %dma_start3A_294, %dma_start3A_295] : memref<32x8x128xf32, #tpu.memory_space<vmem>> -> memref<1x8x128xf32, #tpu.memory_space<vmem>>
      %dma_start3A_297 = tpu.memref_squeeze %dma_start3A_296 : memref<1x8x128xf32, #tpu.memory_space<vmem>> -> memref<8x128xf32, #tpu.memory_space<vmem>>
      %dma_start3A_298 = arith.constant 0 : i32
      %dma_start3A_299 = tpu.memref_slice %arg5[%dma_start3A_298, %multiple_of3A_279] : memref<8x1000000xf32, #tpu.memory_space<hbm>> -> memref<8x128xf32, #tpu.memory_space<hbm>>
      %dma_start3A_300 = arith.constant 0 : i32
      %dma_start3A_301 = arith.constant 0 : i32
      %dma_start3A_302 = tpu.memref_slice %arg11[%dma_start3A_293, %dma_start3A_300, %dma_start3A_301] : memref<32x8x128xf32, #tpu.memory_space<vmem>> -> memref<1x8x128xf32, #tpu.memory_space<vmem>>
      %dma_start3A_303 = tpu.memref_squeeze %dma_start3A_302 : memref<1x8x128xf32, #tpu.memory_space<vmem>> -> memref<8x128xf32, #tpu.memory_space<vmem>>
      %dma_start3A_304 = arith.constant 0 : i32
      %dma_start3A_305 = tpu.memref_slice %arg5[%dma_start3A_304, %multiple_of3A_279] : memref<8x1000000xf32, #tpu.memory_space<hbm>> -> memref<8x128xf32, #tpu.memory_space<hbm>>
      tpu.enqueue_dma source(%dma_start3A_305 : memref<8x128xf32, #tpu.memory_space<hbm>>) target(%dma_start3A_303 : memref<8x128xf32, #tpu.memory_space<vmem>>) target_semaphore(%arg15 : memref<!tpu.dma_semaphore, #tpu.memory_space<semaphore_mem>>)
      %slice3A_306 = vector.extract_strided_slice %and3A_47 {offsets = [8], sizes = [1], strides = [1]} : vector<16xi32> to vector<1xi32>
      %squeeze3A_307 = vector.extract %slice3A_306[0] : i32 from vector<1xi32>
      %multiple_of3A_308 = tpu.assume_multiple %squeeze3A_307, 128 : i32
      %slice3A_309 = vector.extract_strided_slice %and3A_52 {offsets = [8], sizes = [1], strides = [1]} : vector<16xi32> to vector<1xi32>
      %squeeze3A_310 = vector.extract %slice3A_309[0] : i32 from vector<1xi32>
      %multiple_of3A_311 = tpu.assume_multiple %squeeze3A_310, 128 : i32
      %dma_start3A_312 = arith.constant 8 : i32
      %dma_start3A_313 = arith.constant 0 : i32
      %dma_start3A_314 = arith.constant 0 : i32
      %dma_start3A_315 = tpu.memref_slice %arg10[%dma_start3A_312, %dma_start3A_313, %dma_start3A_314] : memref<32x8x128xf32, #tpu.memory_space<vmem>> -> memref<1x8x128xf32, #tpu.memory_space<vmem>>
      %dma_start3A_316 = tpu.memref_squeeze %dma_start3A_315 : memref<1x8x128xf32, #tpu.memory_space<vmem>> -> memref<8x128xf32, #tpu.memory_space<vmem>>
      %dma_start3A_317 = arith.constant 0 : i32
      %dma_start3A_318 = tpu.memref_slice %arg4[%dma_start3A_317, %multiple_of3A_308] : memref<8x1000000xf32, #tpu.memory_space<hbm>> -> memref<8x128xf32, #tpu.memory_space<hbm>>
      %dma_start3A_319 = arith.constant 0 : i32
      %dma_start3A_320 = arith.constant 0 : i32
      %dma_start3A_321 = tpu.memref_slice %arg10[%dma_start3A_312, %dma_start3A_319, %dma_start3A_320] : memref<32x8x128xf32, #tpu.memory_space<vmem>> -> memref<1x8x128xf32, #tpu.memory_space<vmem>>
      %dma_start3A_322 = tpu.memref_squeeze %dma_start3A_321 : memref<1x8x128xf32, #tpu.memory_space<vmem>> -> memref<8x128xf32, #tpu.memory_space<vmem>>
      %dma_start3A_323 = arith.constant 0 : i32
      %dma_start3A_324 = tpu.memref_slice %arg4[%dma_start3A_323, %multiple_of3A_308] : memref<8x1000000xf32, #tpu.memory_space<hbm>> -> memref<8x128xf32, #tpu.memory_space<hbm>>
      tpu.enqueue_dma source(%dma_start3A_324 : memref<8x128xf32, #tpu.memory_space<hbm>>) target(%dma_start3A_322 : memref<8x128xf32, #tpu.memory_space<vmem>>) target_semaphore(%arg15 : memref<!tpu.dma_semaphore, #tpu.memory_space<semaphore_mem>>)
      %dma_start3A_325 = arith.constant 8 : i32
      %dma_start3A_326 = arith.constant 0 : i32
      %dma_start3A_327 = arith.constant 0 : i32
      %dma_start3A_328 = tpu.memref_slice %arg11[%dma_start3A_325, %dma_start3A_326, %dma_start3A_327] : memref<32x8x128xf32, #tpu.memory_space<vmem>> -> memref<1x8x128xf32, #tpu.memory_space<vmem>>
      %dma_start3A_329 = tpu.memref_squeeze %dma_start3A_328 : memref<1x8x128xf32, #tpu.memory_space<vmem>> -> memref<8x128xf32, #tpu.memory_space<vmem>>
      %dma_start3A_330 = arith.constant 0 : i32
      %dma_start3A_331 = tpu.memref_slice %arg5[%dma_start3A_330, %multiple_of3A_311] : memref<8x1000000xf32, #tpu.memory_space<hbm>> -> memref<8x128xf32, #tpu.memory_space<hbm>>
      %dma_start3A_332 = arith.constant 0 : i32
      %dma_start3A_333 = arith.constant 0 : i32
      %dma_start3A_334 = tpu.memref_slice %arg11[%dma_start3A_325, %dma_start3A_332, %dma_start3A_333] : memref<32x8x128xf32, #tpu.memory_space<vmem>> -> memref<1x8x128xf32, #tpu.memory_space<vmem>>
      %dma_start3A_335 = tpu.memref_squeeze %dma_start3A_334 : memref<1x8x128xf32, #tpu.memory_space<vmem>> -> memref<8x128xf32, #tpu.memory_space<vmem>>
      %dma_start3A_336 = arith.constant 0 : i32
      %dma_start3A_337 = tpu.memref_slice %arg5[%dma_start3A_336, %multiple_of3A_311] : memref<8x1000000xf32, #tpu.memory_space<hbm>> -> memref<8x128xf32, #tpu.memory_space<hbm>>
      tpu.enqueue_dma source(%dma_start3A_337 : memref<8x128xf32, #tpu.memory_space<hbm>>) target(%dma_start3A_335 : memref<8x128xf32, #tpu.memory_space<vmem>>) target_semaphore(%arg15 : memref<!tpu.dma_semaphore, #tpu.memory_space<semaphore_mem>>)
      %slice3A_338 = vector.extract_strided_slice %and3A_47 {offsets = [9], sizes = [1], strides = [1]} : vector<16xi32> to vector<1xi32>
      %squeeze3A_339 = vector.extract %slice3A_338[0] : i32 from vector<1xi32>
      %multiple_of3A_340 = tpu.assume_multiple %squeeze3A_339, 128 : i32
      %slice3A_341 = vector.extract_strided_slice %and3A_52 {offsets = [9], sizes = [1], strides = [1]} : vector<16xi32> to vector<1xi32>
      %squeeze3A_342 = vector.extract %slice3A_341[0] : i32 from vector<1xi32>
      %multiple_of3A_343 = tpu.assume_multiple %squeeze3A_342, 128 : i32
      %dma_start3A_344 = arith.constant 9 : i32
      %dma_start3A_345 = arith.constant 0 : i32
      %dma_start3A_346 = arith.constant 0 : i32
      %dma_start3A_347 = tpu.memref_slice %arg10[%dma_start3A_344, %dma_start3A_345, %dma_start3A_346] : memref<32x8x128xf32, #tpu.memory_space<vmem>> -> memref<1x8x128xf32, #tpu.memory_space<vmem>>
      %dma_start3A_348 = tpu.memref_squeeze %dma_start3A_347 : memref<1x8x128xf32, #tpu.memory_space<vmem>> -> memref<8x128xf32, #tpu.memory_space<vmem>>
      %dma_start3A_349 = arith.constant 0 : i32
      %dma_start3A_350 = tpu.memref_slice %arg4[%dma_start3A_349, %multiple_of3A_340] : memref<8x1000000xf32, #tpu.memory_space<hbm>> -> memref<8x128xf32, #tpu.memory_space<hbm>>
      %dma_start3A_351 = arith.constant 0 : i32
      %dma_start3A_352 = arith.constant 0 : i32
      %dma_start3A_353 = tpu.memref_slice %arg10[%dma_start3A_344, %dma_start3A_351, %dma_start3A_352] : memref<32x8x128xf32, #tpu.memory_space<vmem>> -> memref<1x8x128xf32, #tpu.memory_space<vmem>>
      %dma_start3A_354 = tpu.memref_squeeze %dma_start3A_353 : memref<1x8x128xf32, #tpu.memory_space<vmem>> -> memref<8x128xf32, #tpu.memory_space<vmem>>
      %dma_start3A_355 = arith.constant 0 : i32
      %dma_start3A_356 = tpu.memref_slice %arg4[%dma_start3A_355, %multiple_of3A_340] : memref<8x1000000xf32, #tpu.memory_space<hbm>> -> memref<8x128xf32, #tpu.memory_space<hbm>>
      tpu.enqueue_dma source(%dma_start3A_356 : memref<8x128xf32, #tpu.memory_space<hbm>>) target(%dma_start3A_354 : memref<8x128xf32, #tpu.memory_space<vmem>>) target_semaphore(%arg15 : memref<!tpu.dma_semaphore, #tpu.memory_space<semaphore_mem>>)
      %dma_start3A_357 = arith.constant 9 : i32
      %dma_start3A_358 = arith.constant 0 : i32
      %dma_start3A_359 = arith.constant 0 : i32
      %dma_start3A_360 = tpu.memref_slice %arg11[%dma_start3A_357, %dma_start3A_358, %dma_start3A_359] : memref<32x8x128xf32, #tpu.memory_space<vmem>> -> memref<1x8x128xf32, #tpu.memory_space<vmem>>
      %dma_start3A_361 = tpu.memref_squeeze %dma_start3A_360 : memref<1x8x128xf32, #tpu.memory_space<vmem>> -> memref<8x128xf32, #tpu.memory_space<vmem>>
      %dma_start3A_362 = arith.constant 0 : i32
      %dma_start3A_363 = tpu.memref_slice %arg5[%dma_start3A_362, %multiple_of3A_343] : memref<8x1000000xf32, #tpu.memory_space<hbm>> -> memref<8x128xf32, #tpu.memory_space<hbm>>
      %dma_start3A_364 = arith.constant 0 : i32
      %dma_start3A_365 = arith.constant 0 : i32
      %dma_start3A_366 = tpu.memref_slice %arg11[%dma_start3A_357, %dma_start3A_364, %dma_start3A_365] : memref<32x8x128xf32, #tpu.memory_space<vmem>> -> memref<1x8x128xf32, #tpu.memory_space<vmem>>
      %dma_start3A_367 = tpu.memref_squeeze %dma_start3A_366 : memref<1x8x128xf32, #tpu.memory_space<vmem>> -> memref<8x128xf32, #tpu.memory_space<vmem>>
      %dma_start3A_368 = arith.constant 0 : i32
      %dma_start3A_369 = tpu.memref_slice %arg5[%dma_start3A_368, %multiple_of3A_343] : memref<8x1000000xf32, #tpu.memory_space<hbm>> -> memref<8x128xf32, #tpu.memory_space<hbm>>
      tpu.enqueue_dma source(%dma_start3A_369 : memref<8x128xf32, #tpu.memory_space<hbm>>) target(%dma_start3A_367 : memref<8x128xf32, #tpu.memory_space<vmem>>) target_semaphore(%arg15 : memref<!tpu.dma_semaphore, #tpu.memory_space<semaphore_mem>>)
      %slice3A_370 = vector.extract_strided_slice %and3A_47 {offsets = [10], sizes = [1], strides = [1]} : vector<16xi32> to vector<1xi32>
      %squeeze3A_371 = vector.extract %slice3A_370[0] : i32 from vector<1xi32>
      %multiple_of3A_372 = tpu.assume_multiple %squeeze3A_371, 128 : i32
      %slice3A_373 = vector.extract_strided_slice %and3A_52 {offsets = [10], sizes = [1], strides = [1]} : vector<16xi32> to vector<1xi32>
      %squeeze3A_374 = vector.extract %slice3A_373[0] : i32 from vector<1xi32>
      %multiple_of3A_375 = tpu.assume_multiple %squeeze3A_374, 128 : i32
      %dma_start3A_376 = arith.constant 10 : i32
      %dma_start3A_377 = arith.constant 0 : i32
      %dma_start3A_378 = arith.constant 0 : i32
      %dma_start3A_379 = tpu.memref_slice %arg10[%dma_start3A_376, %dma_start3A_377, %dma_start3A_378] : memref<32x8x128xf32, #tpu.memory_space<vmem>> -> memref<1x8x128xf32, #tpu.memory_space<vmem>>
      %dma_start3A_380 = tpu.memref_squeeze %dma_start3A_379 : memref<1x8x128xf32, #tpu.memory_space<vmem>> -> memref<8x128xf32, #tpu.memory_space<vmem>>
      %dma_start3A_381 = arith.constant 0 : i32
      %dma_start3A_382 = tpu.memref_slice %arg4[%dma_start3A_381, %multiple_of3A_372] : memref<8x1000000xf32, #tpu.memory_space<hbm>> -> memref<8x128xf32, #tpu.memory_space<hbm>>
      %dma_start3A_383 = arith.constant 0 : i32
      %dma_start3A_384 = arith.constant 0 : i32
      %dma_start3A_385 = tpu.memref_slice %arg10[%dma_start3A_376, %dma_start3A_383, %dma_start3A_384] : memref<32x8x128xf32, #tpu.memory_space<vmem>> -> memref<1x8x128xf32, #tpu.memory_space<vmem>>
      %dma_start3A_386 = tpu.memref_squeeze %dma_start3A_385 : memref<1x8x128xf32, #tpu.memory_space<vmem>> -> memref<8x128xf32, #tpu.memory_space<vmem>>
      %dma_start3A_387 = arith.constant 0 : i32
      %dma_start3A_388 = tpu.memref_slice %arg4[%dma_start3A_387, %multiple_of3A_372] : memref<8x1000000xf32, #tpu.memory_space<hbm>> -> memref<8x128xf32, #tpu.memory_space<hbm>>
      tpu.enqueue_dma source(%dma_start3A_388 : memref<8x128xf32, #tpu.memory_space<hbm>>) target(%dma_start3A_386 : memref<8x128xf32, #tpu.memory_space<vmem>>) target_semaphore(%arg15 : memref<!tpu.dma_semaphore, #tpu.memory_space<semaphore_mem>>)
      %dma_start3A_389 = arith.constant 10 : i32
      %dma_start3A_390 = arith.constant 0 : i32
      %dma_start3A_391 = arith.constant 0 : i32
      %dma_start3A_392 = tpu.memref_slice %arg11[%dma_start3A_389, %dma_start3A_390, %dma_start3A_391] : memref<32x8x128xf32, #tpu.memory_space<vmem>> -> memref<1x8x128xf32, #tpu.memory_space<vmem>>
      %dma_start3A_393 = tpu.memref_squeeze %dma_start3A_392 : memref<1x8x128xf32, #tpu.memory_space<vmem>> -> memref<8x128xf32, #tpu.memory_space<vmem>>
      %dma_start3A_394 = arith.constant 0 : i32
      %dma_start3A_395 = tpu.memref_slice %arg5[%dma_start3A_394, %multiple_of3A_375] : memref<8x1000000xf32, #tpu.memory_space<hbm>> -> memref<8x128xf32, #tpu.memory_space<hbm>>
      %dma_start3A_396 = arith.constant 0 : i32
      %dma_start3A_397 = arith.constant 0 : i32
      %dma_start3A_398 = tpu.memref_slice %arg11[%dma_start3A_389, %dma_start3A_396, %dma_start3A_397] : memref<32x8x128xf32, #tpu.memory_space<vmem>> -> memref<1x8x128xf32, #tpu.memory_space<vmem>>
      %dma_start3A_399 = tpu.memref_squeeze %dma_start3A_398 : memref<1x8x128xf32, #tpu.memory_space<vmem>> -> memref<8x128xf32, #tpu.memory_space<vmem>>
      %dma_start3A_400 = arith.constant 0 : i32
      %dma_start3A_401 = tpu.memref_slice %arg5[%dma_start3A_400, %multiple_of3A_375] : memref<8x1000000xf32, #tpu.memory_space<hbm>> -> memref<8x128xf32, #tpu.memory_space<hbm>>
      tpu.enqueue_dma source(%dma_start3A_401 : memref<8x128xf32, #tpu.memory_space<hbm>>) target(%dma_start3A_399 : memref<8x128xf32, #tpu.memory_space<vmem>>) target_semaphore(%arg15 : memref<!tpu.dma_semaphore, #tpu.memory_space<semaphore_mem>>)
      %slice3A_402 = vector.extract_strided_slice %and3A_47 {offsets = [11], sizes = [1], strides = [1]} : vector<16xi32> to vector<1xi32>
      %squeeze3A_403 = vector.extract %slice3A_402[0] : i32 from vector<1xi32>
      %multiple_of3A_404 = tpu.assume_multiple %squeeze3A_403, 128 : i32
      %slice3A_405 = vector.extract_strided_slice %and3A_52 {offsets = [11], sizes = [1], strides = [1]} : vector<16xi32> to vector<1xi32>
      %squeeze3A_406 = vector.extract %slice3A_405[0] : i32 from vector<1xi32>
      %multiple_of3A_407 = tpu.assume_multiple %squeeze3A_406, 128 : i32
      %dma_start3A_408 = arith.constant 11 : i32
      %dma_start3A_409 = arith.constant 0 : i32
      %dma_start3A_410 = arith.constant 0 : i32
      %dma_start3A_411 = tpu.memref_slice %arg10[%dma_start3A_408, %dma_start3A_409, %dma_start3A_410] : memref<32x8x128xf32, #tpu.memory_space<vmem>> -> memref<1x8x128xf32, #tpu.memory_space<vmem>>
      %dma_start3A_412 = tpu.memref_squeeze %dma_start3A_411 : memref<1x8x128xf32, #tpu.memory_space<vmem>> -> memref<8x128xf32, #tpu.memory_space<vmem>>
      %dma_start3A_413 = arith.constant 0 : i32
      %dma_start3A_414 = tpu.memref_slice %arg4[%dma_start3A_413, %multiple_of3A_404] : memref<8x1000000xf32, #tpu.memory_space<hbm>> -> memref<8x128xf32, #tpu.memory_space<hbm>>
      %dma_start3A_415 = arith.constant 0 : i32
      %dma_start3A_416 = arith.constant 0 : i32
      %dma_start3A_417 = tpu.memref_slice %arg10[%dma_start3A_408, %dma_start3A_415, %dma_start3A_416] : memref<32x8x128xf32, #tpu.memory_space<vmem>> -> memref<1x8x128xf32, #tpu.memory_space<vmem>>
      %dma_start3A_418 = tpu.memref_squeeze %dma_start3A_417 : memref<1x8x128xf32, #tpu.memory_space<vmem>> -> memref<8x128xf32, #tpu.memory_space<vmem>>
      %dma_start3A_419 = arith.constant 0 : i32
      %dma_start3A_420 = tpu.memref_slice %arg4[%dma_start3A_419, %multiple_of3A_404] : memref<8x1000000xf32, #tpu.memory_space<hbm>> -> memref<8x128xf32, #tpu.memory_space<hbm>>
      tpu.enqueue_dma source(%dma_start3A_420 : memref<8x128xf32, #tpu.memory_space<hbm>>) target(%dma_start3A_418 : memref<8x128xf32, #tpu.memory_space<vmem>>) target_semaphore(%arg15 : memref<!tpu.dma_semaphore, #tpu.memory_space<semaphore_mem>>)
      %dma_start3A_421 = arith.constant 11 : i32
      %dma_start3A_422 = arith.constant 0 : i32
      %dma_start3A_423 = arith.constant 0 : i32
      %dma_start3A_424 = tpu.memref_slice %arg11[%dma_start3A_421, %dma_start3A_422, %dma_start3A_423] : memref<32x8x128xf32, #tpu.memory_space<vmem>> -> memref<1x8x128xf32, #tpu.memory_space<vmem>>
      %dma_start3A_425 = tpu.memref_squeeze %dma_start3A_424 : memref<1x8x128xf32, #tpu.memory_space<vmem>> -> memref<8x128xf32, #tpu.memory_space<vmem>>
      %dma_start3A_426 = arith.constant 0 : i32
      %dma_start3A_427 = tpu.memref_slice %arg5[%dma_start3A_426, %multiple_of3A_407] : memref<8x1000000xf32, #tpu.memory_space<hbm>> -> memref<8x128xf32, #tpu.memory_space<hbm>>
      %dma_start3A_428 = arith.constant 0 : i32
      %dma_start3A_429 = arith.constant 0 : i32
      %dma_start3A_430 = tpu.memref_slice %arg11[%dma_start3A_421, %dma_start3A_428, %dma_start3A_429] : memref<32x8x128xf32, #tpu.memory_space<vmem>> -> memref<1x8x128xf32, #tpu.memory_space<vmem>>
      %dma_start3A_431 = tpu.memref_squeeze %dma_start3A_430 : memref<1x8x128xf32, #tpu.memory_space<vmem>> -> memref<8x128xf32, #tpu.memory_space<vmem>>
      %dma_start3A_432 = arith.constant 0 : i32
      %dma_start3A_433 = tpu.memref_slice %arg5[%dma_start3A_432, %multiple_of3A_407] : memref<8x1000000xf32, #tpu.memory_space<hbm>> -> memref<8x128xf32, #tpu.memory_space<hbm>>
      tpu.enqueue_dma source(%dma_start3A_433 : memref<8x128xf32, #tpu.memory_space<hbm>>) target(%dma_start3A_431 : memref<8x128xf32, #tpu.memory_space<vmem>>) target_semaphore(%arg15 : memref<!tpu.dma_semaphore, #tpu.memory_space<semaphore_mem>>)
      %slice3A_434 = vector.extract_strided_slice %and3A_47 {offsets = [12], sizes = [1], strides = [1]} : vector<16xi32> to vector<1xi32>
      %squeeze3A_435 = vector.extract %slice3A_434[0] : i32 from vector<1xi32>
      %multiple_of3A_436 = tpu.assume_multiple %squeeze3A_435, 128 : i32
      %slice3A_437 = vector.extract_strided_slice %and3A_52 {offsets = [12], sizes = [1], strides = [1]} : vector<16xi32> to vector<1xi32>
      %squeeze3A_438 = vector.extract %slice3A_437[0] : i32 from vector<1xi32>
      %multiple_of3A_439 = tpu.assume_multiple %squeeze3A_438, 128 : i32
      %dma_start3A_440 = arith.constant 12 : i32
      %dma_start3A_441 = arith.constant 0 : i32
      %dma_start3A_442 = arith.constant 0 : i32
      %dma_start3A_443 = tpu.memref_slice %arg10[%dma_start3A_440, %dma_start3A_441, %dma_start3A_442] : memref<32x8x128xf32, #tpu.memory_space<vmem>> -> memref<1x8x128xf32, #tpu.memory_space<vmem>>
      %dma_start3A_444 = tpu.memref_squeeze %dma_start3A_443 : memref<1x8x128xf32, #tpu.memory_space<vmem>> -> memref<8x128xf32, #tpu.memory_space<vmem>>
      %dma_start3A_445 = arith.constant 0 : i32
      %dma_start3A_446 = tpu.memref_slice %arg4[%dma_start3A_445, %multiple_of3A_436] : memref<8x1000000xf32, #tpu.memory_space<hbm>> -> memref<8x128xf32, #tpu.memory_space<hbm>>
      %dma_start3A_447 = arith.constant 0 : i32
      %dma_start3A_448 = arith.constant 0 : i32
      %dma_start3A_449 = tpu.memref_slice %arg10[%dma_start3A_440, %dma_start3A_447, %dma_start3A_448] : memref<32x8x128xf32, #tpu.memory_space<vmem>> -> memref<1x8x128xf32, #tpu.memory_space<vmem>>
      %dma_start3A_450 = tpu.memref_squeeze %dma_start3A_449 : memref<1x8x128xf32, #tpu.memory_space<vmem>> -> memref<8x128xf32, #tpu.memory_space<vmem>>
      %dma_start3A_451 = arith.constant 0 : i32
      %dma_start3A_452 = tpu.memref_slice %arg4[%dma_start3A_451, %multiple_of3A_436] : memref<8x1000000xf32, #tpu.memory_space<hbm>> -> memref<8x128xf32, #tpu.memory_space<hbm>>
      tpu.enqueue_dma source(%dma_start3A_452 : memref<8x128xf32, #tpu.memory_space<hbm>>) target(%dma_start3A_450 : memref<8x128xf32, #tpu.memory_space<vmem>>) target_semaphore(%arg15 : memref<!tpu.dma_semaphore, #tpu.memory_space<semaphore_mem>>)
      %dma_start3A_453 = arith.constant 12 : i32
      %dma_start3A_454 = arith.constant 0 : i32
      %dma_start3A_455 = arith.constant 0 : i32
      %dma_start3A_456 = tpu.memref_slice %arg11[%dma_start3A_453, %dma_start3A_454, %dma_start3A_455] : memref<32x8x128xf32, #tpu.memory_space<vmem>> -> memref<1x8x128xf32, #tpu.memory_space<vmem>>
      %dma_start3A_457 = tpu.memref_squeeze %dma_start3A_456 : memref<1x8x128xf32, #tpu.memory_space<vmem>> -> memref<8x128xf32, #tpu.memory_space<vmem>>
      %dma_start3A_458 = arith.constant 0 : i32
      %dma_start3A_459 = tpu.memref_slice %arg5[%dma_start3A_458, %multiple_of3A_439] : memref<8x1000000xf32, #tpu.memory_space<hbm>> -> memref<8x128xf32, #tpu.memory_space<hbm>>
      %dma_start3A_460 = arith.constant 0 : i32
      %dma_start3A_461 = arith.constant 0 : i32
      %dma_start3A_462 = tpu.memref_slice %arg11[%dma_start3A_453, %dma_start3A_460, %dma_start3A_461] : memref<32x8x128xf32, #tpu.memory_space<vmem>> -> memref<1x8x128xf32, #tpu.memory_space<vmem>>
      %dma_start3A_463 = tpu.memref_squeeze %dma_start3A_462 : memref<1x8x128xf32, #tpu.memory_space<vmem>> -> memref<8x128xf32, #tpu.memory_space<vmem>>
      %dma_start3A_464 = arith.constant 0 : i32
      %dma_start3A_465 = tpu.memref_slice %arg5[%dma_start3A_464, %multiple_of3A_439] : memref<8x1000000xf32, #tpu.memory_space<hbm>> -> memref<8x128xf32, #tpu.memory_space<hbm>>
      tpu.enqueue_dma source(%dma_start3A_465 : memref<8x128xf32, #tpu.memory_space<hbm>>) target(%dma_start3A_463 : memref<8x128xf32, #tpu.memory_space<vmem>>) target_semaphore(%arg15 : memref<!tpu.dma_semaphore, #tpu.memory_space<semaphore_mem>>)
      %slice3A_466 = vector.extract_strided_slice %and3A_47 {offsets = [13], sizes = [1], strides = [1]} : vector<16xi32> to vector<1xi32>
      %squeeze3A_467 = vector.extract %slice3A_466[0] : i32 from vector<1xi32>
      %multiple_of3A_468 = tpu.assume_multiple %squeeze3A_467, 128 : i32
      %slice3A_469 = vector.extract_strided_slice %and3A_52 {offsets = [13], sizes = [1], strides = [1]} : vector<16xi32> to vector<1xi32>
      %squeeze3A_470 = vector.extract %slice3A_469[0] : i32 from vector<1xi32>
      %multiple_of3A_471 = tpu.assume_multiple %squeeze3A_470, 128 : i32
      %dma_start3A_472 = arith.constant 13 : i32
      %dma_start3A_473 = arith.constant 0 : i32
      %dma_start3A_474 = arith.constant 0 : i32
      %dma_start3A_475 = tpu.memref_slice %arg10[%dma_start3A_472, %dma_start3A_473, %dma_start3A_474] : memref<32x8x128xf32, #tpu.memory_space<vmem>> -> memref<1x8x128xf32, #tpu.memory_space<vmem>>
      %dma_start3A_476 = tpu.memref_squeeze %dma_start3A_475 : memref<1x8x128xf32, #tpu.memory_space<vmem>> -> memref<8x128xf32, #tpu.memory_space<vmem>>
      %dma_start3A_477 = arith.constant 0 : i32
      %dma_start3A_478 = tpu.memref_slice %arg4[%dma_start3A_477, %multiple_of3A_468] : memref<8x1000000xf32, #tpu.memory_space<hbm>> -> memref<8x128xf32, #tpu.memory_space<hbm>>
      %dma_start3A_479 = arith.constant 0 : i32
      %dma_start3A_480 = arith.constant 0 : i32
      %dma_start3A_481 = tpu.memref_slice %arg10[%dma_start3A_472, %dma_start3A_479, %dma_start3A_480] : memref<32x8x128xf32, #tpu.memory_space<vmem>> -> memref<1x8x128xf32, #tpu.memory_space<vmem>>
      %dma_start3A_482 = tpu.memref_squeeze %dma_start3A_481 : memref<1x8x128xf32, #tpu.memory_space<vmem>> -> memref<8x128xf32, #tpu.memory_space<vmem>>
      %dma_start3A_483 = arith.constant 0 : i32
      %dma_start3A_484 = tpu.memref_slice %arg4[%dma_start3A_483, %multiple_of3A_468] : memref<8x1000000xf32, #tpu.memory_space<hbm>> -> memref<8x128xf32, #tpu.memory_space<hbm>>
      tpu.enqueue_dma source(%dma_start3A_484 : memref<8x128xf32, #tpu.memory_space<hbm>>) target(%dma_start3A_482 : memref<8x128xf32, #tpu.memory_space<vmem>>) target_semaphore(%arg15 : memref<!tpu.dma_semaphore, #tpu.memory_space<semaphore_mem>>)
      %dma_start3A_485 = arith.constant 13 : i32
      %dma_start3A_486 = arith.constant 0 : i32
      %dma_start3A_487 = arith.constant 0 : i32
      %dma_start3A_488 = tpu.memref_slice %arg11[%dma_start3A_485, %dma_start3A_486, %dma_start3A_487] : memref<32x8x128xf32, #tpu.memory_space<vmem>> -> memref<1x8x128xf32, #tpu.memory_space<vmem>>
      %dma_start3A_489 = tpu.memref_squeeze %dma_start3A_488 : memref<1x8x128xf32, #tpu.memory_space<vmem>> -> memref<8x128xf32, #tpu.memory_space<vmem>>
      %dma_start3A_490 = arith.constant 0 : i32
      %dma_start3A_491 = tpu.memref_slice %arg5[%dma_start3A_490, %multiple_of3A_471] : memref<8x1000000xf32, #tpu.memory_space<hbm>> -> memref<8x128xf32, #tpu.memory_space<hbm>>
      %dma_start3A_492 = arith.constant 0 : i32
      %dma_start3A_493 = arith.constant 0 : i32
      %dma_start3A_494 = tpu.memref_slice %arg11[%dma_start3A_485, %dma_start3A_492, %dma_start3A_493] : memref<32x8x128xf32, #tpu.memory_space<vmem>> -> memref<1x8x128xf32, #tpu.memory_space<vmem>>
      %dma_start3A_495 = tpu.memref_squeeze %dma_start3A_494 : memref<1x8x128xf32, #tpu.memory_space<vmem>> -> memref<8x128xf32, #tpu.memory_space<vmem>>
      %dma_start3A_496 = arith.constant 0 : i32
      %dma_start3A_497 = tpu.memref_slice %arg5[%dma_start3A_496, %multiple_of3A_471] : memref<8x1000000xf32, #tpu.memory_space<hbm>> -> memref<8x128xf32, #tpu.memory_space<hbm>>
      tpu.enqueue_dma source(%dma_start3A_497 : memref<8x128xf32, #tpu.memory_space<hbm>>) target(%dma_start3A_495 : memref<8x128xf32, #tpu.memory_space<vmem>>) target_semaphore(%arg15 : memref<!tpu.dma_semaphore, #tpu.memory_space<semaphore_mem>>)
      %slice3A_498 = vector.extract_strided_slice %and3A_47 {offsets = [14], sizes = [1], strides = [1]} : vector<16xi32> to vector<1xi32>
      %squeeze3A_499 = vector.extract %slice3A_498[0] : i32 from vector<1xi32>
      %multiple_of3A_500 = tpu.assume_multiple %squeeze3A_499, 128 : i32
      %slice3A_501 = vector.extract_strided_slice %and3A_52 {offsets = [14], sizes = [1], strides = [1]} : vector<16xi32> to vector<1xi32>
      %squeeze3A_502 = vector.extract %slice3A_501[0] : i32 from vector<1xi32>
      %multiple_of3A_503 = tpu.assume_multiple %squeeze3A_502, 128 : i32
      %dma_start3A_504 = arith.constant 14 : i32
      %dma_start3A_505 = arith.constant 0 : i32
      %dma_start3A_506 = arith.constant 0 : i32
      %dma_start3A_507 = tpu.memref_slice %arg10[%dma_start3A_504, %dma_start3A_505, %dma_start3A_506] : memref<32x8x128xf32, #tpu.memory_space<vmem>> -> memref<1x8x128xf32, #tpu.memory_space<vmem>>
      %dma_start3A_508 = tpu.memref_squeeze %dma_start3A_507 : memref<1x8x128xf32, #tpu.memory_space<vmem>> -> memref<8x128xf32, #tpu.memory_space<vmem>>
      %dma_start3A_509 = arith.constant 0 : i32
      %dma_start3A_510 = tpu.memref_slice %arg4[%dma_start3A_509, %multiple_of3A_500] : memref<8x1000000xf32, #tpu.memory_space<hbm>> -> memref<8x128xf32, #tpu.memory_space<hbm>>
      %dma_start3A_511 = arith.constant 0 : i32
      %dma_start3A_512 = arith.constant 0 : i32
      %dma_start3A_513 = tpu.memref_slice %arg10[%dma_start3A_504, %dma_start3A_511, %dma_start3A_512] : memref<32x8x128xf32, #tpu.memory_space<vmem>> -> memref<1x8x128xf32, #tpu.memory_space<vmem>>
      %dma_start3A_514 = tpu.memref_squeeze %dma_start3A_513 : memref<1x8x128xf32, #tpu.memory_space<vmem>> -> memref<8x128xf32, #tpu.memory_space<vmem>>
      %dma_start3A_515 = arith.constant 0 : i32
      %dma_start3A_516 = tpu.memref_slice %arg4[%dma_start3A_515, %multiple_of3A_500] : memref<8x1000000xf32, #tpu.memory_space<hbm>> -> memref<8x128xf32, #tpu.memory_space<hbm>>
      tpu.enqueue_dma source(%dma_start3A_516 : memref<8x128xf32, #tpu.memory_space<hbm>>) target(%dma_start3A_514 : memref<8x128xf32, #tpu.memory_space<vmem>>) target_semaphore(%arg15 : memref<!tpu.dma_semaphore, #tpu.memory_space<semaphore_mem>>)
      %dma_start3A_517 = arith.constant 14 : i32
      %dma_start3A_518 = arith.constant 0 : i32
      %dma_start3A_519 = arith.constant 0 : i32
      %dma_start3A_520 = tpu.memref_slice %arg11[%dma_start3A_517, %dma_start3A_518, %dma_start3A_519] : memref<32x8x128xf32, #tpu.memory_space<vmem>> -> memref<1x8x128xf32, #tpu.memory_space<vmem>>
      %dma_start3A_521 = tpu.memref_squeeze %dma_start3A_520 : memref<1x8x128xf32, #tpu.memory_space<vmem>> -> memref<8x128xf32, #tpu.memory_space<vmem>>
      %dma_start3A_522 = arith.constant 0 : i32
      %dma_start3A_523 = tpu.memref_slice %arg5[%dma_start3A_522, %multiple_of3A_503] : memref<8x1000000xf32, #tpu.memory_space<hbm>> -> memref<8x128xf32, #tpu.memory_space<hbm>>
      %dma_start3A_524 = arith.constant 0 : i32
      %dma_start3A_525 = arith.constant 0 : i32
      %dma_start3A_526 = tpu.memref_slice %arg11[%dma_start3A_517, %dma_start3A_524, %dma_start3A_525] : memref<32x8x128xf32, #tpu.memory_space<vmem>> -> memref<1x8x128xf32, #tpu.memory_space<vmem>>
      %dma_start3A_527 = tpu.memref_squeeze %dma_start3A_526 : memref<1x8x128xf32, #tpu.memory_space<vmem>> -> memref<8x128xf32, #tpu.memory_space<vmem>>
      %dma_start3A_528 = arith.constant 0 : i32
      %dma_start3A_529 = tpu.memref_slice %arg5[%dma_start3A_528, %multiple_of3A_503] : memref<8x1000000xf32, #tpu.memory_space<hbm>> -> memref<8x128xf32, #tpu.memory_space<hbm>>
      tpu.enqueue_dma source(%dma_start3A_529 : memref<8x128xf32, #tpu.memory_space<hbm>>) target(%dma_start3A_527 : memref<8x128xf32, #tpu.memory_space<vmem>>) target_semaphore(%arg15 : memref<!tpu.dma_semaphore, #tpu.memory_space<semaphore_mem>>)
      %slice3A_530 = vector.extract_strided_slice %and3A_47 {offsets = [15], sizes = [1], strides = [1]} : vector<16xi32> to vector<1xi32>
      %squeeze3A_531 = vector.extract %slice3A_530[0] : i32 from vector<1xi32>
      %multiple_of3A_532 = tpu.assume_multiple %squeeze3A_531, 128 : i32
      %slice3A_533 = vector.extract_strided_slice %and3A_52 {offsets = [15], sizes = [1], strides = [1]} : vector<16xi32> to vector<1xi32>
      %squeeze3A_534 = vector.extract %slice3A_533[0] : i32 from vector<1xi32>
      %multiple_of3A_535 = tpu.assume_multiple %squeeze3A_534, 128 : i32
      %dma_start3A_536 = arith.constant 15 : i32
      %dma_start3A_537 = arith.constant 0 : i32
      %dma_start3A_538 = arith.constant 0 : i32
      %dma_start3A_539 = tpu.memref_slice %arg10[%dma_start3A_536, %dma_start3A_537, %dma_start3A_538] : memref<32x8x128xf32, #tpu.memory_space<vmem>> -> memref<1x8x128xf32, #tpu.memory_space<vmem>>
      %dma_start3A_540 = tpu.memref_squeeze %dma_start3A_539 : memref<1x8x128xf32, #tpu.memory_space<vmem>> -> memref<8x128xf32, #tpu.memory_space<vmem>>
      %dma_start3A_541 = arith.constant 0 : i32
      %dma_start3A_542 = tpu.memref_slice %arg4[%dma_start3A_541, %multiple_of3A_532] : memref<8x1000000xf32, #tpu.memory_space<hbm>> -> memref<8x128xf32, #tpu.memory_space<hbm>>
      %dma_start3A_543 = arith.constant 0 : i32
      %dma_start3A_544 = arith.constant 0 : i32
      %dma_start3A_545 = tpu.memref_slice %arg10[%dma_start3A_536, %dma_start3A_543, %dma_start3A_544] : memref<32x8x128xf32, #tpu.memory_space<vmem>> -> memref<1x8x128xf32, #tpu.memory_space<vmem>>
      %dma_start3A_546 = tpu.memref_squeeze %dma_start3A_545 : memref<1x8x128xf32, #tpu.memory_space<vmem>> -> memref<8x128xf32, #tpu.memory_space<vmem>>
      %dma_start3A_547 = arith.constant 0 : i32
      %dma_start3A_548 = tpu.memref_slice %arg4[%dma_start3A_547, %multiple_of3A_532] : memref<8x1000000xf32, #tpu.memory_space<hbm>> -> memref<8x128xf32, #tpu.memory_space<hbm>>
      tpu.enqueue_dma source(%dma_start3A_548 : memref<8x128xf32, #tpu.memory_space<hbm>>) target(%dma_start3A_546 : memref<8x128xf32, #tpu.memory_space<vmem>>) target_semaphore(%arg15 : memref<!tpu.dma_semaphore, #tpu.memory_space<semaphore_mem>>)
      %dma_start3A_549 = arith.constant 15 : i32
      %dma_start3A_550 = arith.constant 0 : i32
      %dma_start3A_551 = arith.constant 0 : i32
      %dma_start3A_552 = tpu.memref_slice %arg11[%dma_start3A_549, %dma_start3A_550, %dma_start3A_551] : memref<32x8x128xf32, #tpu.memory_space<vmem>> -> memref<1x8x128xf32, #tpu.memory_space<vmem>>
      %dma_start3A_553 = tpu.memref_squeeze %dma_start3A_552 : memref<1x8x128xf32, #tpu.memory_space<vmem>> -> memref<8x128xf32, #tpu.memory_space<vmem>>
      %dma_start3A_554 = arith.constant 0 : i32
      %dma_start3A_555 = tpu.memref_slice %arg5[%dma_start3A_554, %multiple_of3A_535] : memref<8x1000000xf32, #tpu.memory_space<hbm>> -> memref<8x128xf32, #tpu.memory_space<hbm>>
      %dma_start3A_556 = arith.constant 0 : i32
      %dma_start3A_557 = arith.constant 0 : i32
      %dma_start3A_558 = tpu.memref_slice %arg11[%dma_start3A_549, %dma_start3A_556, %dma_start3A_557] : memref<32x8x128xf32, #tpu.memory_space<vmem>> -> memref<1x8x128xf32, #tpu.memory_space<vmem>>
      %dma_start3A_559 = tpu.memref_squeeze %dma_start3A_558 : memref<1x8x128xf32, #tpu.memory_space<vmem>> -> memref<8x128xf32, #tpu.memory_space<vmem>>
      %dma_start3A_560 = arith.constant 0 : i32
      %dma_start3A_561 = tpu.memref_slice %arg5[%dma_start3A_560, %multiple_of3A_535] : memref<8x1000000xf32, #tpu.memory_space<hbm>> -> memref<8x128xf32, #tpu.memory_space<hbm>>
      tpu.enqueue_dma source(%dma_start3A_561 : memref<8x128xf32, #tpu.memory_space<hbm>>) target(%dma_start3A_559 : memref<8x128xf32, #tpu.memory_space<vmem>>) target_semaphore(%arg15 : memref<!tpu.dma_semaphore, #tpu.memory_space<semaphore_mem>>)
      %mul3A_562 = arith.constant 2 : i32
      %mul3A_563 = arith.muli %mul3A_562, %scan3A_29 : i32
      %add3A_564 = arith.constant 1 : i32
      %add3A_565 = arith.addi %mul3A_563, %add3A_564 : i32
      %mul3A_566 = arith.constant 16 : i32
      %mul3A_567 = arith.muli %add3A_565, %mul3A_566 : i32
      %get3A_568 = arith.index_cast %mul3A_567 : i32 to index
      %get3A_569 = tpu.vector_load %arg8[%get3A_568] {strides = array<i32>} : memref<512xi32, #tpu.memory_space<vmem>>, vector<16xi32>,
      %mul3A_570 = arith.constant 2 : i32
      %mul3A_571 = arith.muli %mul3A_570, %scan3A_29 : i32
      %add3A_572 = arith.constant 1 : i32
      %add3A_573 = arith.addi %mul3A_571, %add3A_572 : i32
      %mul3A_574 = arith.constant 16 : i32
      %mul3A_575 = arith.muli %add3A_573, %mul3A_574 : i32
      %get3A_576 = arith.index_cast %mul3A_575 : i32 to index
      %get3A_577 = tpu.vector_load %arg9[%get3A_576] {strides = array<i32>} : memref<512xi32, #tpu.memory_space<vmem>>, vector<16xi32>,
      %not3A_578 = arith.constant 127 : i32
      %not3A_579 = arith.constant -1 : i32
      %not3A_580 = arith.xori %not3A_578, %not3A_579 : i32
      %and3A_581 = vector.broadcast %not3A_580 : i32 to vector<16xi32>
      %and3A_582 = arith.andi %get3A_569, %and3A_581 : vector<16xi32>
      %not3A_583 = arith.constant 127 : i32
      %not3A_584 = arith.constant -1 : i32
      %not3A_585 = arith.xori %not3A_583, %not3A_584 : i32
      %and3A_586 = vector.broadcast %not3A_585 : i32 to vector<16xi32>
      %and3A_587 = arith.andi %get3A_577, %and3A_586 : vector<16xi32>
      %slice3A_588 = vector.extract_strided_slice %and3A_582 {offsets = [0], sizes = [1], strides = [1]} : vector<16xi32> to vector<1xi32>
      %squeeze3A_589 = vector.extract %slice3A_588[0] : i32 from vector<1xi32>
      %multiple_of3A_590 = tpu.assume_multiple %squeeze3A_589, 128 : i32
      %slice3A_591 = vector.extract_strided_slice %and3A_587 {offsets = [0], sizes = [1], strides = [1]} : vector<16xi32> to vector<1xi32>
      %squeeze3A_592 = vector.extract %slice3A_591[0] : i32 from vector<1xi32>
      %multiple_of3A_593 = tpu.assume_multiple %squeeze3A_592, 128 : i32
      %dma_start3A_594 = arith.constant 16 : i32
      %dma_start3A_595 = arith.constant 0 : i32
      %dma_start3A_596 = arith.constant 0 : i32
      %dma_start3A_597 = tpu.memref_slice %arg10[%dma_start3A_594, %dma_start3A_595, %dma_start3A_596] : memref<32x8x128xf32, #tpu.memory_space<vmem>> -> memref<1x8x128xf32, #tpu.memory_space<vmem>>
      %dma_start3A_598 = tpu.memref_squeeze %dma_start3A_597 : memref<1x8x128xf32, #tpu.memory_space<vmem>> -> memref<8x128xf32, #tpu.memory_space<vmem>>
      %dma_start3A_599 = arith.constant 0 : i32
      %dma_start3A_600 = tpu.memref_slice %arg4[%dma_start3A_599, %multiple_of3A_590] : memref<8x1000000xf32, #tpu.memory_space<hbm>> -> memref<8x128xf32, #tpu.memory_space<hbm>>
      %dma_start3A_601 = arith.constant 0 : i32
      %dma_start3A_602 = arith.constant 0 : i32
      %dma_start3A_603 = tpu.memref_slice %arg10[%dma_start3A_594, %dma_start3A_601, %dma_start3A_602] : memref<32x8x128xf32, #tpu.memory_space<vmem>> -> memref<1x8x128xf32, #tpu.memory_space<vmem>>
      %dma_start3A_604 = tpu.memref_squeeze %dma_start3A_603 : memref<1x8x128xf32, #tpu.memory_space<vmem>> -> memref<8x128xf32, #tpu.memory_space<vmem>>
      %dma_start3A_605 = arith.constant 0 : i32
      %dma_start3A_606 = tpu.memref_slice %arg4[%dma_start3A_605, %multiple_of3A_590] : memref<8x1000000xf32, #tpu.memory_space<hbm>> -> memref<8x128xf32, #tpu.memory_space<hbm>>
      tpu.enqueue_dma source(%dma_start3A_606 : memref<8x128xf32, #tpu.memory_space<hbm>>) target(%dma_start3A_604 : memref<8x128xf32, #tpu.memory_space<vmem>>) target_semaphore(%arg15 : memref<!tpu.dma_semaphore, #tpu.memory_space<semaphore_mem>>)
      %dma_start3A_607 = arith.constant 16 : i32
      %dma_start3A_608 = arith.constant 0 : i32
      %dma_start3A_609 = arith.constant 0 : i32
      %dma_start3A_610 = tpu.memref_slice %arg11[%dma_start3A_607, %dma_start3A_608, %dma_start3A_609] : memref<32x8x128xf32, #tpu.memory_space<vmem>> -> memref<1x8x128xf32, #tpu.memory_space<vmem>>
      %dma_start3A_611 = tpu.memref_squeeze %dma_start3A_610 : memref<1x8x128xf32, #tpu.memory_space<vmem>> -> memref<8x128xf32, #tpu.memory_space<vmem>>
      %dma_start3A_612 = arith.constant 0 : i32
      %dma_start3A_613 = tpu.memref_slice %arg5[%dma_start3A_612, %multiple_of3A_593] : memref<8x1000000xf32, #tpu.memory_space<hbm>> -> memref<8x128xf32, #tpu.memory_space<hbm>>
      %dma_start3A_614 = arith.constant 0 : i32
      %dma_start3A_615 = arith.constant 0 : i32
      %dma_start3A_616 = tpu.memref_slice %arg11[%dma_start3A_607, %dma_start3A_614, %dma_start3A_615] : memref<32x8x128xf32, #tpu.memory_space<vmem>> -> memref<1x8x128xf32, #tpu.memory_space<vmem>>
      %dma_start3A_617 = tpu.memref_squeeze %dma_start3A_616 : memref<1x8x128xf32, #tpu.memory_space<vmem>> -> memref<8x128xf32, #tpu.memory_space<vmem>>
      %dma_start3A_618 = arith.constant 0 : i32
      %dma_start3A_619 = tpu.memref_slice %arg5[%dma_start3A_618, %multiple_of3A_593] : memref<8x1000000xf32, #tpu.memory_space<hbm>> -> memref<8x128xf32, #tpu.memory_space<hbm>>
      tpu.enqueue_dma source(%dma_start3A_619 : memref<8x128xf32, #tpu.memory_space<hbm>>) target(%dma_start3A_617 : memref<8x128xf32, #tpu.memory_space<vmem>>) target_semaphore(%arg15 : memref<!tpu.dma_semaphore, #tpu.memory_space<semaphore_mem>>)
      %slice3A_620 = vector.extract_strided_slice %and3A_582 {offsets = [1], sizes = [1], strides = [1]} : vector<16xi32> to vector<1xi32>
      %squeeze3A_621 = vector.extract %slice3A_620[0] : i32 from vector<1xi32>
      %multiple_of3A_622 = tpu.assume_multiple %squeeze3A_621, 128 : i32
      %slice3A_623 = vector.extract_strided_slice %and3A_587 {offsets = [1], sizes = [1], strides = [1]} : vector<16xi32> to vector<1xi32>
      %squeeze3A_624 = vector.extract %slice3A_623[0] : i32 from vector<1xi32>
      %multiple_of3A_625 = tpu.assume_multiple %squeeze3A_624, 128 : i32
      %dma_start3A_626 = arith.constant 17 : i32
      %dma_start3A_627 = arith.constant 0 : i32
      %dma_start3A_628 = arith.constant 0 : i32
      %dma_start3A_629 = tpu.memref_slice %arg10[%dma_start3A_626, %dma_start3A_627, %dma_start3A_628] : memref<32x8x128xf32, #tpu.memory_space<vmem>> -> memref<1x8x128xf32, #tpu.memory_space<vmem>>
      %dma_start3A_630 = tpu.memref_squeeze %dma_start3A_629 : memref<1x8x128xf32, #tpu.memory_space<vmem>> -> memref<8x128xf32, #tpu.memory_space<vmem>>
      %dma_start3A_631 = arith.constant 0 : i32
      %dma_start3A_632 = tpu.memref_slice %arg4[%dma_start3A_631, %multiple_of3A_622] : memref<8x1000000xf32, #tpu.memory_space<hbm>> -> memref<8x128xf32, #tpu.memory_space<hbm>>
      %dma_start3A_633 = arith.constant 0 : i32
      %dma_start3A_634 = arith.constant 0 : i32
      %dma_start3A_635 = tpu.memref_slice %arg10[%dma_start3A_626, %dma_start3A_633, %dma_start3A_634] : memref<32x8x128xf32, #tpu.memory_space<vmem>> -> memref<1x8x128xf32, #tpu.memory_space<vmem>>
      %dma_start3A_636 = tpu.memref_squeeze %dma_start3A_635 : memref<1x8x128xf32, #tpu.memory_space<vmem>> -> memref<8x128xf32, #tpu.memory_space<vmem>>
      %dma_start3A_637 = arith.constant 0 : i32
      %dma_start3A_638 = tpu.memref_slice %arg4[%dma_start3A_637, %multiple_of3A_622] : memref<8x1000000xf32, #tpu.memory_space<hbm>> -> memref<8x128xf32, #tpu.memory_space<hbm>>
      tpu.enqueue_dma source(%dma_start3A_638 : memref<8x128xf32, #tpu.memory_space<hbm>>) target(%dma_start3A_636 : memref<8x128xf32, #tpu.memory_space<vmem>>) target_semaphore(%arg15 : memref<!tpu.dma_semaphore, #tpu.memory_space<semaphore_mem>>)
      %dma_start3A_639 = arith.constant 17 : i32
      %dma_start3A_640 = arith.constant 0 : i32
      %dma_start3A_641 = arith.constant 0 : i32
      %dma_start3A_642 = tpu.memref_slice %arg11[%dma_start3A_639, %dma_start3A_640, %dma_start3A_641] : memref<32x8x128xf32, #tpu.memory_space<vmem>> -> memref<1x8x128xf32, #tpu.memory_space<vmem>>
      %dma_start3A_643 = tpu.memref_squeeze %dma_start3A_642 : memref<1x8x128xf32, #tpu.memory_space<vmem>> -> memref<8x128xf32, #tpu.memory_space<vmem>>
      %dma_start3A_644 = arith.constant 0 : i32
      %dma_start3A_645 = tpu.memref_slice %arg5[%dma_start3A_644, %multiple_of3A_625] : memref<8x1000000xf32, #tpu.memory_space<hbm>> -> memref<8x128xf32, #tpu.memory_space<hbm>>
      %dma_start3A_646 = arith.constant 0 : i32
      %dma_start3A_647 = arith.constant 0 : i32
      %dma_start3A_648 = tpu.memref_slice %arg11[%dma_start3A_639, %dma_start3A_646, %dma_start3A_647] : memref<32x8x128xf32, #tpu.memory_space<vmem>> -> memref<1x8x128xf32, #tpu.memory_space<vmem>>
      %dma_start3A_649 = tpu.memref_squeeze %dma_start3A_648 : memref<1x8x128xf32, #tpu.memory_space<vmem>> -> memref<8x128xf32, #tpu.memory_space<vmem>>
      %dma_start3A_650 = arith.constant 0 : i32
      %dma_start3A_651 = tpu.memref_slice %arg5[%dma_start3A_650, %multiple_of3A_625] : memref<8x1000000xf32, #tpu.memory_space<hbm>> -> memref<8x128xf32, #tpu.memory_space<hbm>>
      tpu.enqueue_dma source(%dma_start3A_651 : memref<8x128xf32, #tpu.memory_space<hbm>>) target(%dma_start3A_649 : memref<8x128xf32, #tpu.memory_space<vmem>>) target_semaphore(%arg15 : memref<!tpu.dma_semaphore, #tpu.memory_space<semaphore_mem>>)
      %slice3A_652 = vector.extract_strided_slice %and3A_582 {offsets = [2], sizes = [1], strides = [1]} : vector<16xi32> to vector<1xi32>
      %squeeze3A_653 = vector.extract %slice3A_652[0] : i32 from vector<1xi32>
      %multiple_of3A_654 = tpu.assume_multiple %squeeze3A_653, 128 : i32
      %slice3A_655 = vector.extract_strided_slice %and3A_587 {offsets = [2], sizes = [1], strides = [1]} : vector<16xi32> to vector<1xi32>
      %squeeze3A_656 = vector.extract %slice3A_655[0] : i32 from vector<1xi32>
      %multiple_of3A_657 = tpu.assume_multiple %squeeze3A_656, 128 : i32
      %dma_start3A_658 = arith.constant 18 : i32
      %dma_start3A_659 = arith.constant 0 : i32
      %dma_start3A_660 = arith.constant 0 : i32
      %dma_start3A_661 = tpu.memref_slice %arg10[%dma_start3A_658, %dma_start3A_659, %dma_start3A_660] : memref<32x8x128xf32, #tpu.memory_space<vmem>> -> memref<1x8x128xf32, #tpu.memory_space<vmem>>
      %dma_start3A_662 = tpu.memref_squeeze %dma_start3A_661 : memref<1x8x128xf32, #tpu.memory_space<vmem>> -> memref<8x128xf32, #tpu.memory_space<vmem>>
      %dma_start3A_663 = arith.constant 0 : i32
      %dma_start3A_664 = tpu.memref_slice %arg4[%dma_start3A_663, %multiple_of3A_654] : memref<8x1000000xf32, #tpu.memory_space<hbm>> -> memref<8x128xf32, #tpu.memory_space<hbm>>
      %dma_start3A_665 = arith.constant 0 : i32
      %dma_start3A_666 = arith.constant 0 : i32
      %dma_start3A_667 = tpu.memref_slice %arg10[%dma_start3A_658, %dma_start3A_665, %dma_start3A_666] : memref<32x8x128xf32, #tpu.memory_space<vmem>> -> memref<1x8x128xf32, #tpu.memory_space<vmem>>
      %dma_start3A_668 = tpu.memref_squeeze %dma_start3A_667 : memref<1x8x128xf32, #tpu.memory_space<vmem>> -> memref<8x128xf32, #tpu.memory_space<vmem>>
      %dma_start3A_669 = arith.constant 0 : i32
      %dma_start3A_670 = tpu.memref_slice %arg4[%dma_start3A_669, %multiple_of3A_654] : memref<8x1000000xf32, #tpu.memory_space<hbm>> -> memref<8x128xf32, #tpu.memory_space<hbm>>
      tpu.enqueue_dma source(%dma_start3A_670 : memref<8x128xf32, #tpu.memory_space<hbm>>) target(%dma_start3A_668 : memref<8x128xf32, #tpu.memory_space<vmem>>) target_semaphore(%arg15 : memref<!tpu.dma_semaphore, #tpu.memory_space<semaphore_mem>>)
      %dma_start3A_671 = arith.constant 18 : i32
      %dma_start3A_672 = arith.constant 0 : i32
      %dma_start3A_673 = arith.constant 0 : i32
      %dma_start3A_674 = tpu.memref_slice %arg11[%dma_start3A_671, %dma_start3A_672, %dma_start3A_673] : memref<32x8x128xf32, #tpu.memory_space<vmem>> -> memref<1x8x128xf32, #tpu.memory_space<vmem>>
      %dma_start3A_675 = tpu.memref_squeeze %dma_start3A_674 : memref<1x8x128xf32, #tpu.memory_space<vmem>> -> memref<8x128xf32, #tpu.memory_space<vmem>>
      %dma_start3A_676 = arith.constant 0 : i32
      %dma_start3A_677 = tpu.memref_slice %arg5[%dma_start3A_676, %multiple_of3A_657] : memref<8x1000000xf32, #tpu.memory_space<hbm>> -> memref<8x128xf32, #tpu.memory_space<hbm>>
      %dma_start3A_678 = arith.constant 0 : i32
      %dma_start3A_679 = arith.constant 0 : i32
      %dma_start3A_680 = tpu.memref_slice %arg11[%dma_start3A_671, %dma_start3A_678, %dma_start3A_679] : memref<32x8x128xf32, #tpu.memory_space<vmem>> -> memref<1x8x128xf32, #tpu.memory_space<vmem>>
      %dma_start3A_681 = tpu.memref_squeeze %dma_start3A_680 : memref<1x8x128xf32, #tpu.memory_space<vmem>> -> memref<8x128xf32, #tpu.memory_space<vmem>>
      %dma_start3A_682 = arith.constant 0 : i32
      %dma_start3A_683 = tpu.memref_slice %arg5[%dma_start3A_682, %multiple_of3A_657] : memref<8x1000000xf32, #tpu.memory_space<hbm>> -> memref<8x128xf32, #tpu.memory_space<hbm>>
      tpu.enqueue_dma source(%dma_start3A_683 : memref<8x128xf32, #tpu.memory_space<hbm>>) target(%dma_start3A_681 : memref<8x128xf32, #tpu.memory_space<vmem>>) target_semaphore(%arg15 : memref<!tpu.dma_semaphore, #tpu.memory_space<semaphore_mem>>)
      %slice3A_684 = vector.extract_strided_slice %and3A_582 {offsets = [3], sizes = [1], strides = [1]} : vector<16xi32> to vector<1xi32>
      %squeeze3A_685 = vector.extract %slice3A_684[0] : i32 from vector<1xi32>
      %multiple_of3A_686 = tpu.assume_multiple %squeeze3A_685, 128 : i32
      %slice3A_687 = vector.extract_strided_slice %and3A_587 {offsets = [3], sizes = [1], strides = [1]} : vector<16xi32> to vector<1xi32>
      %squeeze3A_688 = vector.extract %slice3A_687[0] : i32 from vector<1xi32>
      %multiple_of3A_689 = tpu.assume_multiple %squeeze3A_688, 128 : i32
      %dma_start3A_690 = arith.constant 19 : i32
      %dma_start3A_691 = arith.constant 0 : i32
      %dma_start3A_692 = arith.constant 0 : i32
      %dma_start3A_693 = tpu.memref_slice %arg10[%dma_start3A_690, %dma_start3A_691, %dma_start3A_692] : memref<32x8x128xf32, #tpu.memory_space<vmem>> -> memref<1x8x128xf32, #tpu.memory_space<vmem>>
      %dma_start3A_694 = tpu.memref_squeeze %dma_start3A_693 : memref<1x8x128xf32, #tpu.memory_space<vmem>> -> memref<8x128xf32, #tpu.memory_space<vmem>>
      %dma_start3A_695 = arith.constant 0 : i32
      %dma_start3A_696 = tpu.memref_slice %arg4[%dma_start3A_695, %multiple_of3A_686] : memref<8x1000000xf32, #tpu.memory_space<hbm>> -> memref<8x128xf32, #tpu.memory_space<hbm>>
      %dma_start3A_697 = arith.constant 0 : i32
      %dma_start3A_698 = arith.constant 0 : i32
      %dma_start3A_699 = tpu.memref_slice %arg10[%dma_start3A_690, %dma_start3A_697, %dma_start3A_698] : memref<32x8x128xf32, #tpu.memory_space<vmem>> -> memref<1x8x128xf32, #tpu.memory_space<vmem>>
      %dma_start3A_700 = tpu.memref_squeeze %dma_start3A_699 : memref<1x8x128xf32, #tpu.memory_space<vmem>> -> memref<8x128xf32, #tpu.memory_space<vmem>>
      %dma_start3A_701 = arith.constant 0 : i32
      %dma_start3A_702 = tpu.memref_slice %arg4[%dma_start3A_701, %multiple_of3A_686] : memref<8x1000000xf32, #tpu.memory_space<hbm>> -> memref<8x128xf32, #tpu.memory_space<hbm>>
      tpu.enqueue_dma source(%dma_start3A_702 : memref<8x128xf32, #tpu.memory_space<hbm>>) target(%dma_start3A_700 : memref<8x128xf32, #tpu.memory_space<vmem>>) target_semaphore(%arg15 : memref<!tpu.dma_semaphore, #tpu.memory_space<semaphore_mem>>)
      %dma_start3A_703 = arith.constant 19 : i32
      %dma_start3A_704 = arith.constant 0 : i32
      %dma_start3A_705 = arith.constant 0 : i32
      %dma_start3A_706 = tpu.memref_slice %arg11[%dma_start3A_703, %dma_start3A_704, %dma_start3A_705] : memref<32x8x128xf32, #tpu.memory_space<vmem>> -> memref<1x8x128xf32, #tpu.memory_space<vmem>>
      %dma_start3A_707 = tpu.memref_squeeze %dma_start3A_706 : memref<1x8x128xf32, #tpu.memory_space<vmem>> -> memref<8x128xf32, #tpu.memory_space<vmem>>
      %dma_start3A_708 = arith.constant 0 : i32
      %dma_start3A_709 = tpu.memref_slice %arg5[%dma_start3A_708, %multiple_of3A_689] : memref<8x1000000xf32, #tpu.memory_space<hbm>> -> memref<8x128xf32, #tpu.memory_space<hbm>>
      %dma_start3A_710 = arith.constant 0 : i32
      %dma_start3A_711 = arith.constant 0 : i32
      %dma_start3A_712 = tpu.memref_slice %arg11[%dma_start3A_703, %dma_start3A_710, %dma_start3A_711] : memref<32x8x128xf32, #tpu.memory_space<vmem>> -> memref<1x8x128xf32, #tpu.memory_space<vmem>>
      %dma_start3A_713 = tpu.memref_squeeze %dma_start3A_712 : memref<1x8x128xf32, #tpu.memory_space<vmem>> -> memref<8x128xf32, #tpu.memory_space<vmem>>
      %dma_start3A_714 = arith.constant 0 : i32
      %dma_start3A_715 = tpu.memref_slice %arg5[%dma_start3A_714, %multiple_of3A_689] : memref<8x1000000xf32, #tpu.memory_space<hbm>> -> memref<8x128xf32, #tpu.memory_space<hbm>>
      tpu.enqueue_dma source(%dma_start3A_715 : memref<8x128xf32, #tpu.memory_space<hbm>>) target(%dma_start3A_713 : memref<8x128xf32, #tpu.memory_space<vmem>>) target_semaphore(%arg15 : memref<!tpu.dma_semaphore, #tpu.memory_space<semaphore_mem>>)
      %slice3A_716 = vector.extract_strided_slice %and3A_582 {offsets = [4], sizes = [1], strides = [1]} : vector<16xi32> to vector<1xi32>
      %squeeze3A_717 = vector.extract %slice3A_716[0] : i32 from vector<1xi32>
      %multiple_of3A_718 = tpu.assume_multiple %squeeze3A_717, 128 : i32
      %slice3A_719 = vector.extract_strided_slice %and3A_587 {offsets = [4], sizes = [1], strides = [1]} : vector<16xi32> to vector<1xi32>
      %squeeze3A_720 = vector.extract %slice3A_719[0] : i32 from vector<1xi32>
      %multiple_of3A_721 = tpu.assume_multiple %squeeze3A_720, 128 : i32
      %dma_start3A_722 = arith.constant 20 : i32
      %dma_start3A_723 = arith.constant 0 : i32
      %dma_start3A_724 = arith.constant 0 : i32
      %dma_start3A_725 = tpu.memref_slice %arg10[%dma_start3A_722, %dma_start3A_723, %dma_start3A_724] : memref<32x8x128xf32, #tpu.memory_space<vmem>> -> memref<1x8x128xf32, #tpu.memory_space<vmem>>
      %dma_start3A_726 = tpu.memref_squeeze %dma_start3A_725 : memref<1x8x128xf32, #tpu.memory_space<vmem>> -> memref<8x128xf32, #tpu.memory_space<vmem>>
      %dma_start3A_727 = arith.constant 0 : i32
      %dma_start3A_728 = tpu.memref_slice %arg4[%dma_start3A_727, %multiple_of3A_718] : memref<8x1000000xf32, #tpu.memory_space<hbm>> -> memref<8x128xf32, #tpu.memory_space<hbm>>
      %dma_start3A_729 = arith.constant 0 : i32
      %dma_start3A_730 = arith.constant 0 : i32
      %dma_start3A_731 = tpu.memref_slice %arg10[%dma_start3A_722, %dma_start3A_729, %dma_start3A_730] : memref<32x8x128xf32, #tpu.memory_space<vmem>> -> memref<1x8x128xf32, #tpu.memory_space<vmem>>
      %dma_start3A_732 = tpu.memref_squeeze %dma_start3A_731 : memref<1x8x128xf32, #tpu.memory_space<vmem>> -> memref<8x128xf32, #tpu.memory_space<vmem>>
      %dma_start3A_733 = arith.constant 0 : i32
      %dma_start3A_734 = tpu.memref_slice %arg4[%dma_start3A_733, %multiple_of3A_718] : memref<8x1000000xf32, #tpu.memory_space<hbm>> -> memref<8x128xf32, #tpu.memory_space<hbm>>
      tpu.enqueue_dma source(%dma_start3A_734 : memref<8x128xf32, #tpu.memory_space<hbm>>) target(%dma_start3A_732 : memref<8x128xf32, #tpu.memory_space<vmem>>) target_semaphore(%arg15 : memref<!tpu.dma_semaphore, #tpu.memory_space<semaphore_mem>>)
      %dma_start3A_735 = arith.constant 20 : i32
      %dma_start3A_736 = arith.constant 0 : i32
      %dma_start3A_737 = arith.constant 0 : i32
      %dma_start3A_738 = tpu.memref_slice %arg11[%dma_start3A_735, %dma_start3A_736, %dma_start3A_737] : memref<32x8x128xf32, #tpu.memory_space<vmem>> -> memref<1x8x128xf32, #tpu.memory_space<vmem>>
      %dma_start3A_739 = tpu.memref_squeeze %dma_start3A_738 : memref<1x8x128xf32, #tpu.memory_space<vmem>> -> memref<8x128xf32, #tpu.memory_space<vmem>>
      %dma_start3A_740 = arith.constant 0 : i32
      %dma_start3A_741 = tpu.memref_slice %arg5[%dma_start3A_740, %multiple_of3A_721] : memref<8x1000000xf32, #tpu.memory_space<hbm>> -> memref<8x128xf32, #tpu.memory_space<hbm>>
      %dma_start3A_742 = arith.constant 0 : i32
      %dma_start3A_743 = arith.constant 0 : i32
      %dma_start3A_744 = tpu.memref_slice %arg11[%dma_start3A_735, %dma_start3A_742, %dma_start3A_743] : memref<32x8x128xf32, #tpu.memory_space<vmem>> -> memref<1x8x128xf32, #tpu.memory_space<vmem>>
      %dma_start3A_745 = tpu.memref_squeeze %dma_start3A_744 : memref<1x8x128xf32, #tpu.memory_space<vmem>> -> memref<8x128xf32, #tpu.memory_space<vmem>>
      %dma_start3A_746 = arith.constant 0 : i32
      %dma_start3A_747 = tpu.memref_slice %arg5[%dma_start3A_746, %multiple_of3A_721] : memref<8x1000000xf32, #tpu.memory_space<hbm>> -> memref<8x128xf32, #tpu.memory_space<hbm>>
      tpu.enqueue_dma source(%dma_start3A_747 : memref<8x128xf32, #tpu.memory_space<hbm>>) target(%dma_start3A_745 : memref<8x128xf32, #tpu.memory_space<vmem>>) target_semaphore(%arg15 : memref<!tpu.dma_semaphore, #tpu.memory_space<semaphore_mem>>)
      %slice3A_748 = vector.extract_strided_slice %and3A_582 {offsets = [5], sizes = [1], strides = [1]} : vector<16xi32> to vector<1xi32>
      %squeeze3A_749 = vector.extract %slice3A_748[0] : i32 from vector<1xi32>
      %multiple_of3A_750 = tpu.assume_multiple %squeeze3A_749, 128 : i32
      %slice3A_751 = vector.extract_strided_slice %and3A_587 {offsets = [5], sizes = [1], strides = [1]} : vector<16xi32> to vector<1xi32>
      %squeeze3A_752 = vector.extract %slice3A_751[0] : i32 from vector<1xi32>
      %multiple_of3A_753 = tpu.assume_multiple %squeeze3A_752, 128 : i32
      %dma_start3A_754 = arith.constant 21 : i32
      %dma_start3A_755 = arith.constant 0 : i32
      %dma_start3A_756 = arith.constant 0 : i32
      %dma_start3A_757 = tpu.memref_slice %arg10[%dma_start3A_754, %dma_start3A_755, %dma_start3A_756] : memref<32x8x128xf32, #tpu.memory_space<vmem>> -> memref<1x8x128xf32, #tpu.memory_space<vmem>>
      %dma_start3A_758 = tpu.memref_squeeze %dma_start3A_757 : memref<1x8x128xf32, #tpu.memory_space<vmem>> -> memref<8x128xf32, #tpu.memory_space<vmem>>
      %dma_start3A_759 = arith.constant 0 : i32
      %dma_start3A_760 = tpu.memref_slice %arg4[%dma_start3A_759, %multiple_of3A_750] : memref<8x1000000xf32, #tpu.memory_space<hbm>> -> memref<8x128xf32, #tpu.memory_space<hbm>>
      %dma_start3A_761 = arith.constant 0 : i32
      %dma_start3A_762 = arith.constant 0 : i32
      %dma_start3A_763 = tpu.memref_slice %arg10[%dma_start3A_754, %dma_start3A_761, %dma_start3A_762] : memref<32x8x128xf32, #tpu.memory_space<vmem>> -> memref<1x8x128xf32, #tpu.memory_space<vmem>>
      %dma_start3A_764 = tpu.memref_squeeze %dma_start3A_763 : memref<1x8x128xf32, #tpu.memory_space<vmem>> -> memref<8x128xf32, #tpu.memory_space<vmem>>
      %dma_start3A_765 = arith.constant 0 : i32
      %dma_start3A_766 = tpu.memref_slice %arg4[%dma_start3A_765, %multiple_of3A_750] : memref<8x1000000xf32, #tpu.memory_space<hbm>> -> memref<8x128xf32, #tpu.memory_space<hbm>>
      tpu.enqueue_dma source(%dma_start3A_766 : memref<8x128xf32, #tpu.memory_space<hbm>>) target(%dma_start3A_764 : memref<8x128xf32, #tpu.memory_space<vmem>>) target_semaphore(%arg15 : memref<!tpu.dma_semaphore, #tpu.memory_space<semaphore_mem>>)
      %dma_start3A_767 = arith.constant 21 : i32
      %dma_start3A_768 = arith.constant 0 : i32
      %dma_start3A_769 = arith.constant 0 : i32
      %dma_start3A_770 = tpu.memref_slice %arg11[%dma_start3A_767, %dma_start3A_768, %dma_start3A_769] : memref<32x8x128xf32, #tpu.memory_space<vmem>> -> memref<1x8x128xf32, #tpu.memory_space<vmem>>
      %dma_start3A_771 = tpu.memref_squeeze %dma_start3A_770 : memref<1x8x128xf32, #tpu.memory_space<vmem>> -> memref<8x128xf32, #tpu.memory_space<vmem>>
      %dma_start3A_772 = arith.constant 0 : i32
      %dma_start3A_773 = tpu.memref_slice %arg5[%dma_start3A_772, %multiple_of3A_753] : memref<8x1000000xf32, #tpu.memory_space<hbm>> -> memref<8x128xf32, #tpu.memory_space<hbm>>
      %dma_start3A_774 = arith.constant 0 : i32
      %dma_start3A_775 = arith.constant 0 : i32
      %dma_start3A_776 = tpu.memref_slice %arg11[%dma_start3A_767, %dma_start3A_774, %dma_start3A_775] : memref<32x8x128xf32, #tpu.memory_space<vmem>> -> memref<1x8x128xf32, #tpu.memory_space<vmem>>
      %dma_start3A_777 = tpu.memref_squeeze %dma_start3A_776 : memref<1x8x128xf32, #tpu.memory_space<vmem>> -> memref<8x128xf32, #tpu.memory_space<vmem>>
      %dma_start3A_778 = arith.constant 0 : i32
      %dma_start3A_779 = tpu.memref_slice %arg5[%dma_start3A_778, %multiple_of3A_753] : memref<8x1000000xf32, #tpu.memory_space<hbm>> -> memref<8x128xf32, #tpu.memory_space<hbm>>
      tpu.enqueue_dma source(%dma_start3A_779 : memref<8x128xf32, #tpu.memory_space<hbm>>) target(%dma_start3A_777 : memref<8x128xf32, #tpu.memory_space<vmem>>) target_semaphore(%arg15 : memref<!tpu.dma_semaphore, #tpu.memory_space<semaphore_mem>>)
      %slice3A_780 = vector.extract_strided_slice %and3A_582 {offsets = [6], sizes = [1], strides = [1]} : vector<16xi32> to vector<1xi32>
      %squeeze3A_781 = vector.extract %slice3A_780[0] : i32 from vector<1xi32>
      %multiple_of3A_782 = tpu.assume_multiple %squeeze3A_781, 128 : i32
      %slice3A_783 = vector.extract_strided_slice %and3A_587 {offsets = [6], sizes = [1], strides = [1]} : vector<16xi32> to vector<1xi32>
      %squeeze3A_784 = vector.extract %slice3A_783[0] : i32 from vector<1xi32>
      %multiple_of3A_785 = tpu.assume_multiple %squeeze3A_784, 128 : i32
      %dma_start3A_786 = arith.constant 22 : i32
      %dma_start3A_787 = arith.constant 0 : i32
      %dma_start3A_788 = arith.constant 0 : i32
      %dma_start3A_789 = tpu.memref_slice %arg10[%dma_start3A_786, %dma_start3A_787, %dma_start3A_788] : memref<32x8x128xf32, #tpu.memory_space<vmem>> -> memref<1x8x128xf32, #tpu.memory_space<vmem>>
      %dma_start3A_790 = tpu.memref_squeeze %dma_start3A_789 : memref<1x8x128xf32, #tpu.memory_space<vmem>> -> memref<8x128xf32, #tpu.memory_space<vmem>>
      %dma_start3A_791 = arith.constant 0 : i32
      %dma_start3A_792 = tpu.memref_slice %arg4[%dma_start3A_791, %multiple_of3A_782] : memref<8x1000000xf32, #tpu.memory_space<hbm>> -> memref<8x128xf32, #tpu.memory_space<hbm>>
      %dma_start3A_793 = arith.constant 0 : i32
      %dma_start3A_794 = arith.constant 0 : i32
      %dma_start3A_795 = tpu.memref_slice %arg10[%dma_start3A_786, %dma_start3A_793, %dma_start3A_794] : memref<32x8x128xf32, #tpu.memory_space<vmem>> -> memref<1x8x128xf32, #tpu.memory_space<vmem>>
      %dma_start3A_796 = tpu.memref_squeeze %dma_start3A_795 : memref<1x8x128xf32, #tpu.memory_space<vmem>> -> memref<8x128xf32, #tpu.memory_space<vmem>>
      %dma_start3A_797 = arith.constant 0 : i32
      %dma_start3A_798 = tpu.memref_slice %arg4[%dma_start3A_797, %multiple_of3A_782] : memref<8x1000000xf32, #tpu.memory_space<hbm>> -> memref<8x128xf32, #tpu.memory_space<hbm>>
      tpu.enqueue_dma source(%dma_start3A_798 : memref<8x128xf32, #tpu.memory_space<hbm>>) target(%dma_start3A_796 : memref<8x128xf32, #tpu.memory_space<vmem>>) target_semaphore(%arg15 : memref<!tpu.dma_semaphore, #tpu.memory_space<semaphore_mem>>)
      %dma_start3A_799 = arith.constant 22 : i32
      %dma_start3A_800 = arith.constant 0 : i32
      %dma_start3A_801 = arith.constant 0 : i32
      %dma_start3A_802 = tpu.memref_slice %arg11[%dma_start3A_799, %dma_start3A_800, %dma_start3A_801] : memref<32x8x128xf32, #tpu.memory_space<vmem>> -> memref<1x8x128xf32, #tpu.memory_space<vmem>>
      %dma_start3A_803 = tpu.memref_squeeze %dma_start3A_802 : memref<1x8x128xf32, #tpu.memory_space<vmem>> -> memref<8x128xf32, #tpu.memory_space<vmem>>
      %dma_start3A_804 = arith.constant 0 : i32
      %dma_start3A_805 = tpu.memref_slice %arg5[%dma_start3A_804, %multiple_of3A_785] : memref<8x1000000xf32, #tpu.memory_space<hbm>> -> memref<8x128xf32, #tpu.memory_space<hbm>>
      %dma_start3A_806 = arith.constant 0 : i32
      %dma_start3A_807 = arith.constant 0 : i32
      %dma_start3A_808 = tpu.memref_slice %arg11[%dma_start3A_799, %dma_start3A_806, %dma_start3A_807] : memref<32x8x128xf32, #tpu.memory_space<vmem>> -> memref<1x8x128xf32, #tpu.memory_space<vmem>>
      %dma_start3A_809 = tpu.memref_squeeze %dma_start3A_808 : memref<1x8x128xf32, #tpu.memory_space<vmem>> -> memref<8x128xf32, #tpu.memory_space<vmem>>
      %dma_start3A_810 = arith.constant 0 : i32
      %dma_start3A_811 = tpu.memref_slice %arg5[%dma_start3A_810, %multiple_of3A_785] : memref<8x1000000xf32, #tpu.memory_space<hbm>> -> memref<8x128xf32, #tpu.memory_space<hbm>>
      tpu.enqueue_dma source(%dma_start3A_811 : memref<8x128xf32, #tpu.memory_space<hbm>>) target(%dma_start3A_809 : memref<8x128xf32, #tpu.memory_space<vmem>>) target_semaphore(%arg15 : memref<!tpu.dma_semaphore, #tpu.memory_space<semaphore_mem>>)
      %slice3A_812 = vector.extract_strided_slice %and3A_582 {offsets = [7], sizes = [1], strides = [1]} : vector<16xi32> to vector<1xi32>
      %squeeze3A_813 = vector.extract %slice3A_812[0] : i32 from vector<1xi32>
      %multiple_of3A_814 = tpu.assume_multiple %squeeze3A_813, 128 : i32
      %slice3A_815 = vector.extract_strided_slice %and3A_587 {offsets = [7], sizes = [1], strides = [1]} : vector<16xi32> to vector<1xi32>
      %squeeze3A_816 = vector.extract %slice3A_815[0] : i32 from vector<1xi32>
      %multiple_of3A_817 = tpu.assume_multiple %squeeze3A_816, 128 : i32
      %dma_start3A_818 = arith.constant 23 : i32
      %dma_start3A_819 = arith.constant 0 : i32
      %dma_start3A_820 = arith.constant 0 : i32
      %dma_start3A_821 = tpu.memref_slice %arg10[%dma_start3A_818, %dma_start3A_819, %dma_start3A_820] : memref<32x8x128xf32, #tpu.memory_space<vmem>> -> memref<1x8x128xf32, #tpu.memory_space<vmem>>
      %dma_start3A_822 = tpu.memref_squeeze %dma_start3A_821 : memref<1x8x128xf32, #tpu.memory_space<vmem>> -> memref<8x128xf32, #tpu.memory_space<vmem>>
      %dma_start3A_823 = arith.constant 0 : i32
      %dma_start3A_824 = tpu.memref_slice %arg4[%dma_start3A_823, %multiple_of3A_814] : memref<8x1000000xf32, #tpu.memory_space<hbm>> -> memref<8x128xf32, #tpu.memory_space<hbm>>
      %dma_start3A_825 = arith.constant 0 : i32
      %dma_start3A_826 = arith.constant 0 : i32
      %dma_start3A_827 = tpu.memref_slice %arg10[%dma_start3A_818, %dma_start3A_825, %dma_start3A_826] : memref<32x8x128xf32, #tpu.memory_space<vmem>> -> memref<1x8x128xf32, #tpu.memory_space<vmem>>
      %dma_start3A_828 = tpu.memref_squeeze %dma_start3A_827 : memref<1x8x128xf32, #tpu.memory_space<vmem>> -> memref<8x128xf32, #tpu.memory_space<vmem>>
      %dma_start3A_829 = arith.constant 0 : i32
      %dma_start3A_830 = tpu.memref_slice %arg4[%dma_start3A_829, %multiple_of3A_814] : memref<8x1000000xf32, #tpu.memory_space<hbm>> -> memref<8x128xf32, #tpu.memory_space<hbm>>
      tpu.enqueue_dma source(%dma_start3A_830 : memref<8x128xf32, #tpu.memory_space<hbm>>) target(%dma_start3A_828 : memref<8x128xf32, #tpu.memory_space<vmem>>) target_semaphore(%arg15 : memref<!tpu.dma_semaphore, #tpu.memory_space<semaphore_mem>>)
      %dma_start3A_831 = arith.constant 23 : i32
      %dma_start3A_832 = arith.constant 0 : i32
      %dma_start3A_833 = arith.constant 0 : i32
      %dma_start3A_834 = tpu.memref_slice %arg11[%dma_start3A_831, %dma_start3A_832, %dma_start3A_833] : memref<32x8x128xf32, #tpu.memory_space<vmem>> -> memref<1x8x128xf32, #tpu.memory_space<vmem>>
      %dma_start3A_835 = tpu.memref_squeeze %dma_start3A_834 : memref<1x8x128xf32, #tpu.memory_space<vmem>> -> memref<8x128xf32, #tpu.memory_space<vmem>>
      %dma_start3A_836 = arith.constant 0 : i32
      %dma_start3A_837 = tpu.memref_slice %arg5[%dma_start3A_836, %multiple_of3A_817] : memref<8x1000000xf32, #tpu.memory_space<hbm>> -> memref<8x128xf32, #tpu.memory_space<hbm>>
      %dma_start3A_838 = arith.constant 0 : i32
      %dma_start3A_839 = arith.constant 0 : i32
      %dma_start3A_840 = tpu.memref_slice %arg11[%dma_start3A_831, %dma_start3A_838, %dma_start3A_839] : memref<32x8x128xf32, #tpu.memory_space<vmem>> -> memref<1x8x128xf32, #tpu.memory_space<vmem>>
      %dma_start3A_841 = tpu.memref_squeeze %dma_start3A_840 : memref<1x8x128xf32, #tpu.memory_space<vmem>> -> memref<8x128xf32, #tpu.memory_space<vmem>>
      %dma_start3A_842 = arith.constant 0 : i32
      %dma_start3A_843 = tpu.memref_slice %arg5[%dma_start3A_842, %multiple_of3A_817] : memref<8x1000000xf32, #tpu.memory_space<hbm>> -> memref<8x128xf32, #tpu.memory_space<hbm>>
      tpu.enqueue_dma source(%dma_start3A_843 : memref<8x128xf32, #tpu.memory_space<hbm>>) target(%dma_start3A_841 : memref<8x128xf32, #tpu.memory_space<vmem>>) target_semaphore(%arg15 : memref<!tpu.dma_semaphore, #tpu.memory_space<semaphore_mem>>)
      %slice3A_844 = vector.extract_strided_slice %and3A_582 {offsets = [8], sizes = [1], strides = [1]} : vector<16xi32> to vector<1xi32>
      %squeeze3A_845 = vector.extract %slice3A_844[0] : i32 from vector<1xi32>
      %multiple_of3A_846 = tpu.assume_multiple %squeeze3A_845, 128 : i32
      %slice3A_847 = vector.extract_strided_slice %and3A_587 {offsets = [8], sizes = [1], strides = [1]} : vector<16xi32> to vector<1xi32>
      %squeeze3A_848 = vector.extract %slice3A_847[0] : i32 from vector<1xi32>
      %multiple_of3A_849 = tpu.assume_multiple %squeeze3A_848, 128 : i32
      %dma_start3A_850 = arith.constant 24 : i32
      %dma_start3A_851 = arith.constant 0 : i32
      %dma_start3A_852 = arith.constant 0 : i32
      %dma_start3A_853 = tpu.memref_slice %arg10[%dma_start3A_850, %dma_start3A_851, %dma_start3A_852] : memref<32x8x128xf32, #tpu.memory_space<vmem>> -> memref<1x8x128xf32, #tpu.memory_space<vmem>>
      %dma_start3A_854 = tpu.memref_squeeze %dma_start3A_853 : memref<1x8x128xf32, #tpu.memory_space<vmem>> -> memref<8x128xf32, #tpu.memory_space<vmem>>
      %dma_start3A_855 = arith.constant 0 : i32
      %dma_start3A_856 = tpu.memref_slice %arg4[%dma_start3A_855, %multiple_of3A_846] : memref<8x1000000xf32, #tpu.memory_space<hbm>> -> memref<8x128xf32, #tpu.memory_space<hbm>>
      %dma_start3A_857 = arith.constant 0 : i32
      %dma_start3A_858 = arith.constant 0 : i32
      %dma_start3A_859 = tpu.memref_slice %arg10[%dma_start3A_850, %dma_start3A_857, %dma_start3A_858] : memref<32x8x128xf32, #tpu.memory_space<vmem>> -> memref<1x8x128xf32, #tpu.memory_space<vmem>>
      %dma_start3A_860 = tpu.memref_squeeze %dma_start3A_859 : memref<1x8x128xf32, #tpu.memory_space<vmem>> -> memref<8x128xf32, #tpu.memory_space<vmem>>
      %dma_start3A_861 = arith.constant 0 : i32
      %dma_start3A_862 = tpu.memref_slice %arg4[%dma_start3A_861, %multiple_of3A_846] : memref<8x1000000xf32, #tpu.memory_space<hbm>> -> memref<8x128xf32, #tpu.memory_space<hbm>>
      tpu.enqueue_dma source(%dma_start3A_862 : memref<8x128xf32, #tpu.memory_space<hbm>>) target(%dma_start3A_860 : memref<8x128xf32, #tpu.memory_space<vmem>>) target_semaphore(%arg15 : memref<!tpu.dma_semaphore, #tpu.memory_space<semaphore_mem>>)
      %dma_start3A_863 = arith.constant 24 : i32
      %dma_start3A_864 = arith.constant 0 : i32
      %dma_start3A_865 = arith.constant 0 : i32
      %dma_start3A_866 = tpu.memref_slice %arg11[%dma_start3A_863, %dma_start3A_864, %dma_start3A_865] : memref<32x8x128xf32, #tpu.memory_space<vmem>> -> memref<1x8x128xf32, #tpu.memory_space<vmem>>
      %dma_start3A_867 = tpu.memref_squeeze %dma_start3A_866 : memref<1x8x128xf32, #tpu.memory_space<vmem>> -> memref<8x128xf32, #tpu.memory_space<vmem>>
      %dma_start3A_868 = arith.constant 0 : i32
      %dma_start3A_869 = tpu.memref_slice %arg5[%dma_start3A_868, %multiple_of3A_849] : memref<8x1000000xf32, #tpu.memory_space<hbm>> -> memref<8x128xf32, #tpu.memory_space<hbm>>
      %dma_start3A_870 = arith.constant 0 : i32
      %dma_start3A_871 = arith.constant 0 : i32
      %dma_start3A_872 = tpu.memref_slice %arg11[%dma_start3A_863, %dma_start3A_870, %dma_start3A_871] : memref<32x8x128xf32, #tpu.memory_space<vmem>> -> memref<1x8x128xf32, #tpu.memory_space<vmem>>
      %dma_start3A_873 = tpu.memref_squeeze %dma_start3A_872 : memref<1x8x128xf32, #tpu.memory_space<vmem>> -> memref<8x128xf32, #tpu.memory_space<vmem>>
      %dma_start3A_874 = arith.constant 0 : i32
      %dma_start3A_875 = tpu.memref_slice %arg5[%dma_start3A_874, %multiple_of3A_849] : memref<8x1000000xf32, #tpu.memory_space<hbm>> -> memref<8x128xf32, #tpu.memory_space<hbm>>
      tpu.enqueue_dma source(%dma_start3A_875 : memref<8x128xf32, #tpu.memory_space<hbm>>) target(%dma_start3A_873 : memref<8x128xf32, #tpu.memory_space<vmem>>) target_semaphore(%arg15 : memref<!tpu.dma_semaphore, #tpu.memory_space<semaphore_mem>>)
      %slice3A_876 = vector.extract_strided_slice %and3A_582 {offsets = [9], sizes = [1], strides = [1]} : vector<16xi32> to vector<1xi32>
      %squeeze3A_877 = vector.extract %slice3A_876[0] : i32 from vector<1xi32>
      %multiple_of3A_878 = tpu.assume_multiple %squeeze3A_877, 128 : i32
      %slice3A_879 = vector.extract_strided_slice %and3A_587 {offsets = [9], sizes = [1], strides = [1]} : vector<16xi32> to vector<1xi32>
      %squeeze3A_880 = vector.extract %slice3A_879[0] : i32 from vector<1xi32>
      %multiple_of3A_881 = tpu.assume_multiple %squeeze3A_880, 128 : i32
      %dma_start3A_882 = arith.constant 25 : i32
      %dma_start3A_883 = arith.constant 0 : i32
      %dma_start3A_884 = arith.constant 0 : i32
      %dma_start3A_885 = tpu.memref_slice %arg10[%dma_start3A_882, %dma_start3A_883, %dma_start3A_884] : memref<32x8x128xf32, #tpu.memory_space<vmem>> -> memref<1x8x128xf32, #tpu.memory_space<vmem>>
      %dma_start3A_886 = tpu.memref_squeeze %dma_start3A_885 : memref<1x8x128xf32, #tpu.memory_space<vmem>> -> memref<8x128xf32, #tpu.memory_space<vmem>>
      %dma_start3A_887 = arith.constant 0 : i32
      %dma_start3A_888 = tpu.memref_slice %arg4[%dma_start3A_887, %multiple_of3A_878] : memref<8x1000000xf32, #tpu.memory_space<hbm>> -> memref<8x128xf32, #tpu.memory_space<hbm>>
      %dma_start3A_889 = arith.constant 0 : i32
      %dma_start3A_890 = arith.constant 0 : i32
      %dma_start3A_891 = tpu.memref_slice %arg10[%dma_start3A_882, %dma_start3A_889, %dma_start3A_890] : memref<32x8x128xf32, #tpu.memory_space<vmem>> -> memref<1x8x128xf32, #tpu.memory_space<vmem>>
      %dma_start3A_892 = tpu.memref_squeeze %dma_start3A_891 : memref<1x8x128xf32, #tpu.memory_space<vmem>> -> memref<8x128xf32, #tpu.memory_space<vmem>>
      %dma_start3A_893 = arith.constant 0 : i32
      %dma_start3A_894 = tpu.memref_slice %arg4[%dma_start3A_893, %multiple_of3A_878] : memref<8x1000000xf32, #tpu.memory_space<hbm>> -> memref<8x128xf32, #tpu.memory_space<hbm>>
      tpu.enqueue_dma source(%dma_start3A_894 : memref<8x128xf32, #tpu.memory_space<hbm>>) target(%dma_start3A_892 : memref<8x128xf32, #tpu.memory_space<vmem>>) target_semaphore(%arg15 : memref<!tpu.dma_semaphore, #tpu.memory_space<semaphore_mem>>)
      %dma_start3A_895 = arith.constant 25 : i32
      %dma_start3A_896 = arith.constant 0 : i32
      %dma_start3A_897 = arith.constant 0 : i32
      %dma_start3A_898 = tpu.memref_slice %arg11[%dma_start3A_895, %dma_start3A_896, %dma_start3A_897] : memref<32x8x128xf32, #tpu.memory_space<vmem>> -> memref<1x8x128xf32, #tpu.memory_space<vmem>>
      %dma_start3A_899 = tpu.memref_squeeze %dma_start3A_898 : memref<1x8x128xf32, #tpu.memory_space<vmem>> -> memref<8x128xf32, #tpu.memory_space<vmem>>
      %dma_start3A_900 = arith.constant 0 : i32
      %dma_start3A_901 = tpu.memref_slice %arg5[%dma_start3A_900, %multiple_of3A_881] : memref<8x1000000xf32, #tpu.memory_space<hbm>> -> memref<8x128xf32, #tpu.memory_space<hbm>>
      %dma_start3A_902 = arith.constant 0 : i32
      %dma_start3A_903 = arith.constant 0 : i32
      %dma_start3A_904 = tpu.memref_slice %arg11[%dma_start3A_895, %dma_start3A_902, %dma_start3A_903] : memref<32x8x128xf32, #tpu.memory_space<vmem>> -> memref<1x8x128xf32, #tpu.memory_space<vmem>>
      %dma_start3A_905 = tpu.memref_squeeze %dma_start3A_904 : memref<1x8x128xf32, #tpu.memory_space<vmem>> -> memref<8x128xf32, #tpu.memory_space<vmem>>
      %dma_start3A_906 = arith.constant 0 : i32
      %dma_start3A_907 = tpu.memref_slice %arg5[%dma_start3A_906, %multiple_of3A_881] : memref<8x1000000xf32, #tpu.memory_space<hbm>> -> memref<8x128xf32, #tpu.memory_space<hbm>>
      tpu.enqueue_dma source(%dma_start3A_907 : memref<8x128xf32, #tpu.memory_space<hbm>>) target(%dma_start3A_905 : memref<8x128xf32, #tpu.memory_space<vmem>>) target_semaphore(%arg15 : memref<!tpu.dma_semaphore, #tpu.memory_space<semaphore_mem>>)
      %slice3A_908 = vector.extract_strided_slice %and3A_582 {offsets = [10], sizes = [1], strides = [1]} : vector<16xi32> to vector<1xi32>
      %squeeze3A_909 = vector.extract %slice3A_908[0] : i32 from vector<1xi32>
      %multiple_of3A_910 = tpu.assume_multiple %squeeze3A_909, 128 : i32
      %slice3A_911 = vector.extract_strided_slice %and3A_587 {offsets = [10], sizes = [1], strides = [1]} : vector<16xi32> to vector<1xi32>
      %squeeze3A_912 = vector.extract %slice3A_911[0] : i32 from vector<1xi32>
      %multiple_of3A_913 = tpu.assume_multiple %squeeze3A_912, 128 : i32
      %dma_start3A_914 = arith.constant 26 : i32
      %dma_start3A_915 = arith.constant 0 : i32
      %dma_start3A_916 = arith.constant 0 : i32
      %dma_start3A_917 = tpu.memref_slice %arg10[%dma_start3A_914, %dma_start3A_915, %dma_start3A_916] : memref<32x8x128xf32, #tpu.memory_space<vmem>> -> memref<1x8x128xf32, #tpu.memory_space<vmem>>
      %dma_start3A_918 = tpu.memref_squeeze %dma_start3A_917 : memref<1x8x128xf32, #tpu.memory_space<vmem>> -> memref<8x128xf32, #tpu.memory_space<vmem>>
      %dma_start3A_919 = arith.constant 0 : i32
      %dma_start3A_920 = tpu.memref_slice %arg4[%dma_start3A_919, %multiple_of3A_910] : memref<8x1000000xf32, #tpu.memory_space<hbm>> -> memref<8x128xf32, #tpu.memory_space<hbm>>
      %dma_start3A_921 = arith.constant 0 : i32
      %dma_start3A_922 = arith.constant 0 : i32
      %dma_start3A_923 = tpu.memref_slice %arg10[%dma_start3A_914, %dma_start3A_921, %dma_start3A_922] : memref<32x8x128xf32, #tpu.memory_space<vmem>> -> memref<1x8x128xf32, #tpu.memory_space<vmem>>
      %dma_start3A_924 = tpu.memref_squeeze %dma_start3A_923 : memref<1x8x128xf32, #tpu.memory_space<vmem>> -> memref<8x128xf32, #tpu.memory_space<vmem>>
      %dma_start3A_925 = arith.constant 0 : i32
      %dma_start3A_926 = tpu.memref_slice %arg4[%dma_start3A_925, %multiple_of3A_910] : memref<8x1000000xf32, #tpu.memory_space<hbm>> -> memref<8x128xf32, #tpu.memory_space<hbm>>
      tpu.enqueue_dma source(%dma_start3A_926 : memref<8x128xf32, #tpu.memory_space<hbm>>) target(%dma_start3A_924 : memref<8x128xf32, #tpu.memory_space<vmem>>) target_semaphore(%arg15 : memref<!tpu.dma_semaphore, #tpu.memory_space<semaphore_mem>>)
      %dma_start3A_927 = arith.constant 26 : i32
      %dma_start3A_928 = arith.constant 0 : i32
      %dma_start3A_929 = arith.constant 0 : i32
      %dma_start3A_930 = tpu.memref_slice %arg11[%dma_start3A_927, %dma_start3A_928, %dma_start3A_929] : memref<32x8x128xf32, #tpu.memory_space<vmem>> -> memref<1x8x128xf32, #tpu.memory_space<vmem>>
      %dma_start3A_931 = tpu.memref_squeeze %dma_start3A_930 : memref<1x8x128xf32, #tpu.memory_space<vmem>> -> memref<8x128xf32, #tpu.memory_space<vmem>>
      %dma_start3A_932 = arith.constant 0 : i32
      %dma_start3A_933 = tpu.memref_slice %arg5[%dma_start3A_932, %multiple_of3A_913] : memref<8x1000000xf32, #tpu.memory_space<hbm>> -> memref<8x128xf32, #tpu.memory_space<hbm>>
      %dma_start3A_934 = arith.constant 0 : i32
      %dma_start3A_935 = arith.constant 0 : i32
      %dma_start3A_936 = tpu.memref_slice %arg11[%dma_start3A_927, %dma_start3A_934, %dma_start3A_935] : memref<32x8x128xf32, #tpu.memory_space<vmem>> -> memref<1x8x128xf32, #tpu.memory_space<vmem>>
      %dma_start3A_937 = tpu.memref_squeeze %dma_start3A_936 : memref<1x8x128xf32, #tpu.memory_space<vmem>> -> memref<8x128xf32, #tpu.memory_space<vmem>>
      %dma_start3A_938 = arith.constant 0 : i32
      %dma_start3A_939 = tpu.memref_slice %arg5[%dma_start3A_938, %multiple_of3A_913] : memref<8x1000000xf32, #tpu.memory_space<hbm>> -> memref<8x128xf32, #tpu.memory_space<hbm>>
      tpu.enqueue_dma source(%dma_start3A_939 : memref<8x128xf32, #tpu.memory_space<hbm>>) target(%dma_start3A_937 : memref<8x128xf32, #tpu.memory_space<vmem>>) target_semaphore(%arg15 : memref<!tpu.dma_semaphore, #tpu.memory_space<semaphore_mem>>)
      %slice3A_940 = vector.extract_strided_slice %and3A_582 {offsets = [11], sizes = [1], strides = [1]} : vector<16xi32> to vector<1xi32>
      %squeeze3A_941 = vector.extract %slice3A_940[0] : i32 from vector<1xi32>
      %multiple_of3A_942 = tpu.assume_multiple %squeeze3A_941, 128 : i32
      %slice3A_943 = vector.extract_strided_slice %and3A_587 {offsets = [11], sizes = [1], strides = [1]} : vector<16xi32> to vector<1xi32>
      %squeeze3A_944 = vector.extract %slice3A_943[0] : i32 from vector<1xi32>
      %multiple_of3A_945 = tpu.assume_multiple %squeeze3A_944, 128 : i32
      %dma_start3A_946 = arith.constant 27 : i32
      %dma_start3A_947 = arith.constant 0 : i32
      %dma_start3A_948 = arith.constant 0 : i32
      %dma_start3A_949 = tpu.memref_slice %arg10[%dma_start3A_946, %dma_start3A_947, %dma_start3A_948] : memref<32x8x128xf32, #tpu.memory_space<vmem>> -> memref<1x8x128xf32, #tpu.memory_space<vmem>>
      %dma_start3A_950 = tpu.memref_squeeze %dma_start3A_949 : memref<1x8x128xf32, #tpu.memory_space<vmem>> -> memref<8x128xf32, #tpu.memory_space<vmem>>
      %dma_start3A_951 = arith.constant 0 : i32
      %dma_start3A_952 = tpu.memref_slice %arg4[%dma_start3A_951, %multiple_of3A_942] : memref<8x1000000xf32, #tpu.memory_space<hbm>> -> memref<8x128xf32, #tpu.memory_space<hbm>>
      %dma_start3A_953 = arith.constant 0 : i32
      %dma_start3A_954 = arith.constant 0 : i32
      %dma_start3A_955 = tpu.memref_slice %arg10[%dma_start3A_946, %dma_start3A_953, %dma_start3A_954] : memref<32x8x128xf32, #tpu.memory_space<vmem>> -> memref<1x8x128xf32, #tpu.memory_space<vmem>>
      %dma_start3A_956 = tpu.memref_squeeze %dma_start3A_955 : memref<1x8x128xf32, #tpu.memory_space<vmem>> -> memref<8x128xf32, #tpu.memory_space<vmem>>
      %dma_start3A_957 = arith.constant 0 : i32
      %dma_start3A_958 = tpu.memref_slice %arg4[%dma_start3A_957, %multiple_of3A_942] : memref<8x1000000xf32, #tpu.memory_space<hbm>> -> memref<8x128xf32, #tpu.memory_space<hbm>>
      tpu.enqueue_dma source(%dma_start3A_958 : memref<8x128xf32, #tpu.memory_space<hbm>>) target(%dma_start3A_956 : memref<8x128xf32, #tpu.memory_space<vmem>>) target_semaphore(%arg15 : memref<!tpu.dma_semaphore, #tpu.memory_space<semaphore_mem>>)
      %dma_start3A_959 = arith.constant 27 : i32
      %dma_start3A_960 = arith.constant 0 : i32
      %dma_start3A_961 = arith.constant 0 : i32
      %dma_start3A_962 = tpu.memref_slice %arg11[%dma_start3A_959, %dma_start3A_960, %dma_start3A_961] : memref<32x8x128xf32, #tpu.memory_space<vmem>> -> memref<1x8x128xf32, #tpu.memory_space<vmem>>
      %dma_start3A_963 = tpu.memref_squeeze %dma_start3A_962 : memref<1x8x128xf32, #tpu.memory_space<vmem>> -> memref<8x128xf32, #tpu.memory_space<vmem>>
      %dma_start3A_964 = arith.constant 0 : i32
      %dma_start3A_965 = tpu.memref_slice %arg5[%dma_start3A_964, %multiple_of3A_945] : memref<8x1000000xf32, #tpu.memory_space<hbm>> -> memref<8x128xf32, #tpu.memory_space<hbm>>
      %dma_start3A_966 = arith.constant 0 : i32
      %dma_start3A_967 = arith.constant 0 : i32
      %dma_start3A_968 = tpu.memref_slice %arg11[%dma_start3A_959, %dma_start3A_966, %dma_start3A_967] : memref<32x8x128xf32, #tpu.memory_space<vmem>> -> memref<1x8x128xf32, #tpu.memory_space<vmem>>
      %dma_start3A_969 = tpu.memref_squeeze %dma_start3A_968 : memref<1x8x128xf32, #tpu.memory_space<vmem>> -> memref<8x128xf32, #tpu.memory_space<vmem>>
      %dma_start3A_970 = arith.constant 0 : i32
      %dma_start3A_971 = tpu.memref_slice %arg5[%dma_start3A_970, %multiple_of3A_945] : memref<8x1000000xf32, #tpu.memory_space<hbm>> -> memref<8x128xf32, #tpu.memory_space<hbm>>
      tpu.enqueue_dma source(%dma_start3A_971 : memref<8x128xf32, #tpu.memory_space<hbm>>) target(%dma_start3A_969 : memref<8x128xf32, #tpu.memory_space<vmem>>) target_semaphore(%arg15 : memref<!tpu.dma_semaphore, #tpu.memory_space<semaphore_mem>>)
      %slice3A_972 = vector.extract_strided_slice %and3A_582 {offsets = [12], sizes = [1], strides = [1]} : vector<16xi32> to vector<1xi32>
      %squeeze3A_973 = vector.extract %slice3A_972[0] : i32 from vector<1xi32>
      %multiple_of3A_974 = tpu.assume_multiple %squeeze3A_973, 128 : i32
      %slice3A_975 = vector.extract_strided_slice %and3A_587 {offsets = [12], sizes = [1], strides = [1]} : vector<16xi32> to vector<1xi32>
      %squeeze3A_976 = vector.extract %slice3A_975[0] : i32 from vector<1xi32>
      %multiple_of3A_977 = tpu.assume_multiple %squeeze3A_976, 128 : i32
      %dma_start3A_978 = arith.constant 28 : i32
      %dma_start3A_979 = arith.constant 0 : i32
      %dma_start3A_980 = arith.constant 0 : i32
      %dma_start3A_981 = tpu.memref_slice %arg10[%dma_start3A_978, %dma_start3A_979, %dma_start3A_980] : memref<32x8x128xf32, #tpu.memory_space<vmem>> -> memref<1x8x128xf32, #tpu.memory_space<vmem>>
      %dma_start3A_982 = tpu.memref_squeeze %dma_start3A_981 : memref<1x8x128xf32, #tpu.memory_space<vmem>> -> memref<8x128xf32, #tpu.memory_space<vmem>>
      %dma_start3A_983 = arith.constant 0 : i32
      %dma_start3A_984 = tpu.memref_slice %arg4[%dma_start3A_983, %multiple_of3A_974] : memref<8x1000000xf32, #tpu.memory_space<hbm>> -> memref<8x128xf32, #tpu.memory_space<hbm>>
      %dma_start3A_985 = arith.constant 0 : i32
      %dma_start3A_986 = arith.constant 0 : i32
      %dma_start3A_987 = tpu.memref_slice %arg10[%dma_start3A_978, %dma_start3A_985, %dma_start3A_986] : memref<32x8x128xf32, #tpu.memory_space<vmem>> -> memref<1x8x128xf32, #tpu.memory_space<vmem>>
      %dma_start3A_988 = tpu.memref_squeeze %dma_start3A_987 : memref<1x8x128xf32, #tpu.memory_space<vmem>> -> memref<8x128xf32, #tpu.memory_space<vmem>>
      %dma_start3A_989 = arith.constant 0 : i32
      %dma_start3A_990 = tpu.memref_slice %arg4[%dma_start3A_989, %multiple_of3A_974] : memref<8x1000000xf32, #tpu.memory_space<hbm>> -> memref<8x128xf32, #tpu.memory_space<hbm>>
      tpu.enqueue_dma source(%dma_start3A_990 : memref<8x128xf32, #tpu.memory_space<hbm>>) target(%dma_start3A_988 : memref<8x128xf32, #tpu.memory_space<vmem>>) target_semaphore(%arg15 : memref<!tpu.dma_semaphore, #tpu.memory_space<semaphore_mem>>)
      %dma_start3A_991 = arith.constant 28 : i32
      %dma_start3A_992 = arith.constant 0 : i32
      %dma_start3A_993 = arith.constant 0 : i32
      %dma_start3A_994 = tpu.memref_slice %arg11[%dma_start3A_991, %dma_start3A_992, %dma_start3A_993] : memref<32x8x128xf32, #tpu.memory_space<vmem>> -> memref<1x8x128xf32, #tpu.memory_space<vmem>>
      %dma_start3A_995 = tpu.memref_squeeze %dma_start3A_994 : memref<1x8x128xf32, #tpu.memory_space<vmem>> -> memref<8x128xf32, #tpu.memory_space<vmem>>
      %dma_start3A_996 = arith.constant 0 : i32
      %dma_start3A_997 = tpu.memref_slice %arg5[%dma_start3A_996, %multiple_of3A_977] : memref<8x1000000xf32, #tpu.memory_space<hbm>> -> memref<8x128xf32, #tpu.memory_space<hbm>>
      %dma_start3A_998 = arith.constant 0 : i32
      %dma_start3A_999 = arith.constant 0 : i32
      %dma_start3A_1000 = tpu.memref_slice %arg11[%dma_start3A_991, %dma_start3A_998, %dma_start3A_999] : memref<32x8x128xf32, #tpu.memory_space<vmem>> -> memref<1x8x128xf32, #tpu.memory_space<vmem>>
      %dma_start3A_1001 = tpu.memref_squeeze %dma_start3A_1000 : memref<1x8x128xf32, #tpu.memory_space<vmem>> -> memref<8x128xf32, #tpu.memory_space<vmem>>
      %dma_start3A_1002 = arith.constant 0 : i32
      %dma_start3A_1003 = tpu.memref_slice %arg5[%dma_start3A_1002, %multiple_of3A_977] : memref<8x1000000xf32, #tpu.memory_space<hbm>> -> memref<8x128xf32, #tpu.memory_space<hbm>>
      tpu.enqueue_dma source(%dma_start3A_1003 : memref<8x128xf32, #tpu.memory_space<hbm>>) target(%dma_start3A_1001 : memref<8x128xf32, #tpu.memory_space<vmem>>) target_semaphore(%arg15 : memref<!tpu.dma_semaphore, #tpu.memory_space<semaphore_mem>>)
      %slice3A_1004 = vector.extract_strided_slice %and3A_582 {offsets = [13], sizes = [1], strides = [1]} : vector<16xi32> to vector<1xi32>
      %squeeze3A_1005 = vector.extract %slice3A_1004[0] : i32 from vector<1xi32>
      %multiple_of3A_1006 = tpu.assume_multiple %squeeze3A_1005, 128 : i32
      %slice3A_1007 = vector.extract_strided_slice %and3A_587 {offsets = [13], sizes = [1], strides = [1]} : vector<16xi32> to vector<1xi32>
      %squeeze3A_1008 = vector.extract %slice3A_1007[0] : i32 from vector<1xi32>
      %multiple_of3A_1009 = tpu.assume_multiple %squeeze3A_1008, 128 : i32
      %dma_start3A_1010 = arith.constant 29 : i32
      %dma_start3A_1011 = arith.constant 0 : i32
      %dma_start3A_1012 = arith.constant 0 : i32
      %dma_start3A_1013 = tpu.memref_slice %arg10[%dma_start3A_1010, %dma_start3A_1011, %dma_start3A_1012] : memref<32x8x128xf32, #tpu.memory_space<vmem>> -> memref<1x8x128xf32, #tpu.memory_space<vmem>>
      %dma_start3A_1014 = tpu.memref_squeeze %dma_start3A_1013 : memref<1x8x128xf32, #tpu.memory_space<vmem>> -> memref<8x128xf32, #tpu.memory_space<vmem>>
      %dma_start3A_1015 = arith.constant 0 : i32
      %dma_start3A_1016 = tpu.memref_slice %arg4[%dma_start3A_1015, %multiple_of3A_1006] : memref<8x1000000xf32, #tpu.memory_space<hbm>> -> memref<8x128xf32, #tpu.memory_space<hbm>>
      %dma_start3A_1017 = arith.constant 0 : i32
      %dma_start3A_1018 = arith.constant 0 : i32
      %dma_start3A_1019 = tpu.memref_slice %arg10[%dma_start3A_1010, %dma_start3A_1017, %dma_start3A_1018] : memref<32x8x128xf32, #tpu.memory_space<vmem>> -> memref<1x8x128xf32, #tpu.memory_space<vmem>>
      %dma_start3A_1020 = tpu.memref_squeeze %dma_start3A_1019 : memref<1x8x128xf32, #tpu.memory_space<vmem>> -> memref<8x128xf32, #tpu.memory_space<vmem>>
      %dma_start3A_1021 = arith.constant 0 : i32
      %dma_start3A_1022 = tpu.memref_slice %arg4[%dma_start3A_1021, %multiple_of3A_1006] : memref<8x1000000xf32, #tpu.memory_space<hbm>> -> memref<8x128xf32, #tpu.memory_space<hbm>>
      tpu.enqueue_dma source(%dma_start3A_1022 : memref<8x128xf32, #tpu.memory_space<hbm>>) target(%dma_start3A_1020 : memref<8x128xf32, #tpu.memory_space<vmem>>) target_semaphore(%arg15 : memref<!tpu.dma_semaphore, #tpu.memory_space<semaphore_mem>>)
      %dma_start3A_1023 = arith.constant 29 : i32
      %dma_start3A_1024 = arith.constant 0 : i32
      %dma_start3A_1025 = arith.constant 0 : i32
      %dma_start3A_1026 = tpu.memref_slice %arg11[%dma_start3A_1023, %dma_start3A_1024, %dma_start3A_1025] : memref<32x8x128xf32, #tpu.memory_space<vmem>> -> memref<1x8x128xf32, #tpu.memory_space<vmem>>
      %dma_start3A_1027 = tpu.memref_squeeze %dma_start3A_1026 : memref<1x8x128xf32, #tpu.memory_space<vmem>> -> memref<8x128xf32, #tpu.memory_space<vmem>>
      %dma_start3A_1028 = arith.constant 0 : i32
      %dma_start3A_1029 = tpu.memref_slice %arg5[%dma_start3A_1028, %multiple_of3A_1009] : memref<8x1000000xf32, #tpu.memory_space<hbm>> -> memref<8x128xf32, #tpu.memory_space<hbm>>
      %dma_start3A_1030 = arith.constant 0 : i32
      %dma_start3A_1031 = arith.constant 0 : i32
      %dma_start3A_1032 = tpu.memref_slice %arg11[%dma_start3A_1023, %dma_start3A_1030, %dma_start3A_1031] : memref<32x8x128xf32, #tpu.memory_space<vmem>> -> memref<1x8x128xf32, #tpu.memory_space<vmem>>
      %dma_start3A_1033 = tpu.memref_squeeze %dma_start3A_1032 : memref<1x8x128xf32, #tpu.memory_space<vmem>> -> memref<8x128xf32, #tpu.memory_space<vmem>>
      %dma_start3A_1034 = arith.constant 0 : i32
      %dma_start3A_1035 = tpu.memref_slice %arg5[%dma_start3A_1034, %multiple_of3A_1009] : memref<8x1000000xf32, #tpu.memory_space<hbm>> -> memref<8x128xf32, #tpu.memory_space<hbm>>
      tpu.enqueue_dma source(%dma_start3A_1035 : memref<8x128xf32, #tpu.memory_space<hbm>>) target(%dma_start3A_1033 : memref<8x128xf32, #tpu.memory_space<vmem>>) target_semaphore(%arg15 : memref<!tpu.dma_semaphore, #tpu.memory_space<semaphore_mem>>)
      %slice3A_1036 = vector.extract_strided_slice %and3A_582 {offsets = [14], sizes = [1], strides = [1]} : vector<16xi32> to vector<1xi32>
      %squeeze3A_1037 = vector.extract %slice3A_1036[0] : i32 from vector<1xi32>
      %multiple_of3A_1038 = tpu.assume_multiple %squeeze3A_1037, 128 : i32
      %slice3A_1039 = vector.extract_strided_slice %and3A_587 {offsets = [14], sizes = [1], strides = [1]} : vector<16xi32> to vector<1xi32>
      %squeeze3A_1040 = vector.extract %slice3A_1039[0] : i32 from vector<1xi32>
      %multiple_of3A_1041 = tpu.assume_multiple %squeeze3A_1040, 128 : i32
      %dma_start3A_1042 = arith.constant 30 : i32
      %dma_start3A_1043 = arith.constant 0 : i32
      %dma_start3A_1044 = arith.constant 0 : i32
      %dma_start3A_1045 = tpu.memref_slice %arg10[%dma_start3A_1042, %dma_start3A_1043, %dma_start3A_1044] : memref<32x8x128xf32, #tpu.memory_space<vmem>> -> memref<1x8x128xf32, #tpu.memory_space<vmem>>
      %dma_start3A_1046 = tpu.memref_squeeze %dma_start3A_1045 : memref<1x8x128xf32, #tpu.memory_space<vmem>> -> memref<8x128xf32, #tpu.memory_space<vmem>>
      %dma_start3A_1047 = arith.constant 0 : i32
      %dma_start3A_1048 = tpu.memref_slice %arg4[%dma_start3A_1047, %multiple_of3A_1038] : memref<8x1000000xf32, #tpu.memory_space<hbm>> -> memref<8x128xf32, #tpu.memory_space<hbm>>
      %dma_start3A_1049 = arith.constant 0 : i32
      %dma_start3A_1050 = arith.constant 0 : i32
      %dma_start3A_1051 = tpu.memref_slice %arg10[%dma_start3A_1042, %dma_start3A_1049, %dma_start3A_1050] : memref<32x8x128xf32, #tpu.memory_space<vmem>> -> memref<1x8x128xf32, #tpu.memory_space<vmem>>
      %dma_start3A_1052 = tpu.memref_squeeze %dma_start3A_1051 : memref<1x8x128xf32, #tpu.memory_space<vmem>> -> memref<8x128xf32, #tpu.memory_space<vmem>>
      %dma_start3A_1053 = arith.constant 0 : i32
      %dma_start3A_1054 = tpu.memref_slice %arg4[%dma_start3A_1053, %multiple_of3A_1038] : memref<8x1000000xf32, #tpu.memory_space<hbm>> -> memref<8x128xf32, #tpu.memory_space<hbm>>
      tpu.enqueue_dma source(%dma_start3A_1054 : memref<8x128xf32, #tpu.memory_space<hbm>>) target(%dma_start3A_1052 : memref<8x128xf32, #tpu.memory_space<vmem>>) target_semaphore(%arg15 : memref<!tpu.dma_semaphore, #tpu.memory_space<semaphore_mem>>)
      %dma_start3A_1055 = arith.constant 30 : i32
      %dma_start3A_1056 = arith.constant 0 : i32
      %dma_start3A_1057 = arith.constant 0 : i32
      %dma_start3A_1058 = tpu.memref_slice %arg11[%dma_start3A_1055, %dma_start3A_1056, %dma_start3A_1057] : memref<32x8x128xf32, #tpu.memory_space<vmem>> -> memref<1x8x128xf32, #tpu.memory_space<vmem>>
      %dma_start3A_1059 = tpu.memref_squeeze %dma_start3A_1058 : memref<1x8x128xf32, #tpu.memory_space<vmem>> -> memref<8x128xf32, #tpu.memory_space<vmem>>
      %dma_start3A_1060 = arith.constant 0 : i32
      %dma_start3A_1061 = tpu.memref_slice %arg5[%dma_start3A_1060, %multiple_of3A_1041] : memref<8x1000000xf32, #tpu.memory_space<hbm>> -> memref<8x128xf32, #tpu.memory_space<hbm>>
      %dma_start3A_1062 = arith.constant 0 : i32
      %dma_start3A_1063 = arith.constant 0 : i32
      %dma_start3A_1064 = tpu.memref_slice %arg11[%dma_start3A_1055, %dma_start3A_1062, %dma_start3A_1063] : memref<32x8x128xf32, #tpu.memory_space<vmem>> -> memref<1x8x128xf32, #tpu.memory_space<vmem>>
      %dma_start3A_1065 = tpu.memref_squeeze %dma_start3A_1064 : memref<1x8x128xf32, #tpu.memory_space<vmem>> -> memref<8x128xf32, #tpu.memory_space<vmem>>
      %dma_start3A_1066 = arith.constant 0 : i32
      %dma_start3A_1067 = tpu.memref_slice %arg5[%dma_start3A_1066, %multiple_of3A_1041] : memref<8x1000000xf32, #tpu.memory_space<hbm>> -> memref<8x128xf32, #tpu.memory_space<hbm>>
      tpu.enqueue_dma source(%dma_start3A_1067 : memref<8x128xf32, #tpu.memory_space<hbm>>) target(%dma_start3A_1065 : memref<8x128xf32, #tpu.memory_space<vmem>>) target_semaphore(%arg15 : memref<!tpu.dma_semaphore, #tpu.memory_space<semaphore_mem>>)
      %slice3A_1068 = vector.extract_strided_slice %and3A_582 {offsets = [15], sizes = [1], strides = [1]} : vector<16xi32> to vector<1xi32>
      %squeeze3A_1069 = vector.extract %slice3A_1068[0] : i32 from vector<1xi32>
      %multiple_of3A_1070 = tpu.assume_multiple %squeeze3A_1069, 128 : i32
      %slice3A_1071 = vector.extract_strided_slice %and3A_587 {offsets = [15], sizes = [1], strides = [1]} : vector<16xi32> to vector<1xi32>
      %squeeze3A_1072 = vector.extract %slice3A_1071[0] : i32 from vector<1xi32>
      %multiple_of3A_1073 = tpu.assume_multiple %squeeze3A_1072, 128 : i32
      %dma_start3A_1074 = arith.constant 31 : i32
      %dma_start3A_1075 = arith.constant 0 : i32
      %dma_start3A_1076 = arith.constant 0 : i32
      %dma_start3A_1077 = tpu.memref_slice %arg10[%dma_start3A_1074, %dma_start3A_1075, %dma_start3A_1076] : memref<32x8x128xf32, #tpu.memory_space<vmem>> -> memref<1x8x128xf32, #tpu.memory_space<vmem>>
      %dma_start3A_1078 = tpu.memref_squeeze %dma_start3A_1077 : memref<1x8x128xf32, #tpu.memory_space<vmem>> -> memref<8x128xf32, #tpu.memory_space<vmem>>
      %dma_start3A_1079 = arith.constant 0 : i32
      %dma_start3A_1080 = tpu.memref_slice %arg4[%dma_start3A_1079, %multiple_of3A_1070] : memref<8x1000000xf32, #tpu.memory_space<hbm>> -> memref<8x128xf32, #tpu.memory_space<hbm>>
      %dma_start3A_1081 = arith.constant 0 : i32
      %dma_start3A_1082 = arith.constant 0 : i32
      %dma_start3A_1083 = tpu.memref_slice %arg10[%dma_start3A_1074, %dma_start3A_1081, %dma_start3A_1082] : memref<32x8x128xf32, #tpu.memory_space<vmem>> -> memref<1x8x128xf32, #tpu.memory_space<vmem>>
      %dma_start3A_1084 = tpu.memref_squeeze %dma_start3A_1083 : memref<1x8x128xf32, #tpu.memory_space<vmem>> -> memref<8x128xf32, #tpu.memory_space<vmem>>
      %dma_start3A_1085 = arith.constant 0 : i32
      %dma_start3A_1086 = tpu.memref_slice %arg4[%dma_start3A_1085, %multiple_of3A_1070] : memref<8x1000000xf32, #tpu.memory_space<hbm>> -> memref<8x128xf32, #tpu.memory_space<hbm>>
      tpu.enqueue_dma source(%dma_start3A_1086 : memref<8x128xf32, #tpu.memory_space<hbm>>) target(%dma_start3A_1084 : memref<8x128xf32, #tpu.memory_space<vmem>>) target_semaphore(%arg15 : memref<!tpu.dma_semaphore, #tpu.memory_space<semaphore_mem>>)
      %dma_start3A_1087 = arith.constant 31 : i32
      %dma_start3A_1088 = arith.constant 0 : i32
      %dma_start3A_1089 = arith.constant 0 : i32
      %dma_start3A_1090 = tpu.memref_slice %arg11[%dma_start3A_1087, %dma_start3A_1088, %dma_start3A_1089] : memref<32x8x128xf32, #tpu.memory_space<vmem>> -> memref<1x8x128xf32, #tpu.memory_space<vmem>>
      %dma_start3A_1091 = tpu.memref_squeeze %dma_start3A_1090 : memref<1x8x128xf32, #tpu.memory_space<vmem>> -> memref<8x128xf32, #tpu.memory_space<vmem>>
      %dma_start3A_1092 = arith.constant 0 : i32
      %dma_start3A_1093 = tpu.memref_slice %arg5[%dma_start3A_1092, %multiple_of3A_1073] : memref<8x1000000xf32, #tpu.memory_space<hbm>> -> memref<8x128xf32, #tpu.memory_space<hbm>>
      %dma_start3A_1094 = arith.constant 0 : i32
      %dma_start3A_1095 = arith.constant 0 : i32
      %dma_start3A_1096 = tpu.memref_slice %arg11[%dma_start3A_1087, %dma_start3A_1094, %dma_start3A_1095] : memref<32x8x128xf32, #tpu.memory_space<vmem>> -> memref<1x8x128xf32, #tpu.memory_space<vmem>>
      %dma_start3A_1097 = tpu.memref_squeeze %dma_start3A_1096 : memref<1x8x128xf32, #tpu.memory_space<vmem>> -> memref<8x128xf32, #tpu.memory_space<vmem>>
      %dma_start3A_1098 = arith.constant 0 : i32
      %dma_start3A_1099 = tpu.memref_slice %arg5[%dma_start3A_1098, %multiple_of3A_1073] : memref<8x1000000xf32, #tpu.memory_space<hbm>> -> memref<8x128xf32, #tpu.memory_space<hbm>>
      tpu.enqueue_dma source(%dma_start3A_1099 : memref<8x128xf32, #tpu.memory_space<hbm>>) target(%dma_start3A_1097 : memref<8x128xf32, #tpu.memory_space<vmem>>) target_semaphore(%arg15 : memref<!tpu.dma_semaphore, #tpu.memory_space<semaphore_mem>>)
      %dma_wait3A_1100 = arith.constant 0 : i32
      %dma_wait3A_1101 = arith.constant 0 : i32
      %dma_wait3A_1102 = tpu.memref_slice %arg4[%dma_wait3A_1100, %dma_wait3A_1101] : memref<8x1000000xf32, #tpu.memory_space<hbm>> -> memref<8x4096xf32, #tpu.memory_space<hbm>>
      %dma_wait3A_1103 = arith.constant 0 : i32
      %dma_wait3A_1104 = arith.constant 0 : i32
      %dma_wait3A_1105 = tpu.memref_slice %arg4[%dma_wait3A_1103, %dma_wait3A_1104] : memref<8x1000000xf32, #tpu.memory_space<hbm>> -> memref<8x4096xf32, #tpu.memory_space<hbm>>
      tpu.wait_dma2 semaphore(%arg15 : memref<!tpu.dma_semaphore, #tpu.memory_space<semaphore_mem>>) src(%dma_wait3A_1105 : memref<8x4096xf32, #tpu.memory_space<hbm>>) dst(%arg10 : memref<32x8x128xf32, #tpu.memory_space<vmem>>)
      %dma_wait3A_1106 = arith.constant 0 : i32
      %dma_wait3A_1107 = arith.constant 0 : i32
      %dma_wait3A_1108 = tpu.memref_slice %arg5[%dma_wait3A_1106, %dma_wait3A_1107] : memref<8x1000000xf32, #tpu.memory_space<hbm>> -> memref<8x4096xf32, #tpu.memory_space<hbm>>
      %dma_wait3A_1109 = arith.constant 0 : i32
      %dma_wait3A_1110 = arith.constant 0 : i32
      %dma_wait3A_1111 = tpu.memref_slice %arg5[%dma_wait3A_1109, %dma_wait3A_1110] : memref<8x1000000xf32, #tpu.memory_space<hbm>> -> memref<8x4096xf32, #tpu.memory_space<hbm>>
      tpu.wait_dma2 semaphore(%arg15 : memref<!tpu.dma_semaphore, #tpu.memory_space<semaphore_mem>>) src(%dma_wait3A_1111 : memref<8x4096xf32, #tpu.memory_space<hbm>>) dst(%arg11 : memref<32x8x128xf32, #tpu.memory_space<vmem>>)
      %sub3A = arith.subi %get3A_36, %and3A_47 : vector<16xi32>
      %sub3A_1112 = arith.subi %get3A_44, %and3A_52 : vector<16xi32>
      %add3A_1113 = arith.constant 0 : i32
      %add3A_1114 = vector.broadcast %add3A_1113 : i32 to vector<16xi32>
      %add3A_1115 = arith.addi %iota3A, %add3A_1114 : vector<16xi32>
      %broadcast_in_dim3A = arith.constant 0 : i32
      %broadcast_in_dim3A_1116 = vector.broadcast %broadcast_in_dim3A : i32 to vector<16xi32>
      %gather3A = tpu.vector_load_idx %arg10[%add3A_1115, %broadcast_in_dim3A_1116, %sub3A] : memref<32x8x128xf32, #tpu.memory_space<vmem>>[vector<16xi32>, vector<16xi32>, vector<16xi32>], vector<16xf32>,
      %gather3A_1117 = tpu.vector_load_idx %arg11[%add3A_1115, %broadcast_in_dim3A_1116, %sub3A_1112] : memref<32x8x128xf32, #tpu.memory_space<vmem>>[vector<16xi32>, vector<16xi32>, vector<16xi32>], vector<16xf32>,
      %mul3A_1118 = arith.constant 2 : i32
      %mul3A_1119 = arith.muli %mul3A_1118, %scan3A_29 : i32
      %add3A_1120 = arith.constant 0 : i32
      %add3A_1121 = arith.addi %mul3A_1119, %add3A_1120 : i32
      %mul3A_1122 = arith.constant 16 : i32
      %mul3A_1123 = arith.muli %add3A_1121, %mul3A_1122 : i32
      %add3A_1124 = arith.constant 0 : i32
      %add3A_1125 = arith.addi %add3A_1124, %mul3A_1123 : i32
      %swap3A = arith.index_cast %add3A_1125 : i32 to index
      %swap3A_1126 = tpu.vector_load %arg12[%swap3A] {strides = array<i32>} : memref<4096xf32, #tpu.memory_space<vmem>>, vector<16xf32>,
      tpu.vector_store %arg12[%swap3A], %gather3A {strides = array<i32>} : memref<4096xf32, #tpu.memory_space<vmem>>, vector<16xf32>,
      %swap3A_1127 = arith.index_cast %add3A_1125 : i32 to index
      %swap3A_1128 = tpu.vector_load %arg13[%swap3A_1127] {strides = array<i32>} : memref<4096xf32, #tpu.memory_space<vmem>>, vector<16xf32>,
      tpu.vector_store %arg13[%swap3A_1127], %gather3A_1117 {strides = array<i32>} : memref<4096xf32, #tpu.memory_space<vmem>>, vector<16xf32>,
      %broadcast_in_dim3A_1129 = arith.constant 1 : i32
      %broadcast_in_dim3A_1130 = vector.broadcast %broadcast_in_dim3A_1129 : i32 to vector<16xi32>
      %gather3A_1131 = tpu.vector_load_idx %arg10[%add3A_1115, %broadcast_in_dim3A_1130, %sub3A] : memref<32x8x128xf32, #tpu.memory_space<vmem>>[vector<16xi32>, vector<16xi32>, vector<16xi32>], vector<16xf32>,
      %gather3A_1132 = tpu.vector_load_idx %arg11[%add3A_1115, %broadcast_in_dim3A_1130, %sub3A_1112] : memref<32x8x128xf32, #tpu.memory_space<vmem>>[vector<16xi32>, vector<16xi32>, vector<16xi32>], vector<16xf32>,
      %mul3A_1133 = arith.constant 2 : i32
      %mul3A_1134 = arith.muli %mul3A_1133, %scan3A_29 : i32
      %add3A_1135 = arith.constant 0 : i32
      %add3A_1136 = arith.addi %mul3A_1134, %add3A_1135 : i32
      %mul3A_1137 = arith.constant 16 : i32
      %mul3A_1138 = arith.muli %add3A_1136, %mul3A_1137 : i32
      %add3A_1139 = arith.constant 512 : i32
      %add3A_1140 = arith.addi %add3A_1139, %mul3A_1138 : i32
      %swap3A_1141 = arith.index_cast %add3A_1140 : i32 to index
      %swap3A_1142 = tpu.vector_load %arg12[%swap3A_1141] {strides = array<i32>} : memref<4096xf32, #tpu.memory_space<vmem>>, vector<16xf32>,
      tpu.vector_store %arg12[%swap3A_1141], %gather3A_1131 {strides = array<i32>} : memref<4096xf32, #tpu.memory_space<vmem>>, vector<16xf32>,
      %swap3A_1143 = arith.index_cast %add3A_1140 : i32 to index
      %swap3A_1144 = tpu.vector_load %arg13[%swap3A_1143] {strides = array<i32>} : memref<4096xf32, #tpu.memory_space<vmem>>, vector<16xf32>,
      tpu.vector_store %arg13[%swap3A_1143], %gather3A_1132 {strides = array<i32>} : memref<4096xf32, #tpu.memory_space<vmem>>, vector<16xf32>,
      %broadcast_in_dim3A_1145 = arith.constant 2 : i32
      %broadcast_in_dim3A_1146 = vector.broadcast %broadcast_in_dim3A_1145 : i32 to vector<16xi32>
      %gather3A_1147 = tpu.vector_load_idx %arg10[%add3A_1115, %broadcast_in_dim3A_1146, %sub3A] : memref<32x8x128xf32, #tpu.memory_space<vmem>>[vector<16xi32>, vector<16xi32>, vector<16xi32>], vector<16xf32>,
      %gather3A_1148 = tpu.vector_load_idx %arg11[%add3A_1115, %broadcast_in_dim3A_1146, %sub3A_1112] : memref<32x8x128xf32, #tpu.memory_space<vmem>>[vector<16xi32>, vector<16xi32>, vector<16xi32>], vector<16xf32>,
      %mul3A_1149 = arith.constant 2 : i32
      %mul3A_1150 = arith.muli %mul3A_1149, %scan3A_29 : i32
      %add3A_1151 = arith.constant 0 : i32
      %add3A_1152 = arith.addi %mul3A_1150, %add3A_1151 : i32
      %mul3A_1153 = arith.constant 16 : i32
      %mul3A_1154 = arith.muli %add3A_1152, %mul3A_1153 : i32
      %add3A_1155 = arith.constant 1024 : i32
      %add3A_1156 = arith.addi %add3A_1155, %mul3A_1154 : i32
      %swap3A_1157 = arith.index_cast %add3A_1156 : i32 to index
      %swap3A_1158 = tpu.vector_load %arg12[%swap3A_1157] {strides = array<i32>} : memref<4096xf32, #tpu.memory_space<vmem>>, vector<16xf32>,
      tpu.vector_store %arg12[%swap3A_1157], %gather3A_1147 {strides = array<i32>} : memref<4096xf32, #tpu.memory_space<vmem>>, vector<16xf32>,
      %swap3A_1159 = arith.index_cast %add3A_1156 : i32 to index
      %swap3A_1160 = tpu.vector_load %arg13[%swap3A_1159] {strides = array<i32>} : memref<4096xf32, #tpu.memory_space<vmem>>, vector<16xf32>,
      tpu.vector_store %arg13[%swap3A_1159], %gather3A_1148 {strides = array<i32>} : memref<4096xf32, #tpu.memory_space<vmem>>, vector<16xf32>,
      %broadcast_in_dim3A_1161 = arith.constant 3 : i32
      %broadcast_in_dim3A_1162 = vector.broadcast %broadcast_in_dim3A_1161 : i32 to vector<16xi32>
      %gather3A_1163 = tpu.vector_load_idx %arg10[%add3A_1115, %broadcast_in_dim3A_1162, %sub3A] : memref<32x8x128xf32, #tpu.memory_space<vmem>>[vector<16xi32>, vector<16xi32>, vector<16xi32>], vector<16xf32>,
      %gather3A_1164 = tpu.vector_load_idx %arg11[%add3A_1115, %broadcast_in_dim3A_1162, %sub3A_1112] : memref<32x8x128xf32, #tpu.memory_space<vmem>>[vector<16xi32>, vector<16xi32>, vector<16xi32>], vector<16xf32>,
      %mul3A_1165 = arith.constant 2 : i32
      %mul3A_1166 = arith.muli %mul3A_1165, %scan3A_29 : i32
      %add3A_1167 = arith.constant 0 : i32
      %add3A_1168 = arith.addi %mul3A_1166, %add3A_1167 : i32
      %mul3A_1169 = arith.constant 16 : i32
      %mul3A_1170 = arith.muli %add3A_1168, %mul3A_1169 : i32
      %add3A_1171 = arith.constant 1536 : i32
      %add3A_1172 = arith.addi %add3A_1171, %mul3A_1170 : i32
      %swap3A_1173 = arith.index_cast %add3A_1172 : i32 to index
      %swap3A_1174 = tpu.vector_load %arg12[%swap3A_1173] {strides = array<i32>} : memref<4096xf32, #tpu.memory_space<vmem>>, vector<16xf32>,
      tpu.vector_store %arg12[%swap3A_1173], %gather3A_1163 {strides = array<i32>} : memref<4096xf32, #tpu.memory_space<vmem>>, vector<16xf32>,
      %swap3A_1175 = arith.index_cast %add3A_1172 : i32 to index
      %swap3A_1176 = tpu.vector_load %arg13[%swap3A_1175] {strides = array<i32>} : memref<4096xf32, #tpu.memory_space<vmem>>, vector<16xf32>,
      tpu.vector_store %arg13[%swap3A_1175], %gather3A_1164 {strides = array<i32>} : memref<4096xf32, #tpu.memory_space<vmem>>, vector<16xf32>,
      %broadcast_in_dim3A_1177 = arith.constant 4 : i32
      %broadcast_in_dim3A_1178 = vector.broadcast %broadcast_in_dim3A_1177 : i32 to vector<16xi32>
      %gather3A_1179 = tpu.vector_load_idx %arg10[%add3A_1115, %broadcast_in_dim3A_1178, %sub3A] : memref<32x8x128xf32, #tpu.memory_space<vmem>>[vector<16xi32>, vector<16xi32>, vector<16xi32>], vector<16xf32>,
      %gather3A_1180 = tpu.vector_load_idx %arg11[%add3A_1115, %broadcast_in_dim3A_1178, %sub3A_1112] : memref<32x8x128xf32, #tpu.memory_space<vmem>>[vector<16xi32>, vector<16xi32>, vector<16xi32>], vector<16xf32>,
      %mul3A_1181 = arith.constant 2 : i32
      %mul3A_1182 = arith.muli %mul3A_1181, %scan3A_29 : i32
      %add3A_1183 = arith.constant 0 : i32
      %add3A_1184 = arith.addi %mul3A_1182, %add3A_1183 : i32
      %mul3A_1185 = arith.constant 16 : i32
      %mul3A_1186 = arith.muli %add3A_1184, %mul3A_1185 : i32
      %add3A_1187 = arith.constant 2048 : i32
      %add3A_1188 = arith.addi %add3A_1187, %mul3A_1186 : i32
      %swap3A_1189 = arith.index_cast %add3A_1188 : i32 to index
      %swap3A_1190 = tpu.vector_load %arg12[%swap3A_1189] {strides = array<i32>} : memref<4096xf32, #tpu.memory_space<vmem>>, vector<16xf32>,
      tpu.vector_store %arg12[%swap3A_1189], %gather3A_1179 {strides = array<i32>} : memref<4096xf32, #tpu.memory_space<vmem>>, vector<16xf32>,
      %swap3A_1191 = arith.index_cast %add3A_1188 : i32 to index
      %swap3A_1192 = tpu.vector_load %arg13[%swap3A_1191] {strides = array<i32>} : memref<4096xf32, #tpu.memory_space<vmem>>, vector<16xf32>,
      tpu.vector_store %arg13[%swap3A_1191], %gather3A_1180 {strides = array<i32>} : memref<4096xf32, #tpu.memory_space<vmem>>, vector<16xf32>,
      %broadcast_in_dim3A_1193 = arith.constant 5 : i32
      %broadcast_in_dim3A_1194 = vector.broadcast %broadcast_in_dim3A_1193 : i32 to vector<16xi32>
      %gather3A_1195 = tpu.vector_load_idx %arg10[%add3A_1115, %broadcast_in_dim3A_1194, %sub3A] : memref<32x8x128xf32, #tpu.memory_space<vmem>>[vector<16xi32>, vector<16xi32>, vector<16xi32>], vector<16xf32>,
      %gather3A_1196 = tpu.vector_load_idx %arg11[%add3A_1115, %broadcast_in_dim3A_1194, %sub3A_1112] : memref<32x8x128xf32, #tpu.memory_space<vmem>>[vector<16xi32>, vector<16xi32>, vector<16xi32>], vector<16xf32>,
      %mul3A_1197 = arith.constant 2 : i32
      %mul3A_1198 = arith.muli %mul3A_1197, %scan3A_29 : i32
      %add3A_1199 = arith.constant 0 : i32
      %add3A_1200 = arith.addi %mul3A_1198, %add3A_1199 : i32
      %mul3A_1201 = arith.constant 16 : i32
      %mul3A_1202 = arith.muli %add3A_1200, %mul3A_1201 : i32
      %add3A_1203 = arith.constant 2560 : i32
      %add3A_1204 = arith.addi %add3A_1203, %mul3A_1202 : i32
      %swap3A_1205 = arith.index_cast %add3A_1204 : i32 to index
      %swap3A_1206 = tpu.vector_load %arg12[%swap3A_1205] {strides = array<i32>} : memref<4096xf32, #tpu.memory_space<vmem>>, vector<16xf32>,
      tpu.vector_store %arg12[%swap3A_1205], %gather3A_1195 {strides = array<i32>} : memref<4096xf32, #tpu.memory_space<vmem>>, vector<16xf32>,
      %swap3A_1207 = arith.index_cast %add3A_1204 : i32 to index
      %swap3A_1208 = tpu.vector_load %arg13[%swap3A_1207] {strides = array<i32>} : memref<4096xf32, #tpu.memory_space<vmem>>, vector<16xf32>,
      tpu.vector_store %arg13[%swap3A_1207], %gather3A_1196 {strides = array<i32>} : memref<4096xf32, #tpu.memory_space<vmem>>, vector<16xf32>,
      %broadcast_in_dim3A_1209 = arith.constant 6 : i32
      %broadcast_in_dim3A_1210 = vector.broadcast %broadcast_in_dim3A_1209 : i32 to vector<16xi32>
      %gather3A_1211 = tpu.vector_load_idx %arg10[%add3A_1115, %broadcast_in_dim3A_1210, %sub3A] : memref<32x8x128xf32, #tpu.memory_space<vmem>>[vector<16xi32>, vector<16xi32>, vector<16xi32>], vector<16xf32>,
      %gather3A_1212 = tpu.vector_load_idx %arg11[%add3A_1115, %broadcast_in_dim3A_1210, %sub3A_1112] : memref<32x8x128xf32, #tpu.memory_space<vmem>>[vector<16xi32>, vector<16xi32>, vector<16xi32>], vector<16xf32>,
      %mul3A_1213 = arith.constant 2 : i32
      %mul3A_1214 = arith.muli %mul3A_1213, %scan3A_29 : i32
      %add3A_1215 = arith.constant 0 : i32
      %add3A_1216 = arith.addi %mul3A_1214, %add3A_1215 : i32
      %mul3A_1217 = arith.constant 16 : i32
      %mul3A_1218 = arith.muli %add3A_1216, %mul3A_1217 : i32
      %add3A_1219 = arith.constant 3072 : i32
      %add3A_1220 = arith.addi %add3A_1219, %mul3A_1218 : i32
      %swap3A_1221 = arith.index_cast %add3A_1220 : i32 to index
      %swap3A_1222 = tpu.vector_load %arg12[%swap3A_1221] {strides = array<i32>} : memref<4096xf32, #tpu.memory_space<vmem>>, vector<16xf32>,
      tpu.vector_store %arg12[%swap3A_1221], %gather3A_1211 {strides = array<i32>} : memref<4096xf32, #tpu.memory_space<vmem>>, vector<16xf32>,
      %swap3A_1223 = arith.index_cast %add3A_1220 : i32 to index
      %swap3A_1224 = tpu.vector_load %arg13[%swap3A_1223] {strides = array<i32>} : memref<4096xf32, #tpu.memory_space<vmem>>, vector<16xf32>,
      tpu.vector_store %arg13[%swap3A_1223], %gather3A_1212 {strides = array<i32>} : memref<4096xf32, #tpu.memory_space<vmem>>, vector<16xf32>,
      %broadcast_in_dim3A_1225 = arith.constant 7 : i32
      %broadcast_in_dim3A_1226 = vector.broadcast %broadcast_in_dim3A_1225 : i32 to vector<16xi32>
      %gather3A_1227 = tpu.vector_load_idx %arg10[%add3A_1115, %broadcast_in_dim3A_1226, %sub3A] : memref<32x8x128xf32, #tpu.memory_space<vmem>>[vector<16xi32>, vector<16xi32>, vector<16xi32>], vector<16xf32>,
      %gather3A_1228 = tpu.vector_load_idx %arg11[%add3A_1115, %broadcast_in_dim3A_1226, %sub3A_1112] : memref<32x8x128xf32, #tpu.memory_space<vmem>>[vector<16xi32>, vector<16xi32>, vector<16xi32>], vector<16xf32>,
      %mul3A_1229 = arith.constant 2 : i32
      %mul3A_1230 = arith.muli %mul3A_1229, %scan3A_29 : i32
      %add3A_1231 = arith.constant 0 : i32
      %add3A_1232 = arith.addi %mul3A_1230, %add3A_1231 : i32
      %mul3A_1233 = arith.constant 16 : i32
      %mul3A_1234 = arith.muli %add3A_1232, %mul3A_1233 : i32
      %add3A_1235 = arith.constant 3584 : i32
      %add3A_1236 = arith.addi %add3A_1235, %mul3A_1234 : i32
      %swap3A_1237 = arith.index_cast %add3A_1236 : i32 to index
      %swap3A_1238 = tpu.vector_load %arg12[%swap3A_1237] {strides = array<i32>} : memref<4096xf32, #tpu.memory_space<vmem>>, vector<16xf32>,
      tpu.vector_store %arg12[%swap3A_1237], %gather3A_1227 {strides = array<i32>} : memref<4096xf32, #tpu.memory_space<vmem>>, vector<16xf32>,
      %swap3A_1239 = arith.index_cast %add3A_1236 : i32 to index
      %swap3A_1240 = tpu.vector_load %arg13[%swap3A_1239] {strides = array<i32>} : memref<4096xf32, #tpu.memory_space<vmem>>, vector<16xf32>,
      tpu.vector_store %arg13[%swap3A_1239], %gather3A_1228 {strides = array<i32>} : memref<4096xf32, #tpu.memory_space<vmem>>, vector<16xf32>,
      %sub3A_1241 = arith.subi %get3A_569, %and3A_582 : vector<16xi32>
      %sub3A_1242 = arith.subi %get3A_577, %and3A_587 : vector<16xi32>
      %add3A_1243 = arith.constant 16 : i32
      %add3A_1244 = vector.broadcast %add3A_1243 : i32 to vector<16xi32>
      %add3A_1245 = arith.addi %iota3A, %add3A_1244 : vector<16xi32>
      %broadcast_in_dim3A_1246 = arith.constant 0 : i32
      %broadcast_in_dim3A_1247 = vector.broadcast %broadcast_in_dim3A_1246 : i32 to vector<16xi32>
      %gather3A_1248 = tpu.vector_load_idx %arg10[%add3A_1245, %broadcast_in_dim3A_1247, %sub3A_1241] : memref<32x8x128xf32, #tpu.memory_space<vmem>>[vector<16xi32>, vector<16xi32>, vector<16xi32>], vector<16xf32>,
      %gather3A_1249 = tpu.vector_load_idx %arg11[%add3A_1245, %broadcast_in_dim3A_1247, %sub3A_1242] : memref<32x8x128xf32, #tpu.memory_space<vmem>>[vector<16xi32>, vector<16xi32>, vector<16xi32>], vector<16xf32>,
      %mul3A_1250 = arith.constant 2 : i32
      %mul3A_1251 = arith.muli %mul3A_1250, %scan3A_29 : i32
      %add3A_1252 = arith.constant 1 : i32
      %add3A_1253 = arith.addi %mul3A_1251, %add3A_1252 : i32
      %mul3A_1254 = arith.constant 16 : i32
      %mul3A_1255 = arith.muli %add3A_1253, %mul3A_1254 : i32
      %add3A_1256 = arith.constant 0 : i32
      %add3A_1257 = arith.addi %add3A_1256, %mul3A_1255 : i32
      %swap3A_1258 = arith.index_cast %add3A_1257 : i32 to index
      %swap3A_1259 = tpu.vector_load %arg12[%swap3A_1258] {strides = array<i32>} : memref<4096xf32, #tpu.memory_space<vmem>>, vector<16xf32>,
      tpu.vector_store %arg12[%swap3A_1258], %gather3A_1248 {strides = array<i32>} : memref<4096xf32, #tpu.memory_space<vmem>>, vector<16xf32>,
      %swap3A_1260 = arith.index_cast %add3A_1257 : i32 to index
      %swap3A_1261 = tpu.vector_load %arg13[%swap3A_1260] {strides = array<i32>} : memref<4096xf32, #tpu.memory_space<vmem>>, vector<16xf32>,
      tpu.vector_store %arg13[%swap3A_1260], %gather3A_1249 {strides = array<i32>} : memref<4096xf32, #tpu.memory_space<vmem>>, vector<16xf32>,
      %broadcast_in_dim3A_1262 = arith.constant 1 : i32
      %broadcast_in_dim3A_1263 = vector.broadcast %broadcast_in_dim3A_1262 : i32 to vector<16xi32>
      %gather3A_1264 = tpu.vector_load_idx %arg10[%add3A_1245, %broadcast_in_dim3A_1263, %sub3A_1241] : memref<32x8x128xf32, #tpu.memory_space<vmem>>[vector<16xi32>, vector<16xi32>, vector<16xi32>], vector<16xf32>,
      %gather3A_1265 = tpu.vector_load_idx %arg11[%add3A_1245, %broadcast_in_dim3A_1263, %sub3A_1242] : memref<32x8x128xf32, #tpu.memory_space<vmem>>[vector<16xi32>, vector<16xi32>, vector<16xi32>], vector<16xf32>,
      %mul3A_1266 = arith.constant 2 : i32
      %mul3A_1267 = arith.muli %mul3A_1266, %scan3A_29 : i32
      %add3A_1268 = arith.constant 1 : i32
      %add3A_1269 = arith.addi %mul3A_1267, %add3A_1268 : i32
      %mul3A_1270 = arith.constant 16 : i32
      %mul3A_1271 = arith.muli %add3A_1269, %mul3A_1270 : i32
      %add3A_1272 = arith.constant 512 : i32
      %add3A_1273 = arith.addi %add3A_1272, %mul3A_1271 : i32
      %swap3A_1274 = arith.index_cast %add3A_1273 : i32 to index
      %swap3A_1275 = tpu.vector_load %arg12[%swap3A_1274] {strides = array<i32>} : memref<4096xf32, #tpu.memory_space<vmem>>, vector<16xf32>,
      tpu.vector_store %arg12[%swap3A_1274], %gather3A_1264 {strides = array<i32>} : memref<4096xf32, #tpu.memory_space<vmem>>, vector<16xf32>,
      %swap3A_1276 = arith.index_cast %add3A_1273 : i32 to index
      %swap3A_1277 = tpu.vector_load %arg13[%swap3A_1276] {strides = array<i32>} : memref<4096xf32, #tpu.memory_space<vmem>>, vector<16xf32>,
      tpu.vector_store %arg13[%swap3A_1276], %gather3A_1265 {strides = array<i32>} : memref<4096xf32, #tpu.memory_space<vmem>>, vector<16xf32>,
      %broadcast_in_dim3A_1278 = arith.constant 2 : i32
      %broadcast_in_dim3A_1279 = vector.broadcast %broadcast_in_dim3A_1278 : i32 to vector<16xi32>
      %gather3A_1280 = tpu.vector_load_idx %arg10[%add3A_1245, %broadcast_in_dim3A_1279, %sub3A_1241] : memref<32x8x128xf32, #tpu.memory_space<vmem>>[vector<16xi32>, vector<16xi32>, vector<16xi32>], vector<16xf32>,
      %gather3A_1281 = tpu.vector_load_idx %arg11[%add3A_1245, %broadcast_in_dim3A_1279, %sub3A_1242] : memref<32x8x128xf32, #tpu.memory_space<vmem>>[vector<16xi32>, vector<16xi32>, vector<16xi32>], vector<16xf32>,
      %mul3A_1282 = arith.constant 2 : i32
      %mul3A_1283 = arith.muli %mul3A_1282, %scan3A_29 : i32
      %add3A_1284 = arith.constant 1 : i32
      %add3A_1285 = arith.addi %mul3A_1283, %add3A_1284 : i32
      %mul3A_1286 = arith.constant 16 : i32
      %mul3A_1287 = arith.muli %add3A_1285, %mul3A_1286 : i32
      %add3A_1288 = arith.constant 1024 : i32
      %add3A_1289 = arith.addi %add3A_1288, %mul3A_1287 : i32
      %swap3A_1290 = arith.index_cast %add3A_1289 : i32 to index
      %swap3A_1291 = tpu.vector_load %arg12[%swap3A_1290] {strides = array<i32>} : memref<4096xf32, #tpu.memory_space<vmem>>, vector<16xf32>,
      tpu.vector_store %arg12[%swap3A_1290], %gather3A_1280 {strides = array<i32>} : memref<4096xf32, #tpu.memory_space<vmem>>, vector<16xf32>,
      %swap3A_1292 = arith.index_cast %add3A_1289 : i32 to index
      %swap3A_1293 = tpu.vector_load %arg13[%swap3A_1292] {strides = array<i32>} : memref<4096xf32, #tpu.memory_space<vmem>>, vector<16xf32>,
      tpu.vector_store %arg13[%swap3A_1292], %gather3A_1281 {strides = array<i32>} : memref<4096xf32, #tpu.memory_space<vmem>>, vector<16xf32>,
      %broadcast_in_dim3A_1294 = arith.constant 3 : i32
      %broadcast_in_dim3A_1295 = vector.broadcast %broadcast_in_dim3A_1294 : i32 to vector<16xi32>
      %gather3A_1296 = tpu.vector_load_idx %arg10[%add3A_1245, %broadcast_in_dim3A_1295, %sub3A_1241] : memref<32x8x128xf32, #tpu.memory_space<vmem>>[vector<16xi32>, vector<16xi32>, vector<16xi32>], vector<16xf32>,
      %gather3A_1297 = tpu.vector_load_idx %arg11[%add3A_1245, %broadcast_in_dim3A_1295, %sub3A_1242] : memref<32x8x128xf32, #tpu.memory_space<vmem>>[vector<16xi32>, vector<16xi32>, vector<16xi32>], vector<16xf32>,
      %mul3A_1298 = arith.constant 2 : i32
      %mul3A_1299 = arith.muli %mul3A_1298, %scan3A_29 : i32
      %add3A_1300 = arith.constant 1 : i32
      %add3A_1301 = arith.addi %mul3A_1299, %add3A_1300 : i32
      %mul3A_1302 = arith.constant 16 : i32
      %mul3A_1303 = arith.muli %add3A_1301, %mul3A_1302 : i32
      %add3A_1304 = arith.constant 1536 : i32
      %add3A_1305 = arith.addi %add3A_1304, %mul3A_1303 : i32
      %swap3A_1306 = arith.index_cast %add3A_1305 : i32 to index
      %swap3A_1307 = tpu.vector_load %arg12[%swap3A_1306] {strides = array<i32>} : memref<4096xf32, #tpu.memory_space<vmem>>, vector<16xf32>,
      tpu.vector_store %arg12[%swap3A_1306], %gather3A_1296 {strides = array<i32>} : memref<4096xf32, #tpu.memory_space<vmem>>, vector<16xf32>,
      %swap3A_1308 = arith.index_cast %add3A_1305 : i32 to index
      %swap3A_1309 = tpu.vector_load %arg13[%swap3A_1308] {strides = array<i32>} : memref<4096xf32, #tpu.memory_space<vmem>>, vector<16xf32>,
      tpu.vector_store %arg13[%swap3A_1308], %gather3A_1297 {strides = array<i32>} : memref<4096xf32, #tpu.memory_space<vmem>>, vector<16xf32>,
      %broadcast_in_dim3A_1310 = arith.constant 4 : i32
      %broadcast_in_dim3A_1311 = vector.broadcast %broadcast_in_dim3A_1310 : i32 to vector<16xi32>
      %gather3A_1312 = tpu.vector_load_idx %arg10[%add3A_1245, %broadcast_in_dim3A_1311, %sub3A_1241] : memref<32x8x128xf32, #tpu.memory_space<vmem>>[vector<16xi32>, vector<16xi32>, vector<16xi32>], vector<16xf32>,
      %gather3A_1313 = tpu.vector_load_idx %arg11[%add3A_1245, %broadcast_in_dim3A_1311, %sub3A_1242] : memref<32x8x128xf32, #tpu.memory_space<vmem>>[vector<16xi32>, vector<16xi32>, vector<16xi32>], vector<16xf32>,
      %mul3A_1314 = arith.constant 2 : i32
      %mul3A_1315 = arith.muli %mul3A_1314, %scan3A_29 : i32
      %add3A_1316 = arith.constant 1 : i32
      %add3A_1317 = arith.addi %mul3A_1315, %add3A_1316 : i32
      %mul3A_1318 = arith.constant 16 : i32
      %mul3A_1319 = arith.muli %add3A_1317, %mul3A_1318 : i32
      %add3A_1320 = arith.constant 2048 : i32
      %add3A_1321 = arith.addi %add3A_1320, %mul3A_1319 : i32
      %swap3A_1322 = arith.index_cast %add3A_1321 : i32 to index
      %swap3A_1323 = tpu.vector_load %arg12[%swap3A_1322] {strides = array<i32>} : memref<4096xf32, #tpu.memory_space<vmem>>, vector<16xf32>,
      tpu.vector_store %arg12[%swap3A_1322], %gather3A_1312 {strides = array<i32>} : memref<4096xf32, #tpu.memory_space<vmem>>, vector<16xf32>,
      %swap3A_1324 = arith.index_cast %add3A_1321 : i32 to index
      %swap3A_1325 = tpu.vector_load %arg13[%swap3A_1324] {strides = array<i32>} : memref<4096xf32, #tpu.memory_space<vmem>>, vector<16xf32>,
      tpu.vector_store %arg13[%swap3A_1324], %gather3A_1313 {strides = array<i32>} : memref<4096xf32, #tpu.memory_space<vmem>>, vector<16xf32>,
      %broadcast_in_dim3A_1326 = arith.constant 5 : i32
      %broadcast_in_dim3A_1327 = vector.broadcast %broadcast_in_dim3A_1326 : i32 to vector<16xi32>
      %gather3A_1328 = tpu.vector_load_idx %arg10[%add3A_1245, %broadcast_in_dim3A_1327, %sub3A_1241] : memref<32x8x128xf32, #tpu.memory_space<vmem>>[vector<16xi32>, vector<16xi32>, vector<16xi32>], vector<16xf32>,
      %gather3A_1329 = tpu.vector_load_idx %arg11[%add3A_1245, %broadcast_in_dim3A_1327, %sub3A_1242] : memref<32x8x128xf32, #tpu.memory_space<vmem>>[vector<16xi32>, vector<16xi32>, vector<16xi32>], vector<16xf32>,
      %mul3A_1330 = arith.constant 2 : i32
      %mul3A_1331 = arith.muli %mul3A_1330, %scan3A_29 : i32
      %add3A_1332 = arith.constant 1 : i32
      %add3A_1333 = arith.addi %mul3A_1331, %add3A_1332 : i32
      %mul3A_1334 = arith.constant 16 : i32
      %mul3A_1335 = arith.muli %add3A_1333, %mul3A_1334 : i32
      %add3A_1336 = arith.constant 2560 : i32
      %add3A_1337 = arith.addi %add3A_1336, %mul3A_1335 : i32
      %swap3A_1338 = arith.index_cast %add3A_1337 : i32 to index
      %swap3A_1339 = tpu.vector_load %arg12[%swap3A_1338] {strides = array<i32>} : memref<4096xf32, #tpu.memory_space<vmem>>, vector<16xf32>,
      tpu.vector_store %arg12[%swap3A_1338], %gather3A_1328 {strides = array<i32>} : memref<4096xf32, #tpu.memory_space<vmem>>, vector<16xf32>,
      %swap3A_1340 = arith.index_cast %add3A_1337 : i32 to index
      %swap3A_1341 = tpu.vector_load %arg13[%swap3A_1340] {strides = array<i32>} : memref<4096xf32, #tpu.memory_space<vmem>>, vector<16xf32>,
      tpu.vector_store %arg13[%swap3A_1340], %gather3A_1329 {strides = array<i32>} : memref<4096xf32, #tpu.memory_space<vmem>>, vector<16xf32>,
      %broadcast_in_dim3A_1342 = arith.constant 6 : i32
      %broadcast_in_dim3A_1343 = vector.broadcast %broadcast_in_dim3A_1342 : i32 to vector<16xi32>
      %gather3A_1344 = tpu.vector_load_idx %arg10[%add3A_1245, %broadcast_in_dim3A_1343, %sub3A_1241] : memref<32x8x128xf32, #tpu.memory_space<vmem>>[vector<16xi32>, vector<16xi32>, vector<16xi32>], vector<16xf32>,
      %gather3A_1345 = tpu.vector_load_idx %arg11[%add3A_1245, %broadcast_in_dim3A_1343, %sub3A_1242] : memref<32x8x128xf32, #tpu.memory_space<vmem>>[vector<16xi32>, vector<16xi32>, vector<16xi32>], vector<16xf32>,
      %mul3A_1346 = arith.constant 2 : i32
      %mul3A_1347 = arith.muli %mul3A_1346, %scan3A_29 : i32
      %add3A_1348 = arith.constant 1 : i32
      %add3A_1349 = arith.addi %mul3A_1347, %add3A_1348 : i32
      %mul3A_1350 = arith.constant 16 : i32
      %mul3A_1351 = arith.muli %add3A_1349, %mul3A_1350 : i32
      %add3A_1352 = arith.constant 3072 : i32
      %add3A_1353 = arith.addi %add3A_1352, %mul3A_1351 : i32
      %swap3A_1354 = arith.index_cast %add3A_1353 : i32 to index
      %swap3A_1355 = tpu.vector_load %arg12[%swap3A_1354] {strides = array<i32>} : memref<4096xf32, #tpu.memory_space<vmem>>, vector<16xf32>,
      tpu.vector_store %arg12[%swap3A_1354], %gather3A_1344 {strides = array<i32>} : memref<4096xf32, #tpu.memory_space<vmem>>, vector<16xf32>,
      %swap3A_1356 = arith.index_cast %add3A_1353 : i32 to index
      %swap3A_1357 = tpu.vector_load %arg13[%swap3A_1356] {strides = array<i32>} : memref<4096xf32, #tpu.memory_space<vmem>>, vector<16xf32>,
      tpu.vector_store %arg13[%swap3A_1356], %gather3A_1345 {strides = array<i32>} : memref<4096xf32, #tpu.memory_space<vmem>>, vector<16xf32>,
      %broadcast_in_dim3A_1358 = arith.constant 7 : i32
      %broadcast_in_dim3A_1359 = vector.broadcast %broadcast_in_dim3A_1358 : i32 to vector<16xi32>
      %gather3A_1360 = tpu.vector_load_idx %arg10[%add3A_1245, %broadcast_in_dim3A_1359, %sub3A_1241] : memref<32x8x128xf32, #tpu.memory_space<vmem>>[vector<16xi32>, vector<16xi32>, vector<16xi32>], vector<16xf32>,
      %gather3A_1361 = tpu.vector_load_idx %arg11[%add3A_1245, %broadcast_in_dim3A_1359, %sub3A_1242] : memref<32x8x128xf32, #tpu.memory_space<vmem>>[vector<16xi32>, vector<16xi32>, vector<16xi32>], vector<16xf32>,
      %mul3A_1362 = arith.constant 2 : i32
      %mul3A_1363 = arith.muli %mul3A_1362, %scan3A_29 : i32
      %add3A_1364 = arith.constant 1 : i32
      %add3A_1365 = arith.addi %mul3A_1363, %add3A_1364 : i32
      %mul3A_1366 = arith.constant 16 : i32
      %mul3A_1367 = arith.muli %add3A_1365, %mul3A_1366 : i32
      %add3A_1368 = arith.constant 3584 : i32
      %add3A_1369 = arith.addi %add3A_1368, %mul3A_1367 : i32
      %swap3A_1370 = arith.index_cast %add3A_1369 : i32 to index
      %swap3A_1371 = tpu.vector_load %arg12[%swap3A_1370] {strides = array<i32>} : memref<4096xf32, #tpu.memory_space<vmem>>, vector<16xf32>,
      tpu.vector_store %arg12[%swap3A_1370], %gather3A_1360 {strides = array<i32>} : memref<4096xf32, #tpu.memory_space<vmem>>, vector<16xf32>,
      %swap3A_1372 = arith.index_cast %add3A_1369 : i32 to index
      %swap3A_1373 = tpu.vector_load %arg13[%swap3A_1372] {strides = array<i32>} : memref<4096xf32, #tpu.memory_space<vmem>>, vector<16xf32>,
      tpu.vector_store %arg13[%swap3A_1372], %gather3A_1361 {strides = array<i32>} : memref<4096xf32, #tpu.memory_space<vmem>>, vector<16xf32>,
    }
    %scan3A_13 = arith.constant 16 : i32
    %run_scoped3A = arith.constant 0 : i32
    "tpu.region"() ({
      %run_scoped3A_29 = tpu.sem_alloc : memref<!tpu.dma_semaphore, #tpu.memory_space<semaphore_mem>>
      %dma_start3A_30 = arith.constant 0 : i32
      %dma_start3A_31 = tpu.memref_slice %arg12[%dma_start3A_30] : memref<4096xf32, #tpu.memory_space<vmem>> -> memref<512xf32, #tpu.memory_space<vmem>>
      %dma_start3A_32 = tpu.memref_slice %arg6[%run_scoped3A, %mul3A_2] : memref<8x16384xf32, #tpu.memory_space<hbm>> -> memref<1x512xf32, #tpu.memory_space<hbm>>
      %dma_start3A_33 = tpu.memref_squeeze %dma_start3A_32 : memref<1x512xf32, #tpu.memory_space<hbm>> -> memref<512xf32, #tpu.memory_space<hbm>>
      %dma_start3A_34 = tpu.memref_slice %arg6[%run_scoped3A, %mul3A_2] : memref<8x16384xf32, #tpu.memory_space<hbm>> -> memref<1x512xf32, #tpu.memory_space<hbm>>
      %dma_start3A_35 = tpu.memref_squeeze %dma_start3A_34 : memref<1x512xf32, #tpu.memory_space<hbm>> -> memref<512xf32, #tpu.memory_space<hbm>>
      %dma_start3A_36 = arith.constant 0 : i32
      %dma_start3A_37 = tpu.memref_slice %arg12[%dma_start3A_36] : memref<4096xf32, #tpu.memory_space<vmem>> -> memref<512xf32, #tpu.memory_space<vmem>>
      tpu.enqueue_dma source(%dma_start3A_37 : memref<512xf32, #tpu.memory_space<vmem>>) target(%dma_start3A_35 : memref<512xf32, #tpu.memory_space<hbm>>) target_semaphore(%run_scoped3A_29 : memref<!tpu.dma_semaphore, #tpu.memory_space<semaphore_mem>>)
      %dma_wait3A_38 = arith.constant 0 : i32
      %dma_wait3A_39 = tpu.memref_slice %arg12[%dma_wait3A_38] : memref<4096xf32, #tpu.memory_space<vmem>> -> memref<512xf32, #tpu.memory_space<vmem>>
      %dma_wait3A_40 = tpu.memref_slice %arg6[%run_scoped3A, %mul3A_2] : memref<8x16384xf32, #tpu.memory_space<hbm>> -> memref<1x512xf32, #tpu.memory_space<hbm>>
      %dma_wait3A_41 = tpu.memref_squeeze %dma_wait3A_40 : memref<1x512xf32, #tpu.memory_space<hbm>> -> memref<512xf32, #tpu.memory_space<hbm>>
      %dma_wait3A_42 = tpu.memref_slice %arg6[%run_scoped3A, %mul3A_2] : memref<8x16384xf32, #tpu.memory_space<hbm>> -> memref<1x512xf32, #tpu.memory_space<hbm>>
      %dma_wait3A_43 = tpu.memref_squeeze %dma_wait3A_42 : memref<1x512xf32, #tpu.memory_space<hbm>> -> memref<512xf32, #tpu.memory_space<hbm>>
      %dma_wait3A_44 = arith.constant 0 : i32
      %dma_wait3A_45 = tpu.memref_slice %arg12[%dma_wait3A_44] : memref<4096xf32, #tpu.memory_space<vmem>> -> memref<512xf32, #tpu.memory_space<vmem>>
      tpu.wait_dma2 semaphore(%run_scoped3A_29 : memref<!tpu.dma_semaphore, #tpu.memory_space<semaphore_mem>>) src(%dma_wait3A_45 : memref<512xf32, #tpu.memory_space<vmem>>) dst(%dma_wait3A_43 : memref<512xf32, #tpu.memory_space<hbm>>)
      tpu.yield
    }) : () -> ()
    %run_scoped3A_14 = arith.constant 0 : i32
    "tpu.region"() ({
      %run_scoped3A_29 = tpu.sem_alloc : memref<!tpu.dma_semaphore, #tpu.memory_space<semaphore_mem>>
      %dma_start3A_30 = arith.constant 0 : i32
      %dma_start3A_31 = tpu.memref_slice %arg13[%dma_start3A_30] : memref<4096xf32, #tpu.memory_space<vmem>> -> memref<512xf32, #tpu.memory_space<vmem>>
      %dma_start3A_32 = tpu.memref_slice %arg7[%run_scoped3A_14, %mul3A_2] : memref<8x16384xf32, #tpu.memory_space<hbm>> -> memref<1x512xf32, #tpu.memory_space<hbm>>
      %dma_start3A_33 = tpu.memref_squeeze %dma_start3A_32 : memref<1x512xf32, #tpu.memory_space<hbm>> -> memref<512xf32, #tpu.memory_space<hbm>>
      %dma_start3A_34 = tpu.memref_slice %arg7[%run_scoped3A_14, %mul3A_2] : memref<8x16384xf32, #tpu.memory_space<hbm>> -> memref<1x512xf32, #tpu.memory_space<hbm>>
      %dma_start3A_35 = tpu.memref_squeeze %dma_start3A_34 : memref<1x512xf32, #tpu.memory_space<hbm>> -> memref<512xf32, #tpu.memory_space<hbm>>
      %dma_start3A_36 = arith.constant 0 : i32
      %dma_start3A_37 = tpu.memref_slice %arg13[%dma_start3A_36] : memref<4096xf32, #tpu.memory_space<vmem>> -> memref<512xf32, #tpu.memory_space<vmem>>
      tpu.enqueue_dma source(%dma_start3A_37 : memref<512xf32, #tpu.memory_space<vmem>>) target(%dma_start3A_35 : memref<512xf32, #tpu.memory_space<hbm>>) target_semaphore(%run_scoped3A_29 : memref<!tpu.dma_semaphore, #tpu.memory_space<semaphore_mem>>)
      %dma_wait3A_38 = arith.constant 0 : i32
      %dma_wait3A_39 = tpu.memref_slice %arg13[%dma_wait3A_38] : memref<4096xf32, #tpu.memory_space<vmem>> -> memref<512xf32, #tpu.memory_space<vmem>>
      %dma_wait3A_40 = tpu.memref_slice %arg7[%run_scoped3A_14, %mul3A_2] : memref<8x16384xf32, #tpu.memory_space<hbm>> -> memref<1x512xf32, #tpu.memory_space<hbm>>
      %dma_wait3A_41 = tpu.memref_squeeze %dma_wait3A_40 : memref<1x512xf32, #tpu.memory_space<hbm>> -> memref<512xf32, #tpu.memory_space<hbm>>
      %dma_wait3A_42 = tpu.memref_slice %arg7[%run_scoped3A_14, %mul3A_2] : memref<8x16384xf32, #tpu.memory_space<hbm>> -> memref<1x512xf32, #tpu.memory_space<hbm>>
      %dma_wait3A_43 = tpu.memref_squeeze %dma_wait3A_42 : memref<1x512xf32, #tpu.memory_space<hbm>> -> memref<512xf32, #tpu.memory_space<hbm>>
      %dma_wait3A_44 = arith.constant 0 : i32
      %dma_wait3A_45 = tpu.memref_slice %arg13[%dma_wait3A_44] : memref<4096xf32, #tpu.memory_space<vmem>> -> memref<512xf32, #tpu.memory_space<vmem>>
      tpu.wait_dma2 semaphore(%run_scoped3A_29 : memref<!tpu.dma_semaphore, #tpu.memory_space<semaphore_mem>>) src(%dma_wait3A_45 : memref<512xf32, #tpu.memory_space<vmem>>) dst(%dma_wait3A_43 : memref<512xf32, #tpu.memory_space<hbm>>)
      tpu.yield
    }) : () -> ()
    %run_scoped3A_15 = arith.constant 1 : i32
    "tpu.region"() ({
      %run_scoped3A_29 = tpu.sem_alloc : memref<!tpu.dma_semaphore, #tpu.memory_space<semaphore_mem>>
      %dma_start3A_30 = arith.constant 512 : i32
      %dma_start3A_31 = tpu.memref_slice %arg12[%dma_start3A_30] : memref<4096xf32, #tpu.memory_space<vmem>> -> memref<512xf32, #tpu.memory_space<vmem>>
      %dma_start3A_32 = tpu.memref_slice %arg6[%run_scoped3A_15, %mul3A_2] : memref<8x16384xf32, #tpu.memory_space<hbm>> -> memref<1x512xf32, #tpu.memory_space<hbm>>
      %dma_start3A_33 = tpu.memref_squeeze %dma_start3A_32 : memref<1x512xf32, #tpu.memory_space<hbm>> -> memref<512xf32, #tpu.memory_space<hbm>>
      %dma_start3A_34 = tpu.memref_slice %arg6[%run_scoped3A_15, %mul3A_2] : memref<8x16384xf32, #tpu.memory_space<hbm>> -> memref<1x512xf32, #tpu.memory_space<hbm>>
      %dma_start3A_35 = tpu.memref_squeeze %dma_start3A_34 : memref<1x512xf32, #tpu.memory_space<hbm>> -> memref<512xf32, #tpu.memory_space<hbm>>
      %dma_start3A_36 = arith.constant 512 : i32
      %dma_start3A_37 = tpu.memref_slice %arg12[%dma_start3A_36] : memref<4096xf32, #tpu.memory_space<vmem>> -> memref<512xf32, #tpu.memory_space<vmem>>
      tpu.enqueue_dma source(%dma_start3A_37 : memref<512xf32, #tpu.memory_space<vmem>>) target(%dma_start3A_35 : memref<512xf32, #tpu.memory_space<hbm>>) target_semaphore(%run_scoped3A_29 : memref<!tpu.dma_semaphore, #tpu.memory_space<semaphore_mem>>)
      %dma_wait3A_38 = arith.constant 512 : i32
      %dma_wait3A_39 = tpu.memref_slice %arg12[%dma_wait3A_38] : memref<4096xf32, #tpu.memory_space<vmem>> -> memref<512xf32, #tpu.memory_space<vmem>>
      %dma_wait3A_40 = tpu.memref_slice %arg6[%run_scoped3A_15, %mul3A_2] : memref<8x16384xf32, #tpu.memory_space<hbm>> -> memref<1x512xf32, #tpu.memory_space<hbm>>
      %dma_wait3A_41 = tpu.memref_squeeze %dma_wait3A_40 : memref<1x512xf32, #tpu.memory_space<hbm>> -> memref<512xf32, #tpu.memory_space<hbm>>
      %dma_wait3A_42 = tpu.memref_slice %arg6[%run_scoped3A_15, %mul3A_2] : memref<8x16384xf32, #tpu.memory_space<hbm>> -> memref<1x512xf32, #tpu.memory_space<hbm>>
      %dma_wait3A_43 = tpu.memref_squeeze %dma_wait3A_42 : memref<1x512xf32, #tpu.memory_space<hbm>> -> memref<512xf32, #tpu.memory_space<hbm>>
      %dma_wait3A_44 = arith.constant 512 : i32
      %dma_wait3A_45 = tpu.memref_slice %arg12[%dma_wait3A_44] : memref<4096xf32, #tpu.memory_space<vmem>> -> memref<512xf32, #tpu.memory_space<vmem>>
      tpu.wait_dma2 semaphore(%run_scoped3A_29 : memref<!tpu.dma_semaphore, #tpu.memory_space<semaphore_mem>>) src(%dma_wait3A_45 : memref<512xf32, #tpu.memory_space<vmem>>) dst(%dma_wait3A_43 : memref<512xf32, #tpu.memory_space<hbm>>)
      tpu.yield
    }) : () -> ()
    %run_scoped3A_16 = arith.constant 1 : i32
    "tpu.region"() ({
      %run_scoped3A_29 = tpu.sem_alloc : memref<!tpu.dma_semaphore, #tpu.memory_space<semaphore_mem>>
      %dma_start3A_30 = arith.constant 512 : i32
      %dma_start3A_31 = tpu.memref_slice %arg13[%dma_start3A_30] : memref<4096xf32, #tpu.memory_space<vmem>> -> memref<512xf32, #tpu.memory_space<vmem>>
      %dma_start3A_32 = tpu.memref_slice %arg7[%run_scoped3A_16, %mul3A_2] : memref<8x16384xf32, #tpu.memory_space<hbm>> -> memref<1x512xf32, #tpu.memory_space<hbm>>
      %dma_start3A_33 = tpu.memref_squeeze %dma_start3A_32 : memref<1x512xf32, #tpu.memory_space<hbm>> -> memref<512xf32, #tpu.memory_space<hbm>>
      %dma_start3A_34 = tpu.memref_slice %arg7[%run_scoped3A_16, %mul3A_2] : memref<8x16384xf32, #tpu.memory_space<hbm>> -> memref<1x512xf32, #tpu.memory_space<hbm>>
      %dma_start3A_35 = tpu.memref_squeeze %dma_start3A_34 : memref<1x512xf32, #tpu.memory_space<hbm>> -> memref<512xf32, #tpu.memory_space<hbm>>
      %dma_start3A_36 = arith.constant 512 : i32
      %dma_start3A_37 = tpu.memref_slice %arg13[%dma_start3A_36] : memref<4096xf32, #tpu.memory_space<vmem>> -> memref<512xf32, #tpu.memory_space<vmem>>
      tpu.enqueue_dma source(%dma_start3A_37 : memref<512xf32, #tpu.memory_space<vmem>>) target(%dma_start3A_35 : memref<512xf32, #tpu.memory_space<hbm>>) target_semaphore(%run_scoped3A_29 : memref<!tpu.dma_semaphore, #tpu.memory_space<semaphore_mem>>)
      %dma_wait3A_38 = arith.constant 512 : i32
      %dma_wait3A_39 = tpu.memref_slice %arg13[%dma_wait3A_38] : memref<4096xf32, #tpu.memory_space<vmem>> -> memref<512xf32, #tpu.memory_space<vmem>>
      %dma_wait3A_40 = tpu.memref_slice %arg7[%run_scoped3A_16, %mul3A_2] : memref<8x16384xf32, #tpu.memory_space<hbm>> -> memref<1x512xf32, #tpu.memory_space<hbm>>
      %dma_wait3A_41 = tpu.memref_squeeze %dma_wait3A_40 : memref<1x512xf32, #tpu.memory_space<hbm>> -> memref<512xf32, #tpu.memory_space<hbm>>
      %dma_wait3A_42 = tpu.memref_slice %arg7[%run_scoped3A_16, %mul3A_2] : memref<8x16384xf32, #tpu.memory_space<hbm>> -> memref<1x512xf32, #tpu.memory_space<hbm>>
      %dma_wait3A_43 = tpu.memref_squeeze %dma_wait3A_42 : memref<1x512xf32, #tpu.memory_space<hbm>> -> memref<512xf32, #tpu.memory_space<hbm>>
      %dma_wait3A_44 = arith.constant 512 : i32
      %dma_wait3A_45 = tpu.memref_slice %arg13[%dma_wait3A_44] : memref<4096xf32, #tpu.memory_space<vmem>> -> memref<512xf32, #tpu.memory_space<vmem>>
      tpu.wait_dma2 semaphore(%run_scoped3A_29 : memref<!tpu.dma_semaphore, #tpu.memory_space<semaphore_mem>>) src(%dma_wait3A_45 : memref<512xf32, #tpu.memory_space<vmem>>) dst(%dma_wait3A_43 : memref<512xf32, #tpu.memory_space<hbm>>)
      tpu.yield
    }) : () -> ()
    %run_scoped3A_17 = arith.constant 2 : i32
    "tpu.region"() ({
      %run_scoped3A_29 = tpu.sem_alloc : memref<!tpu.dma_semaphore, #tpu.memory_space<semaphore_mem>>
      %dma_start3A_30 = arith.constant 1024 : i32
      %dma_start3A_31 = tpu.memref_slice %arg12[%dma_start3A_30] : memref<4096xf32, #tpu.memory_space<vmem>> -> memref<512xf32, #tpu.memory_space<vmem>>
      %dma_start3A_32 = tpu.memref_slice %arg6[%run_scoped3A_17, %mul3A_2] : memref<8x16384xf32, #tpu.memory_space<hbm>> -> memref<1x512xf32, #tpu.memory_space<hbm>>
      %dma_start3A_33 = tpu.memref_squeeze %dma_start3A_32 : memref<1x512xf32, #tpu.memory_space<hbm>> -> memref<512xf32, #tpu.memory_space<hbm>>
      %dma_start3A_34 = tpu.memref_slice %arg6[%run_scoped3A_17, %mul3A_2] : memref<8x16384xf32, #tpu.memory_space<hbm>> -> memref<1x512xf32, #tpu.memory_space<hbm>>
      %dma_start3A_35 = tpu.memref_squeeze %dma_start3A_34 : memref<1x512xf32, #tpu.memory_space<hbm>> -> memref<512xf32, #tpu.memory_space<hbm>>
      %dma_start3A_36 = arith.constant 1024 : i32
      %dma_start3A_37 = tpu.memref_slice %arg12[%dma_start3A_36] : memref<4096xf32, #tpu.memory_space<vmem>> -> memref<512xf32, #tpu.memory_space<vmem>>
      tpu.enqueue_dma source(%dma_start3A_37 : memref<512xf32, #tpu.memory_space<vmem>>) target(%dma_start3A_35 : memref<512xf32, #tpu.memory_space<hbm>>) target_semaphore(%run_scoped3A_29 : memref<!tpu.dma_semaphore, #tpu.memory_space<semaphore_mem>>)
      %dma_wait3A_38 = arith.constant 1024 : i32
      %dma_wait3A_39 = tpu.memref_slice %arg12[%dma_wait3A_38] : memref<4096xf32, #tpu.memory_space<vmem>> -> memref<512xf32, #tpu.memory_space<vmem>>
      %dma_wait3A_40 = tpu.memref_slice %arg6[%run_scoped3A_17, %mul3A_2] : memref<8x16384xf32, #tpu.memory_space<hbm>> -> memref<1x512xf32, #tpu.memory_space<hbm>>
      %dma_wait3A_41 = tpu.memref_squeeze %dma_wait3A_40 : memref<1x512xf32, #tpu.memory_space<hbm>> -> memref<512xf32, #tpu.memory_space<hbm>>
      %dma_wait3A_42 = tpu.memref_slice %arg6[%run_scoped3A_17, %mul3A_2] : memref<8x16384xf32, #tpu.memory_space<hbm>> -> memref<1x512xf32, #tpu.memory_space<hbm>>
      %dma_wait3A_43 = tpu.memref_squeeze %dma_wait3A_42 : memref<1x512xf32, #tpu.memory_space<hbm>> -> memref<512xf32, #tpu.memory_space<hbm>>
      %dma_wait3A_44 = arith.constant 1024 : i32
      %dma_wait3A_45 = tpu.memref_slice %arg12[%dma_wait3A_44] : memref<4096xf32, #tpu.memory_space<vmem>> -> memref<512xf32, #tpu.memory_space<vmem>>
      tpu.wait_dma2 semaphore(%run_scoped3A_29 : memref<!tpu.dma_semaphore, #tpu.memory_space<semaphore_mem>>) src(%dma_wait3A_45 : memref<512xf32, #tpu.memory_space<vmem>>) dst(%dma_wait3A_43 : memref<512xf32, #tpu.memory_space<hbm>>)
      tpu.yield
    }) : () -> ()
    %run_scoped3A_18 = arith.constant 2 : i32
    "tpu.region"() ({
      %run_scoped3A_29 = tpu.sem_alloc : memref<!tpu.dma_semaphore, #tpu.memory_space<semaphore_mem>>
      %dma_start3A_30 = arith.constant 1024 : i32
      %dma_start3A_31 = tpu.memref_slice %arg13[%dma_start3A_30] : memref<4096xf32, #tpu.memory_space<vmem>> -> memref<512xf32, #tpu.memory_space<vmem>>
      %dma_start3A_32 = tpu.memref_slice %arg7[%run_scoped3A_18, %mul3A_2] : memref<8x16384xf32, #tpu.memory_space<hbm>> -> memref<1x512xf32, #tpu.memory_space<hbm>>
      %dma_start3A_33 = tpu.memref_squeeze %dma_start3A_32 : memref<1x512xf32, #tpu.memory_space<hbm>> -> memref<512xf32, #tpu.memory_space<hbm>>
      %dma_start3A_34 = tpu.memref_slice %arg7[%run_scoped3A_18, %mul3A_2] : memref<8x16384xf32, #tpu.memory_space<hbm>> -> memref<1x512xf32, #tpu.memory_space<hbm>>
      %dma_start3A_35 = tpu.memref_squeeze %dma_start3A_34 : memref<1x512xf32, #tpu.memory_space<hbm>> -> memref<512xf32, #tpu.memory_space<hbm>>
      %dma_start3A_36 = arith.constant 1024 : i32
      %dma_start3A_37 = tpu.memref_slice %arg13[%dma_start3A_36] : memref<4096xf32, #tpu.memory_space<vmem>> -> memref<512xf32, #tpu.memory_space<vmem>>
      tpu.enqueue_dma source(%dma_start3A_37 : memref<512xf32, #tpu.memory_space<vmem>>) target(%dma_start3A_35 : memref<512xf32, #tpu.memory_space<hbm>>) target_semaphore(%run_scoped3A_29 : memref<!tpu.dma_semaphore, #tpu.memory_space<semaphore_mem>>)
      %dma_wait3A_38 = arith.constant 1024 : i32
      %dma_wait3A_39 = tpu.memref_slice %arg13[%dma_wait3A_38] : memref<4096xf32, #tpu.memory_space<vmem>> -> memref<512xf32, #tpu.memory_space<vmem>>
      %dma_wait3A_40 = tpu.memref_slice %arg7[%run_scoped3A_18, %mul3A_2] : memref<8x16384xf32, #tpu.memory_space<hbm>> -> memref<1x512xf32, #tpu.memory_space<hbm>>
      %dma_wait3A_41 = tpu.memref_squeeze %dma_wait3A_40 : memref<1x512xf32, #tpu.memory_space<hbm>> -> memref<512xf32, #tpu.memory_space<hbm>>
      %dma_wait3A_42 = tpu.memref_slice %arg7[%run_scoped3A_18, %mul3A_2] : memref<8x16384xf32, #tpu.memory_space<hbm>> -> memref<1x512xf32, #tpu.memory_space<hbm>>
      %dma_wait3A_43 = tpu.memref_squeeze %dma_wait3A_42 : memref<1x512xf32, #tpu.memory_space<hbm>> -> memref<512xf32, #tpu.memory_space<hbm>>
      %dma_wait3A_44 = arith.constant 1024 : i32
      %dma_wait3A_45 = tpu.memref_slice %arg13[%dma_wait3A_44] : memref<4096xf32, #tpu.memory_space<vmem>> -> memref<512xf32, #tpu.memory_space<vmem>>
      tpu.wait_dma2 semaphore(%run_scoped3A_29 : memref<!tpu.dma_semaphore, #tpu.memory_space<semaphore_mem>>) src(%dma_wait3A_45 : memref<512xf32, #tpu.memory_space<vmem>>) dst(%dma_wait3A_43 : memref<512xf32, #tpu.memory_space<hbm>>)
      tpu.yield
    }) : () -> ()
    %run_scoped3A_19 = arith.constant 3 : i32
    "tpu.region"() ({
      %run_scoped3A_29 = tpu.sem_alloc : memref<!tpu.dma_semaphore, #tpu.memory_space<semaphore_mem>>
      %dma_start3A_30 = arith.constant 1536 : i32
      %dma_start3A_31 = tpu.memref_slice %arg12[%dma_start3A_30] : memref<4096xf32, #tpu.memory_space<vmem>> -> memref<512xf32, #tpu.memory_space<vmem>>
      %dma_start3A_32 = tpu.memref_slice %arg6[%run_scoped3A_19, %mul3A_2] : memref<8x16384xf32, #tpu.memory_space<hbm>> -> memref<1x512xf32, #tpu.memory_space<hbm>>
      %dma_start3A_33 = tpu.memref_squeeze %dma_start3A_32 : memref<1x512xf32, #tpu.memory_space<hbm>> -> memref<512xf32, #tpu.memory_space<hbm>>
      %dma_start3A_34 = tpu.memref_slice %arg6[%run_scoped3A_19, %mul3A_2] : memref<8x16384xf32, #tpu.memory_space<hbm>> -> memref<1x512xf32, #tpu.memory_space<hbm>>
      %dma_start3A_35 = tpu.memref_squeeze %dma_start3A_34 : memref<1x512xf32, #tpu.memory_space<hbm>> -> memref<512xf32, #tpu.memory_space<hbm>>
      %dma_start3A_36 = arith.constant 1536 : i32
      %dma_start3A_37 = tpu.memref_slice %arg12[%dma_start3A_36] : memref<4096xf32, #tpu.memory_space<vmem>> -> memref<512xf32, #tpu.memory_space<vmem>>
      tpu.enqueue_dma source(%dma_start3A_37 : memref<512xf32, #tpu.memory_space<vmem>>) target(%dma_start3A_35 : memref<512xf32, #tpu.memory_space<hbm>>) target_semaphore(%run_scoped3A_29 : memref<!tpu.dma_semaphore, #tpu.memory_space<semaphore_mem>>)
      %dma_wait3A_38 = arith.constant 1536 : i32
      %dma_wait3A_39 = tpu.memref_slice %arg12[%dma_wait3A_38] : memref<4096xf32, #tpu.memory_space<vmem>> -> memref<512xf32, #tpu.memory_space<vmem>>
      %dma_wait3A_40 = tpu.memref_slice %arg6[%run_scoped3A_19, %mul3A_2] : memref<8x16384xf32, #tpu.memory_space<hbm>> -> memref<1x512xf32, #tpu.memory_space<hbm>>
      %dma_wait3A_41 = tpu.memref_squeeze %dma_wait3A_40 : memref<1x512xf32, #tpu.memory_space<hbm>> -> memref<512xf32, #tpu.memory_space<hbm>>
      %dma_wait3A_42 = tpu.memref_slice %arg6[%run_scoped3A_19, %mul3A_2] : memref<8x16384xf32, #tpu.memory_space<hbm>> -> memref<1x512xf32, #tpu.memory_space<hbm>>
      %dma_wait3A_43 = tpu.memref_squeeze %dma_wait3A_42 : memref<1x512xf32, #tpu.memory_space<hbm>> -> memref<512xf32, #tpu.memory_space<hbm>>
      %dma_wait3A_44 = arith.constant 1536 : i32
      %dma_wait3A_45 = tpu.memref_slice %arg12[%dma_wait3A_44] : memref<4096xf32, #tpu.memory_space<vmem>> -> memref<512xf32, #tpu.memory_space<vmem>>
      tpu.wait_dma2 semaphore(%run_scoped3A_29 : memref<!tpu.dma_semaphore, #tpu.memory_space<semaphore_mem>>) src(%dma_wait3A_45 : memref<512xf32, #tpu.memory_space<vmem>>) dst(%dma_wait3A_43 : memref<512xf32, #tpu.memory_space<hbm>>)
      tpu.yield
    }) : () -> ()
    %run_scoped3A_20 = arith.constant 3 : i32
    "tpu.region"() ({
      %run_scoped3A_29 = tpu.sem_alloc : memref<!tpu.dma_semaphore, #tpu.memory_space<semaphore_mem>>
      %dma_start3A_30 = arith.constant 1536 : i32
      %dma_start3A_31 = tpu.memref_slice %arg13[%dma_start3A_30] : memref<4096xf32, #tpu.memory_space<vmem>> -> memref<512xf32, #tpu.memory_space<vmem>>
      %dma_start3A_32 = tpu.memref_slice %arg7[%run_scoped3A_20, %mul3A_2] : memref<8x16384xf32, #tpu.memory_space<hbm>> -> memref<1x512xf32, #tpu.memory_space<hbm>>
      %dma_start3A_33 = tpu.memref_squeeze %dma_start3A_32 : memref<1x512xf32, #tpu.memory_space<hbm>> -> memref<512xf32, #tpu.memory_space<hbm>>
      %dma_start3A_34 = tpu.memref_slice %arg7[%run_scoped3A_20, %mul3A_2] : memref<8x16384xf32, #tpu.memory_space<hbm>> -> memref<1x512xf32, #tpu.memory_space<hbm>>
      %dma_start3A_35 = tpu.memref_squeeze %dma_start3A_34 : memref<1x512xf32, #tpu.memory_space<hbm>> -> memref<512xf32, #tpu.memory_space<hbm>>
      %dma_start3A_36 = arith.constant 1536 : i32
      %dma_start3A_37 = tpu.memref_slice %arg13[%dma_start3A_36] : memref<4096xf32, #tpu.memory_space<vmem>> -> memref<512xf32, #tpu.memory_space<vmem>>
      tpu.enqueue_dma source(%dma_start3A_37 : memref<512xf32, #tpu.memory_space<vmem>>) target(%dma_start3A_35 : memref<512xf32, #tpu.memory_space<hbm>>) target_semaphore(%run_scoped3A_29 : memref<!tpu.dma_semaphore, #tpu.memory_space<semaphore_mem>>)
      %dma_wait3A_38 = arith.constant 1536 : i32
      %dma_wait3A_39 = tpu.memref_slice %arg13[%dma_wait3A_38] : memref<4096xf32, #tpu.memory_space<vmem>> -> memref<512xf32, #tpu.memory_space<vmem>>
      %dma_wait3A_40 = tpu.memref_slice %arg7[%run_scoped3A_20, %mul3A_2] : memref<8x16384xf32, #tpu.memory_space<hbm>> -> memref<1x512xf32, #tpu.memory_space<hbm>>
      %dma_wait3A_41 = tpu.memref_squeeze %dma_wait3A_40 : memref<1x512xf32, #tpu.memory_space<hbm>> -> memref<512xf32, #tpu.memory_space<hbm>>
      %dma_wait3A_42 = tpu.memref_slice %arg7[%run_scoped3A_20, %mul3A_2] : memref<8x16384xf32, #tpu.memory_space<hbm>> -> memref<1x512xf32, #tpu.memory_space<hbm>>
      %dma_wait3A_43 = tpu.memref_squeeze %dma_wait3A_42 : memref<1x512xf32, #tpu.memory_space<hbm>> -> memref<512xf32, #tpu.memory_space<hbm>>
      %dma_wait3A_44 = arith.constant 1536 : i32
      %dma_wait3A_45 = tpu.memref_slice %arg13[%dma_wait3A_44] : memref<4096xf32, #tpu.memory_space<vmem>> -> memref<512xf32, #tpu.memory_space<vmem>>
      tpu.wait_dma2 semaphore(%run_scoped3A_29 : memref<!tpu.dma_semaphore, #tpu.memory_space<semaphore_mem>>) src(%dma_wait3A_45 : memref<512xf32, #tpu.memory_space<vmem>>) dst(%dma_wait3A_43 : memref<512xf32, #tpu.memory_space<hbm>>)
      tpu.yield
    }) : () -> ()
    %run_scoped3A_21 = arith.constant 4 : i32
    "tpu.region"() ({
      %run_scoped3A_29 = tpu.sem_alloc : memref<!tpu.dma_semaphore, #tpu.memory_space<semaphore_mem>>
      %dma_start3A_30 = arith.constant 2048 : i32
      %dma_start3A_31 = tpu.memref_slice %arg12[%dma_start3A_30] : memref<4096xf32, #tpu.memory_space<vmem>> -> memref<512xf32, #tpu.memory_space<vmem>>
      %dma_start3A_32 = tpu.memref_slice %arg6[%run_scoped3A_21, %mul3A_2] : memref<8x16384xf32, #tpu.memory_space<hbm>> -> memref<1x512xf32, #tpu.memory_space<hbm>>
      %dma_start3A_33 = tpu.memref_squeeze %dma_start3A_32 : memref<1x512xf32, #tpu.memory_space<hbm>> -> memref<512xf32, #tpu.memory_space<hbm>>
      %dma_start3A_34 = tpu.memref_slice %arg6[%run_scoped3A_21, %mul3A_2] : memref<8x16384xf32, #tpu.memory_space<hbm>> -> memref<1x512xf32, #tpu.memory_space<hbm>>
      %dma_start3A_35 = tpu.memref_squeeze %dma_start3A_34 : memref<1x512xf32, #tpu.memory_space<hbm>> -> memref<512xf32, #tpu.memory_space<hbm>>
      %dma_start3A_36 = arith.constant 2048 : i32
      %dma_start3A_37 = tpu.memref_slice %arg12[%dma_start3A_36] : memref<4096xf32, #tpu.memory_space<vmem>> -> memref<512xf32, #tpu.memory_space<vmem>>
      tpu.enqueue_dma source(%dma_start3A_37 : memref<512xf32, #tpu.memory_space<vmem>>) target(%dma_start3A_35 : memref<512xf32, #tpu.memory_space<hbm>>) target_semaphore(%run_scoped3A_29 : memref<!tpu.dma_semaphore, #tpu.memory_space<semaphore_mem>>)
      %dma_wait3A_38 = arith.constant 2048 : i32
      %dma_wait3A_39 = tpu.memref_slice %arg12[%dma_wait3A_38] : memref<4096xf32, #tpu.memory_space<vmem>> -> memref<512xf32, #tpu.memory_space<vmem>>
      %dma_wait3A_40 = tpu.memref_slice %arg6[%run_scoped3A_21, %mul3A_2] : memref<8x16384xf32, #tpu.memory_space<hbm>> -> memref<1x512xf32, #tpu.memory_space<hbm>>
      %dma_wait3A_41 = tpu.memref_squeeze %dma_wait3A_40 : memref<1x512xf32, #tpu.memory_space<hbm>> -> memref<512xf32, #tpu.memory_space<hbm>>
      %dma_wait3A_42 = tpu.memref_slice %arg6[%run_scoped3A_21, %mul3A_2] : memref<8x16384xf32, #tpu.memory_space<hbm>> -> memref<1x512xf32, #tpu.memory_space<hbm>>
      %dma_wait3A_43 = tpu.memref_squeeze %dma_wait3A_42 : memref<1x512xf32, #tpu.memory_space<hbm>> -> memref<512xf32, #tpu.memory_space<hbm>>
      %dma_wait3A_44 = arith.constant 2048 : i32
      %dma_wait3A_45 = tpu.memref_slice %arg12[%dma_wait3A_44] : memref<4096xf32, #tpu.memory_space<vmem>> -> memref<512xf32, #tpu.memory_space<vmem>>
      tpu.wait_dma2 semaphore(%run_scoped3A_29 : memref<!tpu.dma_semaphore, #tpu.memory_space<semaphore_mem>>) src(%dma_wait3A_45 : memref<512xf32, #tpu.memory_space<vmem>>) dst(%dma_wait3A_43 : memref<512xf32, #tpu.memory_space<hbm>>)
      tpu.yield
    }) : () -> ()
    %run_scoped3A_22 = arith.constant 4 : i32
    "tpu.region"() ({
      %run_scoped3A_29 = tpu.sem_alloc : memref<!tpu.dma_semaphore, #tpu.memory_space<semaphore_mem>>
      %dma_start3A_30 = arith.constant 2048 : i32
      %dma_start3A_31 = tpu.memref_slice %arg13[%dma_start3A_30] : memref<4096xf32, #tpu.memory_space<vmem>> -> memref<512xf32, #tpu.memory_space<vmem>>
      %dma_start3A_32 = tpu.memref_slice %arg7[%run_scoped3A_22, %mul3A_2] : memref<8x16384xf32, #tpu.memory_space<hbm>> -> memref<1x512xf32, #tpu.memory_space<hbm>>
      %dma_start3A_33 = tpu.memref_squeeze %dma_start3A_32 : memref<1x512xf32, #tpu.memory_space<hbm>> -> memref<512xf32, #tpu.memory_space<hbm>>
      %dma_start3A_34 = tpu.memref_slice %arg7[%run_scoped3A_22, %mul3A_2] : memref<8x16384xf32, #tpu.memory_space<hbm>> -> memref<1x512xf32, #tpu.memory_space<hbm>>
      %dma_start3A_35 = tpu.memref_squeeze %dma_start3A_34 : memref<1x512xf32, #tpu.memory_space<hbm>> -> memref<512xf32, #tpu.memory_space<hbm>>
      %dma_start3A_36 = arith.constant 2048 : i32
      %dma_start3A_37 = tpu.memref_slice %arg13[%dma_start3A_36] : memref<4096xf32, #tpu.memory_space<vmem>> -> memref<512xf32, #tpu.memory_space<vmem>>
      tpu.enqueue_dma source(%dma_start3A_37 : memref<512xf32, #tpu.memory_space<vmem>>) target(%dma_start3A_35 : memref<512xf32, #tpu.memory_space<hbm>>) target_semaphore(%run_scoped3A_29 : memref<!tpu.dma_semaphore, #tpu.memory_space<semaphore_mem>>)
      %dma_wait3A_38 = arith.constant 2048 : i32
      %dma_wait3A_39 = tpu.memref_slice %arg13[%dma_wait3A_38] : memref<4096xf32, #tpu.memory_space<vmem>> -> memref<512xf32, #tpu.memory_space<vmem>>
      %dma_wait3A_40 = tpu.memref_slice %arg7[%run_scoped3A_22, %mul3A_2] : memref<8x16384xf32, #tpu.memory_space<hbm>> -> memref<1x512xf32, #tpu.memory_space<hbm>>
      %dma_wait3A_41 = tpu.memref_squeeze %dma_wait3A_40 : memref<1x512xf32, #tpu.memory_space<hbm>> -> memref<512xf32, #tpu.memory_space<hbm>>
      %dma_wait3A_42 = tpu.memref_slice %arg7[%run_scoped3A_22, %mul3A_2] : memref<8x16384xf32, #tpu.memory_space<hbm>> -> memref<1x512xf32, #tpu.memory_space<hbm>>
      %dma_wait3A_43 = tpu.memref_squeeze %dma_wait3A_42 : memref<1x512xf32, #tpu.memory_space<hbm>> -> memref<512xf32, #tpu.memory_space<hbm>>
      %dma_wait3A_44 = arith.constant 2048 : i32
      %dma_wait3A_45 = tpu.memref_slice %arg13[%dma_wait3A_44] : memref<4096xf32, #tpu.memory_space<vmem>> -> memref<512xf32, #tpu.memory_space<vmem>>
      tpu.wait_dma2 semaphore(%run_scoped3A_29 : memref<!tpu.dma_semaphore, #tpu.memory_space<semaphore_mem>>) src(%dma_wait3A_45 : memref<512xf32, #tpu.memory_space<vmem>>) dst(%dma_wait3A_43 : memref<512xf32, #tpu.memory_space<hbm>>)
      tpu.yield
    }) : () -> ()
    %run_scoped3A_23 = arith.constant 5 : i32
    "tpu.region"() ({
      %run_scoped3A_29 = tpu.sem_alloc : memref<!tpu.dma_semaphore, #tpu.memory_space<semaphore_mem>>
      %dma_start3A_30 = arith.constant 2560 : i32
      %dma_start3A_31 = tpu.memref_slice %arg12[%dma_start3A_30] : memref<4096xf32, #tpu.memory_space<vmem>> -> memref<512xf32, #tpu.memory_space<vmem>>
      %dma_start3A_32 = tpu.memref_slice %arg6[%run_scoped3A_23, %mul3A_2] : memref<8x16384xf32, #tpu.memory_space<hbm>> -> memref<1x512xf32, #tpu.memory_space<hbm>>
      %dma_start3A_33 = tpu.memref_squeeze %dma_start3A_32 : memref<1x512xf32, #tpu.memory_space<hbm>> -> memref<512xf32, #tpu.memory_space<hbm>>
      %dma_start3A_34 = tpu.memref_slice %arg6[%run_scoped3A_23, %mul3A_2] : memref<8x16384xf32, #tpu.memory_space<hbm>> -> memref<1x512xf32, #tpu.memory_space<hbm>>
      %dma_start3A_35 = tpu.memref_squeeze %dma_start3A_34 : memref<1x512xf32, #tpu.memory_space<hbm>> -> memref<512xf32, #tpu.memory_space<hbm>>
      %dma_start3A_36 = arith.constant 2560 : i32
      %dma_start3A_37 = tpu.memref_slice %arg12[%dma_start3A_36] : memref<4096xf32, #tpu.memory_space<vmem>> -> memref<512xf32, #tpu.memory_space<vmem>>
      tpu.enqueue_dma source(%dma_start3A_37 : memref<512xf32, #tpu.memory_space<vmem>>) target(%dma_start3A_35 : memref<512xf32, #tpu.memory_space<hbm>>) target_semaphore(%run_scoped3A_29 : memref<!tpu.dma_semaphore, #tpu.memory_space<semaphore_mem>>)
      %dma_wait3A_38 = arith.constant 2560 : i32
      %dma_wait3A_39 = tpu.memref_slice %arg12[%dma_wait3A_38] : memref<4096xf32, #tpu.memory_space<vmem>> -> memref<512xf32, #tpu.memory_space<vmem>>
      %dma_wait3A_40 = tpu.memref_slice %arg6[%run_scoped3A_23, %mul3A_2] : memref<8x16384xf32, #tpu.memory_space<hbm>> -> memref<1x512xf32, #tpu.memory_space<hbm>>
      %dma_wait3A_41 = tpu.memref_squeeze %dma_wait3A_40 : memref<1x512xf32, #tpu.memory_space<hbm>> -> memref<512xf32, #tpu.memory_space<hbm>>
      %dma_wait3A_42 = tpu.memref_slice %arg6[%run_scoped3A_23, %mul3A_2] : memref<8x16384xf32, #tpu.memory_space<hbm>> -> memref<1x512xf32, #tpu.memory_space<hbm>>
      %dma_wait3A_43 = tpu.memref_squeeze %dma_wait3A_42 : memref<1x512xf32, #tpu.memory_space<hbm>> -> memref<512xf32, #tpu.memory_space<hbm>>
      %dma_wait3A_44 = arith.constant 2560 : i32
      %dma_wait3A_45 = tpu.memref_slice %arg12[%dma_wait3A_44] : memref<4096xf32, #tpu.memory_space<vmem>> -> memref<512xf32, #tpu.memory_space<vmem>>
      tpu.wait_dma2 semaphore(%run_scoped3A_29 : memref<!tpu.dma_semaphore, #tpu.memory_space<semaphore_mem>>) src(%dma_wait3A_45 : memref<512xf32, #tpu.memory_space<vmem>>) dst(%dma_wait3A_43 : memref<512xf32, #tpu.memory_space<hbm>>)
      tpu.yield
    }) : () -> ()
    %run_scoped3A_24 = arith.constant 5 : i32
    "tpu.region"() ({
      %run_scoped3A_29 = tpu.sem_alloc : memref<!tpu.dma_semaphore, #tpu.memory_space<semaphore_mem>>
      %dma_start3A_30 = arith.constant 2560 : i32
      %dma_start3A_31 = tpu.memref_slice %arg13[%dma_start3A_30] : memref<4096xf32, #tpu.memory_space<vmem>> -> memref<512xf32, #tpu.memory_space<vmem>>
      %dma_start3A_32 = tpu.memref_slice %arg7[%run_scoped3A_24, %mul3A_2] : memref<8x16384xf32, #tpu.memory_space<hbm>> -> memref<1x512xf32, #tpu.memory_space<hbm>>
      %dma_start3A_33 = tpu.memref_squeeze %dma_start3A_32 : memref<1x512xf32, #tpu.memory_space<hbm>> -> memref<512xf32, #tpu.memory_space<hbm>>
      %dma_start3A_34 = tpu.memref_slice %arg7[%run_scoped3A_24, %mul3A_2] : memref<8x16384xf32, #tpu.memory_space<hbm>> -> memref<1x512xf32, #tpu.memory_space<hbm>>
      %dma_start3A_35 = tpu.memref_squeeze %dma_start3A_34 : memref<1x512xf32, #tpu.memory_space<hbm>> -> memref<512xf32, #tpu.memory_space<hbm>>
      %dma_start3A_36 = arith.constant 2560 : i32
      %dma_start3A_37 = tpu.memref_slice %arg13[%dma_start3A_36] : memref<4096xf32, #tpu.memory_space<vmem>> -> memref<512xf32, #tpu.memory_space<vmem>>
      tpu.enqueue_dma source(%dma_start3A_37 : memref<512xf32, #tpu.memory_space<vmem>>) target(%dma_start3A_35 : memref<512xf32, #tpu.memory_space<hbm>>) target_semaphore(%run_scoped3A_29 : memref<!tpu.dma_semaphore, #tpu.memory_space<semaphore_mem>>)
      %dma_wait3A_38 = arith.constant 2560 : i32
      %dma_wait3A_39 = tpu.memref_slice %arg13[%dma_wait3A_38] : memref<4096xf32, #tpu.memory_space<vmem>> -> memref<512xf32, #tpu.memory_space<vmem>>
      %dma_wait3A_40 = tpu.memref_slice %arg7[%run_scoped3A_24, %mul3A_2] : memref<8x16384xf32, #tpu.memory_space<hbm>> -> memref<1x512xf32, #tpu.memory_space<hbm>>
      %dma_wait3A_41 = tpu.memref_squeeze %dma_wait3A_40 : memref<1x512xf32, #tpu.memory_space<hbm>> -> memref<512xf32, #tpu.memory_space<hbm>>
      %dma_wait3A_42 = tpu.memref_slice %arg7[%run_scoped3A_24, %mul3A_2] : memref<8x16384xf32, #tpu.memory_space<hbm>> -> memref<1x512xf32, #tpu.memory_space<hbm>>
      %dma_wait3A_43 = tpu.memref_squeeze %dma_wait3A_42 : memref<1x512xf32, #tpu.memory_space<hbm>> -> memref<512xf32, #tpu.memory_space<hbm>>
      %dma_wait3A_44 = arith.constant 2560 : i32
      %dma_wait3A_45 = tpu.memref_slice %arg13[%dma_wait3A_44] : memref<4096xf32, #tpu.memory_space<vmem>> -> memref<512xf32, #tpu.memory_space<vmem>>
      tpu.wait_dma2 semaphore(%run_scoped3A_29 : memref<!tpu.dma_semaphore, #tpu.memory_space<semaphore_mem>>) src(%dma_wait3A_45 : memref<512xf32, #tpu.memory_space<vmem>>) dst(%dma_wait3A_43 : memref<512xf32, #tpu.memory_space<hbm>>)
      tpu.yield
    }) : () -> ()
    %run_scoped3A_25 = arith.constant 6 : i32
    "tpu.region"() ({
      %run_scoped3A_29 = tpu.sem_alloc : memref<!tpu.dma_semaphore, #tpu.memory_space<semaphore_mem>>
      %dma_start3A_30 = arith.constant 3072 : i32
      %dma_start3A_31 = tpu.memref_slice %arg12[%dma_start3A_30] : memref<4096xf32, #tpu.memory_space<vmem>> -> memref<512xf32, #tpu.memory_space<vmem>>
      %dma_start3A_32 = tpu.memref_slice %arg6[%run_scoped3A_25, %mul3A_2] : memref<8x16384xf32, #tpu.memory_space<hbm>> -> memref<1x512xf32, #tpu.memory_space<hbm>>
      %dma_start3A_33 = tpu.memref_squeeze %dma_start3A_32 : memref<1x512xf32, #tpu.memory_space<hbm>> -> memref<512xf32, #tpu.memory_space<hbm>>
      %dma_start3A_34 = tpu.memref_slice %arg6[%run_scoped3A_25, %mul3A_2] : memref<8x16384xf32, #tpu.memory_space<hbm>> -> memref<1x512xf32, #tpu.memory_space<hbm>>
      %dma_start3A_35 = tpu.memref_squeeze %dma_start3A_34 : memref<1x512xf32, #tpu.memory_space<hbm>> -> memref<512xf32, #tpu.memory_space<hbm>>
      %dma_start3A_36 = arith.constant 3072 : i32
      %dma_start3A_37 = tpu.memref_slice %arg12[%dma_start3A_36] : memref<4096xf32, #tpu.memory_space<vmem>> -> memref<512xf32, #tpu.memory_space<vmem>>
      tpu.enqueue_dma source(%dma_start3A_37 : memref<512xf32, #tpu.memory_space<vmem>>) target(%dma_start3A_35 : memref<512xf32, #tpu.memory_space<hbm>>) target_semaphore(%run_scoped3A_29 : memref<!tpu.dma_semaphore, #tpu.memory_space<semaphore_mem>>)
      %dma_wait3A_38 = arith.constant 3072 : i32
      %dma_wait3A_39 = tpu.memref_slice %arg12[%dma_wait3A_38] : memref<4096xf32, #tpu.memory_space<vmem>> -> memref<512xf32, #tpu.memory_space<vmem>>
      %dma_wait3A_40 = tpu.memref_slice %arg6[%run_scoped3A_25, %mul3A_2] : memref<8x16384xf32, #tpu.memory_space<hbm>> -> memref<1x512xf32, #tpu.memory_space<hbm>>
      %dma_wait3A_41 = tpu.memref_squeeze %dma_wait3A_40 : memref<1x512xf32, #tpu.memory_space<hbm>> -> memref<512xf32, #tpu.memory_space<hbm>>
      %dma_wait3A_42 = tpu.memref_slice %arg6[%run_scoped3A_25, %mul3A_2] : memref<8x16384xf32, #tpu.memory_space<hbm>> -> memref<1x512xf32, #tpu.memory_space<hbm>>
      %dma_wait3A_43 = tpu.memref_squeeze %dma_wait3A_42 : memref<1x512xf32, #tpu.memory_space<hbm>> -> memref<512xf32, #tpu.memory_space<hbm>>
      %dma_wait3A_44 = arith.constant 3072 : i32
      %dma_wait3A_45 = tpu.memref_slice %arg12[%dma_wait3A_44] : memref<4096xf32, #tpu.memory_space<vmem>> -> memref<512xf32, #tpu.memory_space<vmem>>
      tpu.wait_dma2 semaphore(%run_scoped3A_29 : memref<!tpu.dma_semaphore, #tpu.memory_space<semaphore_mem>>) src(%dma_wait3A_45 : memref<512xf32, #tpu.memory_space<vmem>>) dst(%dma_wait3A_43 : memref<512xf32, #tpu.memory_space<hbm>>)
      tpu.yield
    }) : () -> ()
    %run_scoped3A_26 = arith.constant 6 : i32
    "tpu.region"() ({
      %run_scoped3A_29 = tpu.sem_alloc : memref<!tpu.dma_semaphore, #tpu.memory_space<semaphore_mem>>
      %dma_start3A_30 = arith.constant 3072 : i32
      %dma_start3A_31 = tpu.memref_slice %arg13[%dma_start3A_30] : memref<4096xf32, #tpu.memory_space<vmem>> -> memref<512xf32, #tpu.memory_space<vmem>>
      %dma_start3A_32 = tpu.memref_slice %arg7[%run_scoped3A_26, %mul3A_2] : memref<8x16384xf32, #tpu.memory_space<hbm>> -> memref<1x512xf32, #tpu.memory_space<hbm>>
      %dma_start3A_33 = tpu.memref_squeeze %dma_start3A_32 : memref<1x512xf32, #tpu.memory_space<hbm>> -> memref<512xf32, #tpu.memory_space<hbm>>
      %dma_start3A_34 = tpu.memref_slice %arg7[%run_scoped3A_26, %mul3A_2] : memref<8x16384xf32, #tpu.memory_space<hbm>> -> memref<1x512xf32, #tpu.memory_space<hbm>>
      %dma_start3A_35 = tpu.memref_squeeze %dma_start3A_34 : memref<1x512xf32, #tpu.memory_space<hbm>> -> memref<512xf32, #tpu.memory_space<hbm>>
      %dma_start3A_36 = arith.constant 3072 : i32
      %dma_start3A_37 = tpu.memref_slice %arg13[%dma_start3A_36] : memref<4096xf32, #tpu.memory_space<vmem>> -> memref<512xf32, #tpu.memory_space<vmem>>
      tpu.enqueue_dma source(%dma_start3A_37 : memref<512xf32, #tpu.memory_space<vmem>>) target(%dma_start3A_35 : memref<512xf32, #tpu.memory_space<hbm>>) target_semaphore(%run_scoped3A_29 : memref<!tpu.dma_semaphore, #tpu.memory_space<semaphore_mem>>)
      %dma_wait3A_38 = arith.constant 3072 : i32
      %dma_wait3A_39 = tpu.memref_slice %arg13[%dma_wait3A_38] : memref<4096xf32, #tpu.memory_space<vmem>> -> memref<512xf32, #tpu.memory_space<vmem>>
      %dma_wait3A_40 = tpu.memref_slice %arg7[%run_scoped3A_26, %mul3A_2] : memref<8x16384xf32, #tpu.memory_space<hbm>> -> memref<1x512xf32, #tpu.memory_space<hbm>>
      %dma_wait3A_41 = tpu.memref_squeeze %dma_wait3A_40 : memref<1x512xf32, #tpu.memory_space<hbm>> -> memref<512xf32, #tpu.memory_space<hbm>>
      %dma_wait3A_42 = tpu.memref_slice %arg7[%run_scoped3A_26, %mul3A_2] : memref<8x16384xf32, #tpu.memory_space<hbm>> -> memref<1x512xf32, #tpu.memory_space<hbm>>
      %dma_wait3A_43 = tpu.memref_squeeze %dma_wait3A_42 : memref<1x512xf32, #tpu.memory_space<hbm>> -> memref<512xf32, #tpu.memory_space<hbm>>
      %dma_wait3A_44 = arith.constant 3072 : i32
      %dma_wait3A_45 = tpu.memref_slice %arg13[%dma_wait3A_44] : memref<4096xf32, #tpu.memory_space<vmem>> -> memref<512xf32, #tpu.memory_space<vmem>>
      tpu.wait_dma2 semaphore(%run_scoped3A_29 : memref<!tpu.dma_semaphore, #tpu.memory_space<semaphore_mem>>) src(%dma_wait3A_45 : memref<512xf32, #tpu.memory_space<vmem>>) dst(%dma_wait3A_43 : memref<512xf32, #tpu.memory_space<hbm>>)
      tpu.yield
    }) : () -> ()
    %run_scoped3A_27 = arith.constant 7 : i32
    "tpu.region"() ({
      %run_scoped3A_29 = tpu.sem_alloc : memref<!tpu.dma_semaphore, #tpu.memory_space<semaphore_mem>>
      %dma_start3A_30 = arith.constant 3584 : i32
      %dma_start3A_31 = tpu.memref_slice %arg12[%dma_start3A_30] : memref<4096xf32, #tpu.memory_space<vmem>> -> memref<512xf32, #tpu.memory_space<vmem>>
      %dma_start3A_32 = tpu.memref_slice %arg6[%run_scoped3A_27, %mul3A_2] : memref<8x16384xf32, #tpu.memory_space<hbm>> -> memref<1x512xf32, #tpu.memory_space<hbm>>
      %dma_start3A_33 = tpu.memref_squeeze %dma_start3A_32 : memref<1x512xf32, #tpu.memory_space<hbm>> -> memref<512xf32, #tpu.memory_space<hbm>>
      %dma_start3A_34 = tpu.memref_slice %arg6[%run_scoped3A_27, %mul3A_2] : memref<8x16384xf32, #tpu.memory_space<hbm>> -> memref<1x512xf32, #tpu.memory_space<hbm>>
      %dma_start3A_35 = tpu.memref_squeeze %dma_start3A_34 : memref<1x512xf32, #tpu.memory_space<hbm>> -> memref<512xf32, #tpu.memory_space<hbm>>
      %dma_start3A_36 = arith.constant 3584 : i32
      %dma_start3A_37 = tpu.memref_slice %arg12[%dma_start3A_36] : memref<4096xf32, #tpu.memory_space<vmem>> -> memref<512xf32, #tpu.memory_space<vmem>>
      tpu.enqueue_dma source(%dma_start3A_37 : memref<512xf32, #tpu.memory_space<vmem>>) target(%dma_start3A_35 : memref<512xf32, #tpu.memory_space<hbm>>) target_semaphore(%run_scoped3A_29 : memref<!tpu.dma_semaphore, #tpu.memory_space<semaphore_mem>>)
      %dma_wait3A_38 = arith.constant 3584 : i32
      %dma_wait3A_39 = tpu.memref_slice %arg12[%dma_wait3A_38] : memref<4096xf32, #tpu.memory_space<vmem>> -> memref<512xf32, #tpu.memory_space<vmem>>
      %dma_wait3A_40 = tpu.memref_slice %arg6[%run_scoped3A_27, %mul3A_2] : memref<8x16384xf32, #tpu.memory_space<hbm>> -> memref<1x512xf32, #tpu.memory_space<hbm>>
      %dma_wait3A_41 = tpu.memref_squeeze %dma_wait3A_40 : memref<1x512xf32, #tpu.memory_space<hbm>> -> memref<512xf32, #tpu.memory_space<hbm>>
      %dma_wait3A_42 = tpu.memref_slice %arg6[%run_scoped3A_27, %mul3A_2] : memref<8x16384xf32, #tpu.memory_space<hbm>> -> memref<1x512xf32, #tpu.memory_space<hbm>>
      %dma_wait3A_43 = tpu.memref_squeeze %dma_wait3A_42 : memref<1x512xf32, #tpu.memory_space<hbm>> -> memref<512xf32, #tpu.memory_space<hbm>>
      %dma_wait3A_44 = arith.constant 3584 : i32
      %dma_wait3A_45 = tpu.memref_slice %arg12[%dma_wait3A_44] : memref<4096xf32, #tpu.memory_space<vmem>> -> memref<512xf32, #tpu.memory_space<vmem>>
      tpu.wait_dma2 semaphore(%run_scoped3A_29 : memref<!tpu.dma_semaphore, #tpu.memory_space<semaphore_mem>>) src(%dma_wait3A_45 : memref<512xf32, #tpu.memory_space<vmem>>) dst(%dma_wait3A_43 : memref<512xf32, #tpu.memory_space<hbm>>)
      tpu.yield
    }) : () -> ()
    %run_scoped3A_28 = arith.constant 7 : i32
    "tpu.region"() ({
      %run_scoped3A_29 = tpu.sem_alloc : memref<!tpu.dma_semaphore, #tpu.memory_space<semaphore_mem>>
      %dma_start3A_30 = arith.constant 3584 : i32
      %dma_start3A_31 = tpu.memref_slice %arg13[%dma_start3A_30] : memref<4096xf32, #tpu.memory_space<vmem>> -> memref<512xf32, #tpu.memory_space<vmem>>
      %dma_start3A_32 = tpu.memref_slice %arg7[%run_scoped3A_28, %mul3A_2] : memref<8x16384xf32, #tpu.memory_space<hbm>> -> memref<1x512xf32, #tpu.memory_space<hbm>>
      %dma_start3A_33 = tpu.memref_squeeze %dma_start3A_32 : memref<1x512xf32, #tpu.memory_space<hbm>> -> memref<512xf32, #tpu.memory_space<hbm>>
      %dma_start3A_34 = tpu.memref_slice %arg7[%run_scoped3A_28, %mul3A_2] : memref<8x16384xf32, #tpu.memory_space<hbm>> -> memref<1x512xf32, #tpu.memory_space<hbm>>
      %dma_start3A_35 = tpu.memref_squeeze %dma_start3A_34 : memref<1x512xf32, #tpu.memory_space<hbm>> -> memref<512xf32, #tpu.memory_space<hbm>>
      %dma_start3A_36 = arith.constant 3584 : i32
      %dma_start3A_37 = tpu.memref_slice %arg13[%dma_start3A_36] : memref<4096xf32, #tpu.memory_space<vmem>> -> memref<512xf32, #tpu.memory_space<vmem>>
      tpu.enqueue_dma source(%dma_start3A_37 : memref<512xf32, #tpu.memory_space<vmem>>) target(%dma_start3A_35 : memref<512xf32, #tpu.memory_space<hbm>>) target_semaphore(%run_scoped3A_29 : memref<!tpu.dma_semaphore, #tpu.memory_space<semaphore_mem>>)
      %dma_wait3A_38 = arith.constant 3584 : i32
      %dma_wait3A_39 = tpu.memref_slice %arg13[%dma_wait3A_38] : memref<4096xf32, #tpu.memory_space<vmem>> -> memref<512xf32, #tpu.memory_space<vmem>>
      %dma_wait3A_40 = tpu.memref_slice %arg7[%run_scoped3A_28, %mul3A_2] : memref<8x16384xf32, #tpu.memory_space<hbm>> -> memref<1x512xf32, #tpu.memory_space<hbm>>
      %dma_wait3A_41 = tpu.memref_squeeze %dma_wait3A_40 : memref<1x512xf32, #tpu.memory_space<hbm>> -> memref<512xf32, #tpu.memory_space<hbm>>
      %dma_wait3A_42 = tpu.memref_slice %arg7[%run_scoped3A_28, %mul3A_2] : memref<8x16384xf32, #tpu.memory_space<hbm>> -> memref<1x512xf32, #tpu.memory_space<hbm>>
      %dma_wait3A_43 = tpu.memref_squeeze %dma_wait3A_42 : memref<1x512xf32, #tpu.memory_space<hbm>> -> memref<512xf32, #tpu.memory_space<hbm>>
      %dma_wait3A_44 = arith.constant 3584 : i32
      %dma_wait3A_45 = tpu.memref_slice %arg13[%dma_wait3A_44] : memref<4096xf32, #tpu.memory_space<vmem>> -> memref<512xf32, #tpu.memory_space<vmem>>
      tpu.wait_dma2 semaphore(%run_scoped3A_29 : memref<!tpu.dma_semaphore, #tpu.memory_space<semaphore_mem>>) src(%dma_wait3A_45 : memref<512xf32, #tpu.memory_space<vmem>>) dst(%dma_wait3A_43 : memref<512xf32, #tpu.memory_space<hbm>>)
      tpu.yield
    }) : () -> ()
    return
  }
}

module attributes {stable_mosaic.version = 14 : i64} {
  func.func @_mlp_body(%arg0: memref<8x16384xf32, #tpu.memory_space<vmem>>, %arg1: memref<8x16384xf32, #tpu.memory_space<vmem>>, %arg2: memref<8x64xf32, #tpu.memory_space<vmem>>, %arg3: memref<8x64xf32, #tpu.memory_space<vmem>>, %arg4: memref<1x64xf32, #tpu.memory_space<vmem>>, %arg5: memref<64x32xf32, #tpu.memory_space<vmem>>, %arg6: memref<1x32xf32, #tpu.memory_space<vmem>>, %arg7: memref<32x1xf32, #tpu.memory_space<vmem>>, %arg8: memref<1x1xf32, #tpu.memory_space<vmem>>, %arg9: memref<1x16384xf32, #tpu.memory_space<vmem>>) attributes {dimension_semantics = [], scalar_prefetch = 0 : i64, scratch_operands = 0 : i64, tpu.core_type = #tpu.core_type<tc>} {
    %get3A = arith.constant 0 : index
    %get3A_0 = arith.constant 0 : index
    %get3A_1 = vector.load %arg0[%get3A, %get3A_0] : memref<8x16384xf32, #tpu.memory_space<vmem>>, vector<8x16384xf32>
    %get3A_2 = arith.constant 0 : index
    %get3A_3 = arith.constant 0 : index
    %get3A_4 = vector.load %arg2[%get3A_2, %get3A_3] : memref<8x64xf32, #tpu.memory_space<vmem>>, vector<8x64xf32>
    %dot_general3A = arith.constant dense<0.000000e+00> : vector<16384x64xf32>
    %dot_general3A_5 = tpu.matmul %get3A_1, %get3A_4, %dot_general3A {dimension_numbers = #tpu.dot_dimension_numbers<[0], [0], [1], [1], [0, 1, 1, 1], [], []>, transpose_lhs_hint = false} : vector<8x16384xf32>, vector<8x64xf32>, vector<16384x64xf32> -> vector<16384x64xf32>
    %get3A_6 = arith.constant 0 : index
    %get3A_7 = arith.constant 0 : index
    %get3A_8 = vector.load %arg1[%get3A_6, %get3A_7] : memref<8x16384xf32, #tpu.memory_space<vmem>>, vector<8x16384xf32>
    %get3A_9 = arith.constant 0 : index
    %get3A_10 = arith.constant 0 : index
    %get3A_11 = vector.load %arg3[%get3A_9, %get3A_10] : memref<8x64xf32, #tpu.memory_space<vmem>>, vector<8x64xf32>
    %dot_general3A_12 = arith.constant dense<0.000000e+00> : vector<16384x64xf32>
    %dot_general3A_13 = tpu.matmul %get3A_8, %get3A_11, %dot_general3A_12 {dimension_numbers = #tpu.dot_dimension_numbers<[0], [0], [1], [1], [0, 1, 1, 1], [], []>, transpose_lhs_hint = false} : vector<8x16384xf32>, vector<8x64xf32>, vector<16384x64xf32> -> vector<16384x64xf32>
    %add3A = arith.addf %dot_general3A_5, %dot_general3A_13 : vector<16384x64xf32>
    %get3A_14 = arith.constant 0 : index
    %get3A_15 = arith.constant 0 : index
    %get3A_16 = vector.load %arg4[%get3A_14, %get3A_15] : memref<1x64xf32, #tpu.memory_space<vmem>>, vector<1x64xf32>
    %add3A_17 = vector.broadcast %get3A_16 : vector<1x64xf32> to vector<16384x64xf32>
    %add3A_18 = arith.addf %add3A, %add3A_17 : vector<16384x64xf32>
    %max3A = arith.constant 0.000000e+00 : f32
    %max3A_19 = vector.broadcast %max3A : f32 to vector<16384x64xf32>
    %max3A_20 = arith.maximumf %add3A_18, %max3A_19 : vector<16384x64xf32>
    %get3A_21 = arith.constant 0 : index
    %get3A_22 = arith.constant 0 : index
    %get3A_23 = vector.load %arg5[%get3A_21, %get3A_22] : memref<64x32xf32, #tpu.memory_space<vmem>>, vector<64x32xf32>
    %dot_general3A_24 = arith.constant dense<0.000000e+00> : vector<16384x32xf32>
    %dot_general3A_25 = tpu.matmul %max3A_20, %get3A_23, %dot_general3A_24 {dimension_numbers = #tpu.dot_dimension_numbers<[1], [0], [0], [1], [0, 0, 1, 1], [], []>, transpose_lhs_hint = false} : vector<16384x64xf32>, vector<64x32xf32>, vector<16384x32xf32> -> vector<16384x32xf32>
    %get3A_26 = arith.constant 0 : index
    %get3A_27 = arith.constant 0 : index
    %get3A_28 = vector.load %arg6[%get3A_26, %get3A_27] : memref<1x32xf32, #tpu.memory_space<vmem>>, vector<1x32xf32>
    %add3A_29 = vector.broadcast %get3A_28 : vector<1x32xf32> to vector<16384x32xf32>
    %add3A_30 = arith.addf %dot_general3A_25, %add3A_29 : vector<16384x32xf32>
    %max3A_31 = arith.constant 0.000000e+00 : f32
    %max3A_32 = vector.broadcast %max3A_31 : f32 to vector<16384x32xf32>
    %max3A_33 = arith.maximumf %add3A_30, %max3A_32 : vector<16384x32xf32>
    %get3A_34 = arith.constant 0 : index
    %get3A_35 = arith.constant 0 : index
    %get3A_36 = vector.load %arg7[%get3A_34, %get3A_35] : memref<32x1xf32, #tpu.memory_space<vmem>>, vector<32x1xf32>
    %dot_general3A_37 = arith.constant dense<0.000000e+00> : vector<1x16384xf32>
    %dot_general3A_38 = tpu.matmul %get3A_36, %max3A_33, %dot_general3A_37 {dimension_numbers = #tpu.dot_dimension_numbers<[0], [1], [1], [0], [0, 1, 1, 0], [], []>, transpose_lhs_hint = false} : vector<32x1xf32>, vector<16384x32xf32>, vector<1x16384xf32> -> vector<1x16384xf32>
    %get3A_39 = arith.constant 0 : index
    %get3A_40 = arith.constant 0 : index
    %get3A_41 = vector.load %arg8[%get3A_39, %get3A_40] : memref<1x1xf32, #tpu.memory_space<vmem>>, vector<1x1xf32>
    %add3A_42 = vector.broadcast %get3A_41 : vector<1x1xf32> to vector<1x16384xf32>
    %add3A_43 = arith.addf %dot_general3A_38, %add3A_42 : vector<1x16384xf32>
    %logistic3A = arith.negf %add3A_43 : vector<1x16384xf32>
    %logistic3A_44 = math.exp %logistic3A : vector<1x16384xf32>
    %logistic3A_45 = arith.constant 1.000000e+00 : f32
    %logistic3A_46 = vector.broadcast %logistic3A_45 : f32 to vector<1x16384xf32>
    %logistic3A_47 = arith.addf %logistic3A_46, %logistic3A_44 : vector<1x16384xf32>
    %logistic3A_48 = arith.divf %logistic3A_46, %logistic3A_47 : vector<1x16384xf32>
    %swap3A = arith.constant 0 : index
    %swap3A_49 = arith.constant 0 : index
    %swap3A_50 = vector.load %arg9[%swap3A, %swap3A_49] : memref<1x16384xf32, #tpu.memory_space<vmem>>, vector<1x16384xf32>
    tpu.vector_store %arg9[%swap3A, %swap3A_49], %logistic3A_48 {strides = array<i32>} : memref<1x16384xf32, #tpu.memory_space<vmem>>, vector<1x16384xf32>,
    return
  }
}

</mosaic_0001>

<sc_bundles>
// kernel: kernel.4.cloned.1.call-start
scs
__scs_entry_jumppad:
0x0: {  	(pc) =	sbr.rel $0x88, $3  }
0x1: {  	(tag) =	ssettag $0x0;
	lr =	simm.s32 $0x1  }
0x2: {  	[smem:$0x3F97] =	sst lr;
	_ =	strace $0xD0000000  }
0x3: {  	_ = 	snop  }
0x4: {  	_ = 	snop  }
0x5: {  	_ = 	snop  }
0x6: {  	_ = 	snop  }
0x7: {  	_ = 	snop  }
__scs_overlays_trampoline_lowered:
0x8: {  	[smem:$0x3FA6] =	sst s0  }
0x9: {  	[smem:$0x3FA7] =	sst s1  }
0xa: {  	[smem:$0x3FA8] =	sst s2  }
0xb: {  	[smem:$0x3FA9] =	sst s3  }
0xc: {  	[smem:$0x3FAA] =	sst s4  }
0xd: {  	[smem:$0x3FAB] =	sst s5  }
0xe: {  	[smem:$0x3FAC] =	sst s6  }
0xf: {  	[smem:$0x3FAD] =	sst s7  }
0x10: {  	[smem:$0x3FAE] =	sst s8  }
0x11: {  	[smem:$0x3FAF] =	sst s9;
	s0 =	simm.s32 @!p0 $0x0  }
0x12: {  	s1 =	sld [smem:$0x3F95];
	s0 =	simm.s32 @p0 $0x1  }
0x13: {  	[smem:$0x3FB0] =	sst s0;
	s0 =	simm.s32 @!p1 $0x0  }
0x14: {  	s2 =	sld [smem:$0x3F94];
	s0 =	simm.s32 @p1 $0x1  }
0x15: {  	[smem:$0x3FB1] =	sst s0;
	s0 =	simm.s32 @!p2 $0x0  }
0x16: {  	s3 =	sld [smem:$0x3FDB];
	s0 =	simm.s32 @p2 $0x1  }
0x17: {  	s4 =	simm.s32 $0x1BF5;
	[smem:$0x3FB3] =	sst s0  }
0x18: {  	s0 =	sld [smem:$0x3F96];
	_ =	swait.ge [sflag:s4], $0x0  }
0x19: {  	s7 =	sld [smem:$0x3F97]  }
0x1a: {  	s8 =	sadd.s32 $0xFFFFE003, lr  }
0x1b: {  	s9 =	sadd.s32 $0xFFFFFEF7, lr;
	s5 =	simm.s32 $0xFFFFFFFF;
	p2 =	slt.u32 s8, $0xFFFFF086  }
0x1c: {  	p1 =	slt.u32 s9, $0xF7A;
	s5 =	simm.s32 @!p2 $0x0  }
0x1d: {  	s5 =	simm.s32 @p1 $0x1;
	p0 =	seq.s32 s7, s2  }
0x1e: {  	s7 =	smul.u32 @!p0 $0xF7A, s2;
	p2 =	seq.s32 @!p0 s5, $0x0  }
0x1f: {  	s9 =	smul.u32 $0xF7A, s1;
	s8 =	simm.s32 @!p0 $0x1BF5;
	p2 =	por !p2, p0  }
0x20: {  	[sflag:s8] =	ssyncset.s32 @!p0 $0xFFFFF086;
	s6 =	sadd.s32 @!p0 s3, s7;
	s7 =	simm.s32 @!p0 $0x108  }
0x21: {  	s3 =	sadd.s32 s3, s9;
	s6 =	sadd.s32 @!p0 $0x88, s6;
	s7 =	simm.s32 @p2 $0x1082  }
0x22: {  	[simem:s7], [sflag:s8] =	dma.local @!p0 [hbm:s6], $0xF7A  }
0x23: {  	s9 =	sor.u32 $0xD0000000, s2;
	s6 =	simm.s32 $0x108;
	_ =	swait.ge @!p0 [sflag:s8], $0x0  }
0x24: {  	s3 =	sadd.s32 $0x88, s3;
	s6 =	simm.s32 @!p1 $0x1082;
	[sflag:s4] =	ssyncset.s32 $0xFFFFF086  }
0x25: {  	[simem:s6], [sflag:s4] =	dma.local [hbm:s3], $0xF7A  }
0x26: {  	[smem:$0x3F97] =	sst s1;
	(tag) =	ssettag s2;
	_ =	strace s9  }
0x27: {  	s1 =	sld [smem:$0x3FA7]  }
0x28: {  	s2 =	sld [smem:$0x3FA8]  }
0x29: {  	s4 =	sld [smem:$0x3FAA]  }
0x2a: {  	p0 =	seq.s32 s5, $0x0;
	s5 =	sld [smem:$0x3FAB]  }
0x2b: {  	s6 =	sld [smem:$0x3FAC]  }
0x2c: {  	s7 =	sld [smem:$0x3FAD]  }
0x2d: {  	s3 =	simm.s32 $0x108;
	s8 =	sld [smem:$0x3FAE]  }
0x2e: {  	s3 =	simm.s32 @!p0 $0x1082;
	s9 =	sld [smem:$0x3FAF]  }
0x2f: {  	lr =	sadd.s32 s0, s3;
	s0 =	sld [smem:$0x3FA6]  }
0x30: {  	s3 =	sld [smem:$0x3FA9]  }
0x31: {  	[smem:$0x3FB2] =	sst s10  }
0x32: {  	s10 =	sld [smem:$0x3FB0];
	_ =	sdelay $0x3  }
0x33: {  	p0 =	seq.s32 s10, $0x1;
	s10 =	sld [smem:$0x3FB2];
	_ =	sdelay $0x3  }
0x34: {  	[smem:$0x3FB2] =	sst s10  }
0x35: {  	s10 =	sld [smem:$0x3FB1];
	_ =	sdelay $0x3  }
0x36: {  	p1 =	seq.s32 s10, $0x1;
	s10 =	sld [smem:$0x3FB2];
	_ =	sdelay $0x3  }
0x37: {  	[smem:$0x3FB2] =	sst s10  }
0x38: {  	s10 =	sld [smem:$0x3FB3]  }
0x39: {  	_ = 	snop;
	(pc) =	sbr.ind lr, $3  }
0x3a: {  	_ = 	snop  }
0x3b: {  	_ = 	snop  }
0x3c: {  	p2 =	seq.s32 s10, $0x1;
	s10 =	sld [smem:$0x3FB2]  }
0x3d: {  	_ =	shalt  }
0x3e: {  	_ =	shalt  }
0x3f: {  	_ =	shalt  }
0x40: {  	_ =	shalt  }
0x41: {  	_ =	shalt  }
0x42: {  	_ =	shalt  }
0x43: {  	_ =	shalt  }
0x44: {  	_ =	shalt  }
0x45: {  	_ =	shalt  }
0x46: {  	_ =	shalt  }
0x47: {  	_ =	shalt  }
0x48: {  	_ =	shalt  }
0x49: {  	_ =	shalt  }
0x4a: {  	_ =	shalt  }
0x4b: {  	_ =	shalt  }
0x4c: {  	_ =	shalt  }
0x4d: {  	_ =	shalt  }
0x4e: {  	_ =	shalt  }
0x4f: {  	_ =	shalt  }
0x50: {  	_ =	shalt  }
0x51: {  	_ =	shalt  }
0x52: {  	_ =	shalt  }
0x53: {  	_ =	shalt  }
0x54: {  	_ =	shalt  }
0x55: {  	_ =	shalt  }
0x56: {  	_ =	shalt  }
0x57: {  	_ =	shalt  }
0x58: {  	_ =	shalt  }
0x59: {  	_ =	shalt  }
0x5a: {  	_ =	shalt  }
0x5b: {  	_ =	shalt  }
0x5c: {  	_ =	shalt  }
0x5d: {  	_ =	shalt  }
0x5e: {  	_ =	shalt  }
0x5f: {  	_ =	shalt  }
0x60: {  	_ =	shalt  }
0x61: {  	_ =	shalt  }
0x62: {  	_ =	shalt  }
0x63: {  	_ =	shalt  }
0x64: {  	_ =	shalt  }
0x65: {  	_ =	shalt  }
0x66: {  	_ =	shalt  }
0x67: {  	_ =	shalt  }
0x68: {  	_ =	shalt  }
0x69: {  	_ =	shalt  }
0x6a: {  	_ =	shalt  }
0x6b: {  	_ =	shalt  }
0x6c: {  	_ =	shalt  }
0x6d: {  	_ =	shalt  }
0x6e: {  	_ =	shalt  }
0x6f: {  	_ =	shalt  }
0x70: {  	_ =	shalt  }
0x71: {  	_ =	shalt  }
0x72: {  	_ =	shalt  }
0x73: {  	_ =	shalt  }
0x74: {  	_ =	shalt  }
0x75: {  	_ =	shalt  }
0x76: {  	_ =	shalt  }
0x77: {  	_ =	shalt  }
0x78: {  	_ =	shalt  }
0x79: {  	_ =	shalt  }
0x7a: {  	_ =	shalt  }
0x7b: {  	_ =	shalt  }
0x7c: {  	_ =	shalt  }
0x7d: {  	_ =	shalt  }
0x7e: {  	_ =	shalt  }
0x7f: {  	_ =	shalt  }
0x80: {  	_ =	shalt  }
0x81: {  	_ =	shalt  }
0x82: {  	_ =	shalt  }
0x83: {  	_ =	shalt  }
0x84: {  	_ =	shalt  }
0x85: {  	_ =	shalt  }
0x86: {  	_ =	shalt  }
0x87: {  	_ =	shalt  }
.Lfunc_end0:
.L_simem_size_0:
called_computation_lowered:
.L_overlay_start_0:
0x88: {  	s2 =	sld [smem:$0x3FD9]  }
0x89: {  	s3 =	sld [smem:$0x3FFE];
	_ =	sdelay $0x1  }
0x8a: {  	s1 =	srdreg.scid  }
0x8b: {  	s0 =	sand.u32 $0x1, s1  }
0x8c: {  	s17 =	sshll.u32 s0, $0xA;
	s2 =	sadd.s32 s3, s2  }
0x8d: {  	s2 =	sadd.s32 s2, s17  }
0x8e: {  	[smem:$0x3FBE] =	sst s2  }
0x8f: {  	_ = 	snop  }
0x90: {  	s2 =	sld [smem:$0x3FC9]  }
0x91: {  	s18 =	sld [smem:$0x3FC8]  }
0x92: {  	s4 =	sld [smem:$0x3FC7]  }
0x93: {  	s5 =	sld [smem:$0x3FC6];
	(tm) =	ssettm $0x1  }
0x94: {  	s6 =	sld [smem:$0x3FFB];
	_ =	sdelay $0x3  }
0x95: {  	_ =	strace s6  }
0x96: {  	s6 =	sld [smem:$0x3FFC];
	_ =	sdelay $0x3  }
0x97: {  	_ =	strace s6  }
0x98: {  	s6 =	sld [smem:$0x3FFD];
	_ =	sdelay $0x3  }
0x99: {  	_ =	strace s6  }
0x9a: {  	_ =	strace $0x8FFFFFFF  }
0x9b: {  	s19 =	sld [smem:$0x3FDB];
	_ =	sdelay $0x1  }
0x9c: {  	s7 =	simm.s32 $_scs_section_size  }
0x9d: {  	s8 =	simm.s32 $_size__tile_overlayer_lowered;
	s9 =	simm.s32 $_tile_overlayer_lowered  }
0x9e: {  	s22 =	simm.s32 $0x1BFF;
	s21 =	sshll.u32 s9, $0x1;
	s6 =	sadd.s32 s7, s19  }
0x9f: {  	s10 =	simm.s32 $0x0;
	s20 =	sshll.u32 s8, $0x1;
	s8 =	sadd.s32 s21, s6  }
0xa0: {  	[timem:s10], [sflag:s22] =	dma.local [hbm:s8], s20  }
0xa1: {  	_ =	swait.ge [sflag:s22], s20  }
0xa2: {  	s7 =	ssub.s32 $0x0, s20;
	[sflag:s22] =	ssyncset.done $0x0  }
0xa3: {  	[sflag:s22] =	ssyncadd.s32 s7;
	_ =	sdelay $0x1  }
0xa4: {  	s23 =	simm.s32 $0x1B8B  }
0xa5: {  	_ =	swait.ge [sflag:s23], $0x1  }
0xa6: {  	[sflag:s23] =	ssyncset.done $0x0  }
0xa7: {  	s25 =	simm.s32 $0x1B8E;
	s24 =	sld [smem:$0x3FFE];
	[sflag:s23] =	ssyncadd.s32 $0xFFFFFFFF  }
0xa8: {  	s26 =	simm.s32 $execute0_lowered;
	[smem:$0x3FD2] =	sst s25  }
0xa9: {  	s8 =	sshll.u32 s26, $0x1;
	_ =	strace $0x80000046;
	[dreg:$0x1] =	wrdreg $0xFFFFFFFF  }
0xaa: {  	s28 =	simm.s32 $_size_execute0_lowered;
	s6 =	sadd.s32 s6, s8;
	[dreg:$0x0] =	wrdreg $0x0  }
0xab: {  	s8 =	sshll.u32 s28, $0x1;
	[dreg:$0x2] =	wrdreg s6  }
0xac: {  	[dreg:$0x3] =	wrdreg s8  }
0xad: {  	[dreg:$0x4] =	wrdreg $0xC0  }
0xae: {  	_ =	task [dreg:s10], $0x5FFFF  }
0xaf: {  	[dreg:$0x1] =	wrdreg $0xFFFFFFFF  }
0xb0: {  	[dreg:$0x0] =	wrdreg $0x60  }
0xb1: {  	[dreg:$0x2] =	wrdreg s2  }
0xb2: {  	[dreg:$0x3] =	wrdreg s18  }
0xb3: {  	[dreg:$0x4] =	wrdreg s4  }
0xb4: {  	[dreg:$0x5] =	wrdreg s5  }
0xb5: {  	[dreg:$0x6] =	wrdreg s24  }
0xb6: {  	[dreg:$0x7] =	wrdreg $0x9  }
0xb7: {  	_ =	task.clear_ibuf [dreg:s10], $0x8FFFF;
	_ =	strace $0x90000046  }
0xb8: {  	s29 =	simm.s32 $0x9;
	_ =	strace $0x80000048  }
0xb9: {  	_ =	swait.ge [sflag:s29], $0x1  }
0xba: {  	[sflag:s29] =	ssyncadd.s32 $0xFFFFFFFF  }
0xbb: {  	_ =	strace $0x90000048  }
0xbc: {  	_ =	sfence  }
0xbd: {  	s30 =	sld [smem:$0x0];
	_ =	sdelay $0x2  }
0xbe: {  	s31 =	sshll.u32 s1, $0xD;
	s1 =	sshrl.u32 s1, $0x2  }
0xbf: {  	s3 =	sand.u32 $0x4000, s31;
	s1 =	sadd.s32 s1, s30  }
0xc0: {  	s0 =	sor.u32 s3, s0;
	s1 =	sshll.u32 s1, $0x11  }
0xc1: {  	s0 =	sor.u32 s1, s0  }
0xc2: {  	s0 =	sadd.s32 $0x8F2B, s0  }
0xc3: {  	[sflag:s0] =	ssyncadd.remote.s32 $0x1  }
0xc4: {  	_ =	sfence.sel $0xFFFF  }
0xc5: {  	[dreg:$0x0] =	wrdreg $0xFFFFFFFF;
	(pc) =	sbr.abs _section_cstart, $3  }
0xc6: {  	[dreg:$0x1] =	wrdreg $0xFFFFFFFF  }
0xc7: {  	_ =	task.clear_ibuf [dreg:s10], $0x2FFFF;
	_ =	strace $0x9FFFFFFF  }
0xc8: {  	(tm) =	ssettm $0x7FFFFFFF  }
0xc9: {  	_ =	shalt  }
tec
execute0_lowered:
.L_overlay_start_1:
0x0: {  	(tag) =	ssettag $0x1  }
0x1: {  	s6 =	rddreg [dreg:$0x0]  }
0x2: {  	s5 =	rddreg [dreg:$0x1]  }
0x3: {  	s1 =	rddreg [dreg:$0x2]  }
0x4: {  	s2 =	rddreg [dreg:$0x3]  }
0x5: {  	s4 =	rddreg [dreg:$0x4];
	s3 =	simm.s32 $0x0  }
0x6: {  	s0 =	simm.s32 $0x800;
	[smem:$0x7FF] =	sst s3  }
0x7: {  	s14 =	simm.s32 $0x8800;
	_ =	strace $0x80000047;
	[dreg:$0x6] =	wrdreg s0  }
0x8: {  	s15 =	simm.s32 $0xC00;
	[dreg:$0x7] =	wrdreg s14  }
0x9: {  	s16 =	simm.s32 $0x8C00;
	[dreg:$0x8] =	wrdreg s15  }
0xa: {  	s17 =	simm.s32 $0x1000;
	[dreg:$0x9] =	wrdreg s16  }
0xb: {  	s18 =	simm.s32 $0x9000;
	[dreg:$0xa] =	wrdreg s17  }
0xc: {  	s19 =	simm.s32 $0x1400;
	[dreg:$0xb] =	wrdreg s18  }
0xd: {  	s20 =	simm.s32 $0x9400;
	[dreg:$0xc] =	wrdreg s19  }
0xe: {  	s21 =	simm.s32 $0x1800;
	[dreg:$0xd] =	wrdreg s20  }
0xf: {  	s22 =	simm.s32 $0x9800;
	[dreg:$0xe] =	wrdreg s21  }
0x10: {  	s23 =	simm.s32 $0x1C00;
	[dreg:$0xf] =	wrdreg s22  }
0x11: {  	s24 =	simm.s32 $0x9C00;
	[dreg:$0x10] =	wrdreg s23  }
0x12: {  	s25 =	simm.s32 $0x2000;
	[dreg:$0x11] =	wrdreg s24  }
0x13: {  	s26 =	simm.s32 $0xA000;
	[dreg:$0x12] =	wrdreg s25  }
0x14: {  	s31 =	simm.s32 $0x2400;
	[dreg:$0x13] =	wrdreg s26  }
0x15: {  	s7 =	simm.s32 $0xA400;
	[dreg:$0x14] =	wrdreg s31  }
0x16: {  	s8 =	simm.s32 $0x2800;
	[dreg:$0x15] =	wrdreg s7  }
0x17: {  	s9 =	simm.s32 $0xA800;
	[dreg:$0x16] =	wrdreg s8  }
0x18: {  	s10 =	simm.s32 $0x2C00;
	[dreg:$0x17] =	wrdreg s9  }
0x19: {  	s11 =	simm.s32 $0xAC00;
	[dreg:$0x18] =	wrdreg s10  }
0x1a: {  	s12 =	simm.s32 $0x3000;
	[dreg:$0x19] =	wrdreg s11  }
0x1b: {  	s13 =	simm.s32 $0xB000;
	[dreg:$0x1a] =	wrdreg s12  }
0x1c: {  	[dreg:$0x1b] =	wrdreg s13;
	s7 =	simm.s32 $0x3400  }
0x1d: {  	s14 =	simm.s32 $0xB400;
	[dreg:$0x1c] =	wrdreg s7  }
0x1e: {  	s15 =	simm.s32 $0x3800;
	[dreg:$0x1d] =	wrdreg s14  }
0x1f: {  	s16 =	simm.s32 $0xB800;
	[dreg:$0x1e] =	wrdreg s15  }
0x20: {  	s17 =	simm.s32 $0x3C00;
	[dreg:$0x1f] =	wrdreg s16  }
0x21: {  	s18 =	simm.s32 $0xBC00;
	[smem:$0x7D6] =	sst s17  }
0x22: {  	s19 =	simm.s32 $0x4000;
	[smem:$0x7D7] =	sst s18  }
0x23: {  	s20 =	simm.s32 $0xC000;
	[smem:$0x7D8] =	sst s19  }
0x24: {  	s21 =	simm.s32 $0x4400;
	[smem:$0x7D9] =	sst s20  }
0x25: {  	s24 =	simm.s32 $0xC400;
	[smem:$0x7DA] =	sst s21  }
0x26: {  	s25 =	simm.s32 $0x4800;
	[smem:$0x7DB] =	sst s24  }
0x27: {  	s26 =	simm.s32 $0xC800;
	[smem:$0x7DC] =	sst s25  }
0x28: {  	s31 =	simm.s32 $0x4C00;
	[smem:$0x7DD] =	sst s26  }
0x29: {  	s12 =	simm.s32 $0xD000;
	[smem:$0x7DF] =	sst s31  }
0x2a: {  	[smem:$0x7E5] =	sst s12;
	s14 =	simm.s32 $0x5400  }
0x2b: {  	s16 =	simm.s32 $0xD400;
	[smem:$0x7E6] =	sst s14  }
0x2c: {  	s17 =	simm.s32 $0x5800;
	[smem:$0x7E7] =	sst s16  }
0x2d: {  	s28 =	simm.s32 $0x8400;
	s18 =	simm.s32 $0xD800;
	[smem:$0x7E8] =	sst s17  }
0x2e: {  	s29 =	simm.s32 $0x2;
	s20 =	simm.s32 $0x5C00;
	[smem:$0x7E9] =	sst s18  }
0x2f: {  	s30 =	simm.s32 $0x80;
	s24 =	simm.s32 $0x6000;
	[smem:$0x7EA] =	sst s20  }
0x30: {  	s0 =	sadd.s32 $0x1800, s4;
	s26 =	simm.s32 $0xE000;
	[smem:$0x7EC] =	sst s24  }
0x31: {  	s4 =	sadd.s32 $0x5800, s4;
	s31 =	simm.s32 $0x6400;
	[smem:$0x7ED] =	sst s26  }
0x32: {  	s8 =	srdreg.scid;
	s7 =	simm.s32 $0xE400;
	[smem:$0x7EE] =	sst s31  }
0x33: {  	s11 =	stileid.u32;
	[smem:$0x7EF] =	sst s7;
	s16 =	simm.s32 $0x6800  }
0x34: {  	s8 =	sand.u32 $0x1, s8;
	s17 =	simm.s32 $0xE800;
	[smem:$0x7F0] =	sst s16  }
0x35: {  	s22 =	sshll.u32 s11, $0xA;
	s18 =	simm.s32 $0x6C00;
	[smem:$0x7F1] =	sst s17  }
0x36: {  	s9 =	ssub.s32 $0x2, s8;
	s20 =	simm.s32 $0xEC00;
	[smem:$0x7F2] =	sst s18  }
0x37: {  	s8 =	sshll.u32 s8, $0x9;
	s24 =	simm.s32 $0xF000;
	[smem:$0x7F3] =	sst s20  }
0x38: {  	s26 =	simm.s32 $0x7400;
	s31 =	simm.s32 $0xF400;
	[smem:$0x7F5] =	sst s24  }
0x39: {  	s7 =	simm.s32 $0x7800;
	s10 =	sshrl.u32 s9, $0x1;
	[smem:$0x7F6] =	sst s26  }
0x3a: {  	s21 =	sor.u32 s8, s22;
	s22 =	simm.s32 $0xDC00;
	[smem:$0x7F7] =	sst s31  }
0x3b: {  	[smem:$0x7F8] =	sst s7;
	s24 =	simm.s32 $0x7C00;
	s26 =	simm.s32 $0x8000  }
0x3c: {  	s31 =	simm.s32 $0x10000;
	s23 =	ssub.s32 s9, s10;
	[smem:$0x7EB] =	sst s22  }
0x3d: {  	s8 =	sshrl.u32 s21, $0x3;
	s9 =	simm.s32 $0xCC00;
	[smem:$0x7FA] =	sst s24  }
0x3e: {  	s10 =	simm.s32 $0x5000;
	s11 =	sadd.s32 s0, s21;
	[smem:$0x7FC] =	sst s26  }
0x3f: {  	s13 =	sadd.s32 s4, s21;
	s15 =	sor.u32 $0x10, s21;
	[smem:$0x7FD] =	sst s31  }
0x40: {  	s19 =	sor.u32 $0x20, s21;
	s25 =	sor.u32 $0x30, s21;
	[smem:$0x7E1] =	sst s9  }
0x41: {  	s22 =	simm.s32 $0x7000;
	s26 =	simm.s32 $0x400;
	[smem:$0x7E2] =	sst s11  }
0x42: {  	s6 =	sadd.s32 s6, s8;
	s5 =	sadd.s32 s5, s8;
	[smem:$0x7E3] =	sst s10  }
0x43: {  	[smem:$0x7E4] =	sst s13;
	s9 =	sadd.s32 s0, s15;
	s10 =	sadd.s32 s4, s15  }
0x44: {  	s11 =	sadd.s32 s0, s19;
	s12 =	sadd.s32 s4, s19;
	s13 =	sadd.s32 s0, s25  }
0x45: {  	v0 =	vlaneseq.u32;
	s14 =	sadd.s32 s4, s25;
	s8 =	sor.u32 $0x40, s21;
	[smem:$0x7F4] =	sst s22  }
0x46: {  	v0 =	vmul.u32 $0x400, v0;
	s19 =	sor.u32 $0x50, s21;
	s25 =	sor.u32 $0x60, s21;
	[smem:$0x7DE] =	sst s6  }
0x47: {  	s22 =	simm.s32 $0xF800;
	s23 =	smax.u32 s23, $0x1;
	[smem:$0x7E0] =	sst s5  }
0x48: {  	v1 =	vor.u32 $0x80, v0;
	v2 =	vor.u32 $0x100, v0;
	v3 =	vor.u32 $0x180, v0;
	s15 =	sadd.s32 s0, s8;
	s16 =	sadd.s32 s4, s8;
	s17 =	sadd.s32 s0, s19  }
0x49: {  	v4 =	vor.u32 $0x200, v0;
	v5 =	vor.u32 $0x280, v0;
	v6 =	vor.u32 $0x300, v0;
	s18 =	sadd.s32 s4, s19;
	s19 =	sadd.s32 s0, s25;
	s20 =	sadd.s32 s4, s25  }
0x4a: {  	v7 =	vor.u32 $0x380, v0;
	v8 =	vor.u32 $0x4000, v0;
	v9 =	vor.u32 $0x4080, v0;
	s8 =	sor.u32 $0x70, s21;
	[smem:$0x7F9] =	sst s22;
	s25 =	simm.s32 $0xFC00  }
0x4b: {  	v10 =	vor.u32 $0x4100, v0;
	v11 =	vor.u32 $0x4180, v0;
	v12 =	vor.u32 $0x4200, v0;
	s21 =	sadd.s32 s0, s8;
	s22 =	sadd.s32 s4, s8;
	[smem:$0x7FB] =	sst s25  }
0x4c: {  	v13 =	vor.u32 $0x4280, v0;
	v14 =	vor.u32 $0x4300, v0;
	v15 =	vor.u32 $0x4380, v0;
	s25 =	simm.s32 $0x1;
	s0 =	simm.s32 $0x3;
	s4 =	simm.s32 $0x0  }
.LBB2_1:
0x4d: {  	s5 =	sld [smem:$0x7DE];
	_ =	sdelay $0x1  }
0x4e: {  	s24 =	sld [smem:$0x7E0]  }
0x4f: {  	[tilespmem:s3], [sflag:$0x1] =	stream.linear.gather [hbm4b:s5+s3], $0x200, $0x38;
	[tilespmem:$0x12400] =	vst v63  }
0x50: {  	s6 =	simm.s32 $0x200  }
0x51: {  	[tilespmem:s6], [sflag:$0x1] =	stream.linear.gather [hbm4b:s24+s3], $0x200, $0x38;
	[tilespmem:$0x12400] =	vst v63  }
0x52: {  	_ =	swait.ge [sflag:s25], $0x200  }
0x53: {  	[sflag:s25] =	ssyncset.done $0x0  }
0x54: {  	[sflag:s25] =	ssyncadd.s32 $0xFFFFFE00  }
0x55: {  	_ =	swait.ge [sflag:s25], $0x200  }
0x56: {  	[sflag:s25] =	ssyncset.done $0x0  }
0x57: {  	s24 =	simm.s32 $0x0;
	[sflag:s25] =	ssyncadd.s32 $0xFFFFFE00  }
0x58: {  	v17 =	vld [tilespmem:s24+$0x0];
	_ =	sdelay $0x1  }
0x59: {  	v16 =	vld [tilespmem:s24+$0x200];
	_ =	sdelay $0x2  }
0x5a: {  	v18 =	vand.u32 $0xFFFFFF80, v17  }
0x5b: {  	v18 =	vadd.s32 s1, v18  }
0x5c: {  	v19 =	vand.u32 $0xFFFFFF80, v16;
	(v2sf) =	vpush v18, $0x0  }
0x5d: {  	v19 =	vadd.s32 s2, v19  }
0x5e: {  	(v2sf) =	vpush v19, $0x0;
	_ =	sdelay $0x1  }
0x5f: {  	(v2sf) =	vpush v18, $0x1;
	_ =	sdelay $0x1  }
0x60: {  	(v2sf) =	vpush v19, $0x1;
	_ =	sdelay $0x1  }
0x61: {  	(v2sf) =	vpush v18, $0x2;
	_ =	sdelay $0x1  }
0x62: {  	(v2sf) =	vpush v19, $0x2;
	_ =	sdelay $0x1  }
0x63: {  	(v2sf) =	vpush v18, $0x3;
	_ =	sdelay $0x1  }
0x64: {  	(v2sf) =	vpush v19, $0x3  }
0x65: {  	s7 =	spop (v2sf)  }
0x66: {  	(v2sf) =	vpush v18, $0x4;
	[tilespmem:s26], [sflag:$0x2] =	stream.linear.gather [hbm4b:s7+s3], $0x400, $0x38;
	[tilespmem:$0x12400] =	vst v63  }
0x67: {  	s5 =	rddreg [dreg:$0x6];
	s8 =	spop (v2sf)  }
0x68: {  	(v2sf) =	vpush v19, $0x4;
	[tilespmem:s28], [sflag:$0x2] =	stream.linear.gather [hbm4b:s8+s3], $0x400, $0x38;
	[tilespmem:$0x12400] =	vst v63  }
0x69: {  	s7 =	rddreg [dreg:$0x7];
	s31 =	spop (v2sf)  }
0x6a: {  	(v2sf) =	vpush v18, $0x5;
	[tilespmem:s5], [sflag:$0x2] =	stream.linear.gather [hbm4b:s31+s3], $0x400, $0x38;
	[tilespmem:$0x12400] =	vst v63  }
0x6b: {  	s8 =	rddreg [dreg:$0x8];
	s31 =	spop (v2sf)  }
0x6c: {  	(v2sf) =	vpush v19, $0x5;
	[tilespmem:s7], [sflag:$0x2] =	stream.linear.gather [hbm4b:s31+s3], $0x400, $0x38;
	[tilespmem:$0x12400] =	vst v63  }
0x6d: {  	s7 =	rddreg [dreg:$0x9];
	s31 =	spop (v2sf)  }
0x6e: {  	(v2sf) =	vpush v18, $0x6;
	[tilespmem:s8], [sflag:$0x2] =	stream.linear.gather [hbm4b:s31+s3], $0x400, $0x38;
	[tilespmem:$0x12400] =	vst v63  }
0x6f: {  	s8 =	rddreg [dreg:$0xa];
	s31 =	spop (v2sf)  }
0x70: {  	(v2sf) =	vpush v19, $0x6;
	[tilespmem:s7], [sflag:$0x2] =	stream.linear.gather [hbm4b:s31+s3], $0x400, $0x38;
	[tilespmem:$0x12400] =	vst v63  }
0x71: {  	s7 =	rddreg [dreg:$0xb];
	s31 =	spop (v2sf)  }
0x72: {  	(v2sf) =	vpush v18, $0x7;
	[tilespmem:s8], [sflag:$0x2] =	stream.linear.gather [hbm4b:s31+s3], $0x400, $0x38;
	[tilespmem:$0x12400] =	vst v63  }
0x73: {  	s8 =	rddreg [dreg:$0xc];
	s31 =	spop (v2sf)  }
0x74: {  	(v2sf) =	vpush v19, $0x7;
	[tilespmem:s7], [sflag:$0x2] =	stream.linear.gather [hbm4b:s31+s3], $0x400, $0x38;
	[tilespmem:$0x12400] =	vst v63  }
0x75: {  	s7 =	rddreg [dreg:$0xd];
	s31 =	spop (v2sf)  }
0x76: {  	(v2sf) =	vpush v18, $0x8;
	[tilespmem:s8], [sflag:$0x2] =	stream.linear.gather [hbm4b:s31+s3], $0x400, $0x38;
	[tilespmem:$0x12400] =	vst v63  }
0x77: {  	s8 =	rddreg [dreg:$0xe];
	s31 =	spop (v2sf)  }
0x78: {  	(v2sf) =	vpush v19, $0x8;
	[tilespmem:s7], [sflag:$0x2] =	stream.linear.gather [hbm4b:s31+s3], $0x400, $0x38;
	[tilespmem:$0x12400] =	vst v63  }
0x79: {  	s7 =	rddreg [dreg:$0xf];
	s31 =	spop (v2sf)  }
0x7a: {  	(v2sf) =	vpush v18, $0x9;
	[tilespmem:s8], [sflag:$0x2] =	stream.linear.gather [hbm4b:s31+s3], $0x400, $0x38;
	[tilespmem:$0x12400] =	vst v63  }
0x7b: {  	s8 =	rddreg [dreg:$0x10];
	s31 =	spop (v2sf)  }
0x7c: {  	(v2sf) =	vpush v19, $0x9;
	[tilespmem:s7], [sflag:$0x2] =	stream.linear.gather [hbm4b:s31+s3], $0x400, $0x38;
	[tilespmem:$0x12400] =	vst v63  }
0x7d: {  	s7 =	rddreg [dreg:$0x11];
	s31 =	spop (v2sf)  }
0x7e: {  	(v2sf) =	vpush v18, $0xA;
	[tilespmem:s8], [sflag:$0x2] =	stream.linear.gather [hbm4b:s31+s3], $0x400, $0x38;
	[tilespmem:$0x12400] =	vst v63  }
0x7f: {  	s8 =	rddreg [dreg:$0x12];
	s31 =	spop (v2sf)  }
0x80: {  	(v2sf) =	vpush v19, $0xA;
	[tilespmem:s7], [sflag:$0x2] =	stream.linear.gather [hbm4b:s31+s3], $0x400, $0x38;
	[tilespmem:$0x12400] =	vst v63  }
0x81: {  	s7 =	rddreg [dreg:$0x13];
	s31 =	spop (v2sf)  }
0x82: {  	(v2sf) =	vpush v18, $0xB;
	[tilespmem:s8], [sflag:$0x2] =	stream.linear.gather [hbm4b:s31+s3], $0x400, $0x38;
	[tilespmem:$0x12400] =	vst v63  }
0x83: {  	s8 =	rddreg [dreg:$0x14];
	s31 =	spop (v2sf)  }
0x84: {  	(v2sf) =	vpush v19, $0xB;
	[tilespmem:s7], [sflag:$0x2] =	stream.linear.gather [hbm4b:s31+s3], $0x400, $0x38;
	[tilespmem:$0x12400] =	vst v63  }
0x85: {  	s7 =	rddreg [dreg:$0x15];
	s31 =	spop (v2sf)  }
0x86: {  	(v2sf) =	vpush v18, $0xC;
	[tilespmem:s8], [sflag:$0x2] =	stream.linear.gather [hbm4b:s31+s3], $0x400, $0x38;
	[tilespmem:$0x12400] =	vst v63  }
0x87: {  	s8 =	rddreg [dreg:$0x16];
	s31 =	spop (v2sf)  }
0x88: {  	(v2sf) =	vpush v19, $0xC;
	[tilespmem:s7], [sflag:$0x2] =	stream.linear.gather [hbm4b:s31+s3], $0x400, $0x38;
	[tilespmem:$0x12400] =	vst v63  }
0x89: {  	s7 =	rddreg [dreg:$0x17];
	s31 =	spop (v2sf)  }
0x8a: {  	(v2sf) =	vpush v18, $0xD;
	[tilespmem:s8], [sflag:$0x2] =	stream.linear.gather [hbm4b:s31+s3], $0x400, $0x38;
	[tilespmem:$0x12400] =	vst v63  }
0x8b: {  	s8 =	rddreg [dreg:$0x18];
	s31 =	spop (v2sf)  }
0x8c: {  	(v2sf) =	vpush v19, $0xD;
	[tilespmem:s7], [sflag:$0x2] =	stream.linear.gather [hbm4b:s31+s3], $0x400, $0x38;
	[tilespmem:$0x12400] =	vst v63  }
0x8d: {  	s7 =	rddreg [dreg:$0x19];
	s31 =	spop (v2sf)  }
0x8e: {  	(v2sf) =	vpush v18, $0xE;
	[tilespmem:s8], [sflag:$0x2] =	stream.linear.gather [hbm4b:s31+s3], $0x400, $0x38;
	[tilespmem:$0x12400] =	vst v63  }
0x8f: {  	s8 =	rddreg [dreg:$0x1a];
	s31 =	spop (v2sf)  }
0x90: {  	(v2sf) =	vpush v19, $0xE;
	[tilespmem:s7], [sflag:$0x2] =	stream.linear.gather [hbm4b:s31+s3], $0x400, $0x38;
	[tilespmem:$0x12400] =	vst v63  }
0x91: {  	s7 =	rddreg [dreg:$0x1b];
	s31 =	spop (v2sf)  }
0x92: {  	(v2sf) =	vpush v18, $0xF;
	[tilespmem:s8], [sflag:$0x2] =	stream.linear.gather [hbm4b:s31+s3], $0x400, $0x38;
	[tilespmem:$0x12400] =	vst v63  }
0x93: {  	s8 =	rddreg [dreg:$0x1c];
	s31 =	spop (v2sf)  }
0x94: {  	(v2sf) =	vpush v19, $0xF;
	[tilespmem:s7], [sflag:$0x2] =	stream.linear.gather [hbm4b:s31+s3], $0x400, $0x38;
	[tilespmem:$0x12400] =	vst v63  }
0x95: {  	s7 =	rddreg [dreg:$0x1d];
	s31 =	spop (v2sf)  }
0x96: {  	[tilespmem:s8], [sflag:$0x2] =	stream.linear.gather [hbm4b:s31+s3], $0x400, $0x38;
	[tilespmem:$0x12400] =	vst v63  }
0x97: {  	s8 =	rddreg [dreg:$0x1e];
	s31 =	spop (v2sf)  }
0x98: {  	[tilespmem:s7], [sflag:$0x2] =	stream.linear.gather [hbm4b:s31+s3], $0x400, $0x38;
	[tilespmem:$0x12400] =	vst v63  }
0x99: {  	s7 =	rddreg [dreg:$0x1f];
	s31 =	spop (v2sf)  }
0x9a: {  	[tilespmem:s8], [sflag:$0x2] =	stream.linear.gather [hbm4b:s31+s3], $0x400, $0x38;
	[tilespmem:$0x12400] =	vst v63  }
0x9b: {  	s8 =	sld [smem:$0x7D6];
	s31 =	spop (v2sf)  }
0x9c: {  	[tilespmem:s7], [sflag:$0x2] =	stream.linear.gather [hbm4b:s31+s3], $0x400, $0x38;
	[tilespmem:$0x12400] =	vst v63  }
0x9d: {  	s7 =	sld [smem:$0x7D7];
	s31 =	spop (v2sf)  }
0x9e: {  	[tilespmem:s8], [sflag:$0x2] =	stream.linear.gather [hbm4b:s31+s3], $0x400, $0x38;
	[tilespmem:$0x12400] =	vst v63  }
0x9f: {  	s8 =	sld [smem:$0x7D8];
	s31 =	spop (v2sf)  }
0xa0: {  	[tilespmem:s7], [sflag:$0x2] =	stream.linear.gather [hbm4b:s31+s3], $0x400, $0x38;
	[tilespmem:$0x12400] =	vst v63  }
0xa1: {  	s7 =	sld [smem:$0x7D9];
	s31 =	spop (v2sf)  }
0xa2: {  	[tilespmem:s8], [sflag:$0x2] =	stream.linear.gather [hbm4b:s31+s3], $0x400, $0x38;
	[tilespmem:$0x12400] =	vst v63  }
0xa3: {  	s8 =	spop (v2sf)  }
0xa4: {  	[tilespmem:s7], [sflag:$0x2] =	stream.linear.gather [hbm4b:s8+s3], $0x400, $0x38;
	[tilespmem:$0x12400] =	vst v63  }
0xa5: {  	v18 =	vld [tilespmem:s24+$0x10];
	_ =	sdelay $0x1  }
0xa6: {  	v19 =	vld [tilespmem:s24+$0x210];
	_ =	sdelay $0x2  }
0xa7: {  	v20 =	vand.u32 $0xFFFFFF80, v18  }
0xa8: {  	v20 =	vadd.s32 s1, v20  }
0xa9: {  	v21 =	vand.u32 $0xFFFFFF80, v19;
	(v2sf) =	vpush v20, $0x0  }
0xaa: {  	v21 =	vadd.s32 s2, v21  }
0xab: {  	(v2sf) =	vpush v21, $0x0;
	_ =	sdelay $0x1  }
0xac: {  	(v2sf) =	vpush v20, $0x1;
	_ =	sdelay $0x1  }
0xad: {  	(v2sf) =	vpush v21, $0x1;
	_ =	sdelay $0x1  }
0xae: {  	(v2sf) =	vpush v20, $0x2;
	_ =	sdelay $0x1  }
0xaf: {  	(v2sf) =	vpush v21, $0x2;
	_ =	sdelay $0x1  }
0xb0: {  	(v2sf) =	vpush v20, $0x3  }
0xb1: {  	s6 =	sld [smem:$0x7DA]  }
0xb2: {  	(v2sf) =	vpush v21, $0x3  }
0xb3: {  	s7 =	sld [smem:$0x7DB];
	s31 =	spop (v2sf)  }
0xb4: {  	(v2sf) =	vpush v20, $0x4;
	[tilespmem:s6], [sflag:$0x2] =	stream.linear.gather [hbm4b:s31+s3], $0x400, $0x38;
	[tilespmem:$0x12400] =	vst v63  }
0xb5: {  	s8 =	sld [smem:$0x7DC];
	s31 =	spop (v2sf)  }
0xb6: {  	(v2sf) =	vpush v21, $0x4;
	[tilespmem:s7], [sflag:$0x2] =	stream.linear.gather [hbm4b:s31+s3], $0x400, $0x38;
	[tilespmem:$0x12400] =	vst v63  }
0xb7: {  	s7 =	sld [smem:$0x7DD];
	s31 =	spop (v2sf)  }
0xb8: {  	(v2sf) =	vpush v20, $0x5;
	[tilespmem:s8], [sflag:$0x2] =	stream.linear.gather [hbm4b:s31+s3], $0x400, $0x38;
	[tilespmem:$0x12400] =	vst v63  }
0xb9: {  	s8 =	sld [smem:$0x7DF];
	s31 =	spop (v2sf)  }
0xba: {  	(v2sf) =	vpush v21, $0x5;
	[tilespmem:s7], [sflag:$0x2] =	stream.linear.gather [hbm4b:s31+s3], $0x400, $0x38;
	[tilespmem:$0x12400] =	vst v63  }
0xbb: {  	s7 =	sld [smem:$0x7E1];
	s31 =	spop (v2sf)  }
0xbc: {  	(v2sf) =	vpush v20, $0x6;
	[tilespmem:s8], [sflag:$0x2] =	stream.linear.gather [hbm4b:s31+s3], $0x400, $0x38;
	[tilespmem:$0x12400] =	vst v63  }
0xbd: {  	s8 =	sld [smem:$0x7E3];
	s31 =	spop (v2sf)  }
0xbe: {  	(v2sf) =	vpush v21, $0x6;
	[tilespmem:s7], [sflag:$0x2] =	stream.linear.gather [hbm4b:s31+s3], $0x400, $0x38;
	[tilespmem:$0x12400] =	vst v63  }
0xbf: {  	s7 =	sld [smem:$0x7E5];
	s31 =	spop (v2sf)  }
0xc0: {  	(v2sf) =	vpush v20, $0x7;
	[tilespmem:s8], [sflag:$0x2] =	stream.linear.gather [hbm4b:s31+s3], $0x400, $0x38;
	[tilespmem:$0x12400] =	vst v63  }
0xc1: {  	s8 =	sld [smem:$0x7E6];
	s31 =	spop (v2sf)  }
0xc2: {  	(v2sf) =	vpush v21, $0x7;
	[tilespmem:s7], [sflag:$0x2] =	stream.linear.gather [hbm4b:s31+s3], $0x400, $0x38;
	[tilespmem:$0x12400] =	vst v63  }
0xc3: {  	s7 =	sld [smem:$0x7E7];
	s31 =	spop (v2sf)  }
0xc4: {  	(v2sf) =	vpush v20, $0x8;
	[tilespmem:s8], [sflag:$0x2] =	stream.linear.gather [hbm4b:s31+s3], $0x400, $0x38;
	[tilespmem:$0x12400] =	vst v63  }
0xc5: {  	s8 =	sld [smem:$0x7E8];
	s31 =	spop (v2sf)  }
0xc6: {  	(v2sf) =	vpush v21, $0x8;
	[tilespmem:s7], [sflag:$0x2] =	stream.linear.gather [hbm4b:s31+s3], $0x400, $0x38;
	[tilespmem:$0x12400] =	vst v63  }
0xc7: {  	s7 =	sld [smem:$0x7E9];
	s31 =	spop (v2sf)  }
0xc8: {  	(v2sf) =	vpush v20, $0x9;
	[tilespmem:s8], [sflag:$0x2] =	stream.linear.gather [hbm4b:s31+s3], $0x400, $0x38;
	[tilespmem:$0x12400] =	vst v63  }
0xc9: {  	s8 =	sld [smem:$0x7EA];
	s31 =	spop (v2sf)  }
0xca: {  	(v2sf) =	vpush v21, $0x9;
	[tilespmem:s7], [sflag:$0x2] =	stream.linear.gather [hbm4b:s31+s3], $0x400, $0x38;
	[tilespmem:$0x12400] =	vst v63  }
0xcb: {  	s7 =	sld [smem:$0x7EB];
	s31 =	spop (v2sf)  }
0xcc: {  	(v2sf) =	vpush v20, $0xA;
	[tilespmem:s8], [sflag:$0x2] =	stream.linear.gather [hbm4b:s31+s3], $0x400, $0x38;
	[tilespmem:$0x12400] =	vst v63  }
0xcd: {  	s8 =	sld [smem:$0x7EC];
	s31 =	spop (v2sf)  }
0xce: {  	(v2sf) =	vpush v21, $0xA;
	[tilespmem:s7], [sflag:$0x2] =	stream.linear.gather [hbm4b:s31+s3], $0x400, $0x38;
	[tilespmem:$0x12400] =	vst v63  }
0xcf: {  	s7 =	sld [smem:$0x7ED];
	s31 =	spop (v2sf)  }
0xd0: {  	(v2sf) =	vpush v20, $0xB;
	[tilespmem:s8], [sflag:$0x2] =	stream.linear.gather [hbm4b:s31+s3], $0x400, $0x38;
	[tilespmem:$0x12400] =	vst v63  }
0xd1: {  	s8 =	sld [smem:$0x7EE];
	s31 =	spop (v2sf)  }
0xd2: {  	(v2sf) =	vpush v21, $0xB;
	[tilespmem:s7], [sflag:$0x2] =	stream.linear.gather [hbm4b:s31+s3], $0x400, $0x38;
	[tilespmem:$0x12400] =	vst v63  }
0xd3: {  	s7 =	sld [smem:$0x7EF];
	s31 =	spop (v2sf)  }
0xd4: {  	(v2sf) =	vpush v20, $0xC;
	[tilespmem:s8], [sflag:$0x2] =	stream.linear.gather [hbm4b:s31+s3], $0x400, $0x38;
	[tilespmem:$0x12400] =	vst v63  }
0xd5: {  	s8 =	sld [smem:$0x7F0];
	s31 =	spop (v2sf)  }
0xd6: {  	(v2sf) =	vpush v21, $0xC;
	[tilespmem:s7], [sflag:$0x2] =	stream.linear.gather [hbm4b:s31+s3], $0x400, $0x38;
	[tilespmem:$0x12400] =	vst v63  }
0xd7: {  	s7 =	sld [smem:$0x7F1];
	s31 =	spop (v2sf)  }
0xd8: {  	(v2sf) =	vpush v20, $0xD;
	[tilespmem:s8], [sflag:$0x2] =	stream.linear.gather [hbm4b:s31+s3], $0x400, $0x38;
	[tilespmem:$0x12400] =	vst v63  }
0xd9: {  	s8 =	sld [smem:$0x7F2];
	s31 =	spop (v2sf)  }
0xda: {  	(v2sf) =	vpush v21, $0xD;
	[tilespmem:s7], [sflag:$0x2] =	stream.linear.gather [hbm4b:s31+s3], $0x400, $0x38;
	[tilespmem:$0x12400] =	vst v63  }
0xdb: {  	s7 =	sld [smem:$0x7F3];
	s31 =	spop (v2sf)  }
0xdc: {  	(v2sf) =	vpush v20, $0xE;
	[tilespmem:s8], [sflag:$0x2] =	stream.linear.gather [hbm4b:s31+s3], $0x400, $0x38;
	[tilespmem:$0x12400] =	vst v63  }
0xdd: {  	s8 =	sld [smem:$0x7F4];
	s31 =	spop (v2sf)  }
0xde: {  	(v2sf) =	vpush v21, $0xE;
	[tilespmem:s7], [sflag:$0x2] =	stream.linear.gather [hbm4b:s31+s3], $0x400, $0x38;
	[tilespmem:$0x12400] =	vst v63  }
0xdf: {  	s7 =	sld [smem:$0x7F5];
	s31 =	spop (v2sf)  }
0xe0: {  	(v2sf) =	vpush v20, $0xF;
	[tilespmem:s8], [sflag:$0x2] =	stream.linear.gather [hbm4b:s31+s3], $0x400, $0x38;
	[tilespmem:$0x12400] =	vst v63  }
0xe1: {  	s8 =	sld [smem:$0x7F6];
	s31 =	spop (v2sf)  }
0xe2: {  	(v2sf) =	vpush v21, $0xF;
	[tilespmem:s7], [sflag:$0x2] =	stream.linear.gather [hbm4b:s31+s3], $0x400, $0x38;
	[tilespmem:$0x12400] =	vst v63  }
0xe3: {  	s7 =	sld [smem:$0x7F7];
	s31 =	spop (v2sf)  }
0xe4: {  	[tilespmem:s8], [sflag:$0x2] =	stream.linear.gather [hbm4b:s31+s3], $0x400, $0x38;
	[tilespmem:$0x12400] =	vst v63  }
0xe5: {  	s8 =	sld [smem:$0x7F8];
	s31 =	spop (v2sf)  }
0xe6: {  	[tilespmem:s7], [sflag:$0x2] =	stream.linear.gather [hbm4b:s31+s3], $0x400, $0x38;
	[tilespmem:$0x12400] =	vst v63  }
0xe7: {  	s7 =	sld [smem:$0x7F9];
	s31 =	spop (v2sf)  }
0xe8: {  	[tilespmem:s8], [sflag:$0x2] =	stream.linear.gather [hbm4b:s31+s3], $0x400, $0x38;
	[tilespmem:$0x12400] =	vst v63  }
0xe9: {  	s8 =	sld [smem:$0x7FA];
	s31 =	spop (v2sf)  }
0xea: {  	[tilespmem:s7], [sflag:$0x2] =	stream.linear.gather [hbm4b:s31+s3], $0x400, $0x38;
	[tilespmem:$0x12400] =	vst v63  }
0xeb: {  	s7 =	sld [smem:$0x7FB];
	s31 =	spop (v2sf)  }
0xec: {  	[tilespmem:s8], [sflag:$0x2] =	stream.linear.gather [hbm4b:s31+s3], $0x400, $0x38;
	[tilespmem:$0x12400] =	vst v63  }
0xed: {  	s8 =	sld [smem:$0x7FC];
	s31 =	spop (v2sf)  }
0xee: {  	[tilespmem:s7], [sflag:$0x2] =	stream.linear.gather [hbm4b:s31+s3], $0x400, $0x38;
	[tilespmem:$0x12400] =	vst v63  }
0xef: {  	s7 =	sld [smem:$0x7FD];
	s31 =	spop (v2sf)  }
0xf0: {  	[tilespmem:s8], [sflag:$0x2] =	stream.linear.gather [hbm4b:s31+s3], $0x400, $0x38;
	[tilespmem:$0x12400] =	vst v63  }
0xf1: {  	s8 =	spop (v2sf)  }
0xf2: {  	[tilespmem:s7], [sflag:$0x2] =	stream.linear.gather [hbm4b:s8+s3], $0x400, $0x38;
	[tilespmem:$0x12400] =	vst v63  }
0xf3: {  	v17 =	vand.u32 $0x7F, v17;
	_ =	swait.ge [sflag:s29], $0x8000  }
0xf4: {  	v16 =	vand.u32 $0x7F, v16;
	v20 =	vor.u32 v0, v17;
	[sflag:s29] =	ssyncset.done $0x0  }
0xf5: {  	v21 =	vor.u32 v0, v16;
	[sflag:s29] =	ssyncadd.s32 $0xFFFF8000  }
0xf6: {  	_ =	swait.ge [sflag:s29], $0x8000  }
0xf7: {  	[sflag:s29] =	ssyncset.done $0x0  }
0xf8: {  	[sflag:s29] =	ssyncadd.s32 $0xFFFF8000  }
0xf9: {  	v20 =	vld.idx.msk [tilespmem:v20+s26+$0x0], $0xffff  }
0xfa: {  	v21 =	vld.idx.msk [tilespmem:v21+s28+$0x0], $0xffff  }
0xfb: {  	v22 =	vor.u32 v1, v17  }
0xfc: {  	v23 =	vor.u32 v1, v16;
	_ =	sdelay $0x1  }
0xfd: {  	[tilespmem:s24+$0x10400] =	vst v20  }
0xfe: {  	[tilespmem:s24+$0x11400] =	vst v21  }
0xff: {  	v20 =	vld.idx.msk [tilespmem:v22+s26+$0x0], $0xffff  }
0x100: {  	v21 =	vld.idx.msk [tilespmem:v23+s28+$0x0], $0xffff  }
0x101: {  	v22 =	vor.u32 v2, v17  }
0x102: {  	v23 =	vor.u32 v2, v16;
	_ =	sdelay $0x1  }
0x103: {  	[tilespmem:s24+$0x10600] =	vst v20  }
0x104: {  	[tilespmem:s24+$0x11600] =	vst v21  }
0x105: {  	v20 =	vld.idx.msk [tilespmem:v22+s26+$0x0], $0xffff  }
0x106: {  	v21 =	vld.idx.msk [tilespmem:v23+s28+$0x0], $0xffff  }
0x107: {  	v22 =	vor.u32 v3, v16  }
0x108: {  	v23 =	vor.u32 v3, v17;
	_ =	sdelay $0x1  }
0x109: {  	[tilespmem:s24+$0x10800] =	vst v20  }
0x10a: {  	[tilespmem:s24+$0x11800] =	vst v21  }
0x10b: {  	v20 =	vld.idx.msk [tilespmem:v22+s28+$0x0], $0xffff  }
0x10c: {  	v21 =	vld.idx.msk [tilespmem:v23+s26+$0x0], $0xffff  }
0x10d: {  	v22 =	vor.u32 v4, v17  }
0x10e: {  	v23 =	vor.u32 v4, v16;
	_ =	sdelay $0x1  }
0x10f: {  	[tilespmem:s24+$0x11A00] =	vst v20  }
0x110: {  	[tilespmem:s24+$0x10A00] =	vst v21  }
0x111: {  	v20 =	vld.idx.msk [tilespmem:v22+s26+$0x0], $0xffff  }
0x112: {  	v21 =	vld.idx.msk [tilespmem:v23+s28+$0x0], $0xffff  }
0x113: {  	v22 =	vor.u32 v5, v17  }
0x114: {  	v23 =	vor.u32 v5, v16;
	_ =	sdelay $0x1  }
0x115: {  	[tilespmem:s24+$0x10C00] =	vst v20  }
0x116: {  	[tilespmem:s24+$0x11C00] =	vst v21  }
0x117: {  	v20 =	vld.idx.msk [tilespmem:v22+s26+$0x0], $0xffff  }
0x118: {  	v21 =	vld.idx.msk [tilespmem:v23+s28+$0x0], $0xffff  }
0x119: {  	v22 =	vor.u32 v6, v17  }
0x11a: {  	v23 =	vor.u32 v6, v16;
	_ =	sdelay $0x1  }
0x11b: {  	[tilespmem:s24+$0x10E00] =	vst v20  }
0x11c: {  	[tilespmem:s24+$0x11E00] =	vst v21  }
0x11d: {  	v20 =	vld.idx.msk [tilespmem:v22+s26+$0x0], $0xffff  }
0x11e: {  	v21 =	vld.idx.msk [tilespmem:v23+s28+$0x0], $0xffff  }
0x11f: {  	v17 =	vor.u32 v7, v17  }
0x120: {  	v16 =	vor.u32 v7, v16;
	_ =	sdelay $0x1  }
0x121: {  	[tilespmem:s24+$0x11000] =	vst v20  }
0x122: {  	[tilespmem:s24+$0x12000] =	vst v21  }
0x123: {  	v17 =	vld.idx.msk [tilespmem:v17+s26+$0x0], $0xffff  }
0x124: {  	v21 =	vand.u32 $0x7F, v18;
	v16 =	vld.idx.msk [tilespmem:v16+s28+$0x0], $0xffff  }
0x125: {  	v18 =	vand.u32 $0x7F, v19;
	v19 =	vor.u32 v8, v21  }
0x126: {  	v20 =	vor.u32 v8, v18;
	_ =	sdelay $0x1  }
0x127: {  	[tilespmem:s24+$0x11200] =	vst v17  }
0x128: {  	[tilespmem:s24+$0x12200] =	vst v16  }
0x129: {  	v16 =	vld.idx.msk [tilespmem:v19+s26+$0x0], $0xffff  }
0x12a: {  	v17 =	vld.idx.msk [tilespmem:v20+s28+$0x0], $0xffff  }
0x12b: {  	v19 =	vor.u32 v9, v21  }
0x12c: {  	v20 =	vor.u32 v9, v18;
	_ =	sdelay $0x1  }
0x12d: {  	[tilespmem:s24+$0x10410] =	vst v16  }
0x12e: {  	[tilespmem:s24+$0x11410] =	vst v17  }
0x12f: {  	v16 =	vld.idx.msk [tilespmem:v19+s26+$0x0], $0xffff  }
0x130: {  	v17 =	vld.idx.msk [tilespmem:v20+s28+$0x0], $0xffff  }
0x131: {  	v19 =	vor.u32 v10, v21  }
0x132: {  	v20 =	vor.u32 v10, v18;
	_ =	sdelay $0x1  }
0x133: {  	[tilespmem:s24+$0x10610] =	vst v16  }
0x134: {  	[tilespmem:s24+$0x11610] =	vst v17  }
0x135: {  	v16 =	vld.idx.msk [tilespmem:v19+s26+$0x0], $0xffff  }
0x136: {  	v17 =	vld.idx.msk [tilespmem:v20+s28+$0x0], $0xffff  }
0x137: {  	v19 =	vor.u32 v11, v21  }
0x138: {  	v20 =	vor.u32 v11, v18;
	_ =	sdelay $0x1  }
0x139: {  	[tilespmem:s24+$0x10810] =	vst v16  }
0x13a: {  	[tilespmem:s24+$0x11810] =	vst v17  }
0x13b: {  	v16 =	vld.idx.msk [tilespmem:v19+s26+$0x0], $0xffff  }
0x13c: {  	v17 =	vld.idx.msk [tilespmem:v20+s28+$0x0], $0xffff  }
0x13d: {  	v19 =	vor.u32 v12, v21;
	_ =	sdelay $0x2  }
0x13e: {  	v20 =	vor.u32 v12, v18;
	[tilespmem:s24+$0x10A10] =	vst v16  }
0x13f: {  	[tilespmem:s24+$0x11A10] =	vst v17  }
0x140: {  	v16 =	vld.idx.msk [tilespmem:v19+s26+$0x0], $0xffff;
	_ =	sdelay $0x2  }
0x141: {  	v17 =	vld.idx.msk [tilespmem:v20+s28+$0x0], $0xffff  }
0x142: {  	v19 =	vor.u32 v13, v21  }
0x143: {  	s6 =	simm.s32 $0x20;
	v20 =	vor.u32 v13, v18;
	[tilespmem:s24+$0x10C10] =	vst v16  }
0x144: {  	v16 =	vld [tilespmem:s6+$0x0];
	_ =	sdelay $0x1  }
0x145: {  	[tilespmem:s24+$0x11C10] =	vst v17  }
0x146: {  	v23 =	vld.idx.msk [tilespmem:v19+s26+$0x0], $0xffff  }
0x147: {  	v22 =	vor.u32 v14, v21;
	v20 =	vld.idx.msk [tilespmem:v20+s28+$0x0], $0xffff  }
0x148: {  	s31 =	simm.s32 $0x100;
	v24 =	vor.u32 v14, v18;
	v17 =	vld [tilespmem:s6+$0x200];
	v19 =	vand.u32 $0xFFFFFF80, v16;
	v16 =	vand.u32 $0x7F, v16  }
.LBB2_2:
0x149: {  	_ =	sdelay $0x1  }
0x14a: {  	v19 =	vadd.s32 s1, v19  }
0x14b: {  	(v2sf) =	vpush v19, $0x0  }
0x14c: {  	[tilespmem:s24+$0x10E10] =	vst v23;
	v23 =	vand.u32 $0xFFFFFF80, v17  }
0x14d: {  	[tilespmem:s24+$0x11E10] =	vst v20;
	v20 =	vadd.s32 s2, v23  }
0x14e: {  	v22 =	vld.idx.msk [tilespmem:v22+s26+$0x0], $0xffff;
	(v2sf) =	vpush v20, $0x0  }
0x14f: {  	v23 =	vld.idx.msk [tilespmem:v24+s28+$0x0], $0xffff  }
0x150: {  	v21 =	vor.u32 v15, v21;
	(v2sf) =	vpush v19, $0x1  }
0x151: {  	v18 =	vor.u32 v15, v18  }
0x152: {  	(v2sf) =	vpush v20, $0x1  }
0x153: {  	[tilespmem:s24+$0x11010] =	vst v22  }
0x154: {  	(v2sf) =	vpush v19, $0x2;
	[tilespmem:s24+$0x12010] =	vst v23  }
0x155: {  	v21 =	vld.idx.msk [tilespmem:v21+s26+$0x0], $0xffff  }
0x156: {  	(v2sf) =	vpush v20, $0x2;
	v18 =	vld.idx.msk [tilespmem:v18+s28+$0x0], $0xffff;
	_ =	sdelay $0x1  }
0x157: {  	(v2sf) =	vpush v19, $0x3;
	_ =	sdelay $0x1  }
0x158: {  	s7 =	spop (v2sf);
	(v2sf) =	vpush v20, $0x3;
	[tilespmem:s24+$0x11210] =	vst v21  }
0x159: {  	[tilespmem:s24+$0x12210] =	vst v18  }
0x15a: {  	[tilespmem:s26], [sflag:$0x2] =	stream.linear.gather [hbm4b:s7+s3], $0x400, $0x38;
	(v2sf) =	vpush v19, $0x4;
	[tilespmem:$0x12400] =	vst v63  }
0x15b: {  	s24 =	smov.u32 s6;
	s6 =	rddreg [dreg:$0x6];
	s8 =	spop (v2sf)  }
0x15c: {  	(v2sf) =	vpush v20, $0x4;
	[tilespmem:s28], [sflag:$0x2] =	stream.linear.gather [hbm4b:s8+s3], $0x400, $0x38;
	[tilespmem:$0x12400] =	vst v63  }
0x15d: {  	s7 =	rddreg [dreg:$0x7];
	s8 =	spop (v2sf)  }
0x15e: {  	(v2sf) =	vpush v19, $0x5;
	[tilespmem:s6], [sflag:$0x2] =	stream.linear.gather [hbm4b:s8+s3], $0x400, $0x38;
	[tilespmem:$0x12400] =	vst v63  }
0x15f: {  	s6 =	rddreg [dreg:$0x8];
	s8 =	spop (v2sf)  }
0x160: {  	(v2sf) =	vpush v20, $0x5;
	[tilespmem:s7], [sflag:$0x2] =	stream.linear.gather [hbm4b:s8+s3], $0x400, $0x38;
	[tilespmem:$0x12400] =	vst v63  }
0x161: {  	s7 =	rddreg [dreg:$0x9];
	s8 =	spop (v2sf)  }
0x162: {  	(v2sf) =	vpush v19, $0x6;
	[tilespmem:s6], [sflag:$0x2] =	stream.linear.gather [hbm4b:s8+s3], $0x400, $0x38;
	[tilespmem:$0x12400] =	vst v63  }
0x163: {  	s6 =	rddreg [dreg:$0xa];
	s8 =	spop (v2sf)  }
0x164: {  	(v2sf) =	vpush v20, $0x6;
	[tilespmem:s7], [sflag:$0x2] =	stream.linear.gather [hbm4b:s8+s3], $0x400, $0x38;
	[tilespmem:$0x12400] =	vst v63  }
0x165: {  	s7 =	rddreg [dreg:$0xb];
	s8 =	spop (v2sf)  }
0x166: {  	(v2sf) =	vpush v19, $0x7;
	[tilespmem:s6], [sflag:$0x2] =	stream.linear.gather [hbm4b:s8+s3], $0x400, $0x38;
	[tilespmem:$0x12400] =	vst v63  }
0x167: {  	s6 =	rddreg [dreg:$0xc];
	s8 =	spop (v2sf)  }
0x168: {  	(v2sf) =	vpush v20, $0x7;
	[tilespmem:s7], [sflag:$0x2] =	stream.linear.gather [hbm4b:s8+s3], $0x400, $0x38;
	[tilespmem:$0x12400] =	vst v63  }
0x169: {  	s7 =	rddreg [dreg:$0xd];
	s8 =	spop (v2sf)  }
0x16a: {  	(v2sf) =	vpush v19, $0x8;
	[tilespmem:s6], [sflag:$0x2] =	stream.linear.gather [hbm4b:s8+s3], $0x400, $0x38;
	[tilespmem:$0x12400] =	vst v63  }
0x16b: {  	s6 =	rddreg [dreg:$0xe];
	s8 =	spop (v2sf)  }
0x16c: {  	(v2sf) =	vpush v20, $0x8;
	[tilespmem:s7], [sflag:$0x2] =	stream.linear.gather [hbm4b:s8+s3], $0x400, $0x38;
	[tilespmem:$0x12400] =	vst v63  }
0x16d: {  	s7 =	rddreg [dreg:$0xf];
	s8 =	spop (v2sf)  }
0x16e: {  	(v2sf) =	vpush v19, $0x9;
	[tilespmem:s6], [sflag:$0x2] =	stream.linear.gather [hbm4b:s8+s3], $0x400, $0x38;
	[tilespmem:$0x12400] =	vst v63  }
0x16f: {  	s6 =	rddreg [dreg:$0x10];
	s8 =	spop (v2sf)  }
0x170: {  	(v2sf) =	vpush v20, $0x9;
	[tilespmem:s7], [sflag:$0x2] =	stream.linear.gather [hbm4b:s8+s3], $0x400, $0x38;
	[tilespmem:$0x12400] =	vst v63  }
0x171: {  	s7 =	rddreg [dreg:$0x11];
	s8 =	spop (v2sf)  }
0x172: {  	(v2sf) =	vpush v19, $0xA;
	[tilespmem:s6], [sflag:$0x2] =	stream.linear.gather [hbm4b:s8+s3], $0x400, $0x38;
	[tilespmem:$0x12400] =	vst v63  }
0x173: {  	s6 =	rddreg [dreg:$0x12];
	s8 =	spop (v2sf)  }
0x174: {  	(v2sf) =	vpush v20, $0xA;
	[tilespmem:s7], [sflag:$0x2] =	stream.linear.gather [hbm4b:s8+s3], $0x400, $0x38;
	[tilespmem:$0x12400] =	vst v63  }
0x175: {  	s7 =	rddreg [dreg:$0x13];
	s8 =	spop (v2sf)  }
0x176: {  	(v2sf) =	vpush v19, $0xB;
	[tilespmem:s6], [sflag:$0x2] =	stream.linear.gather [hbm4b:s8+s3], $0x400, $0x38;
	[tilespmem:$0x12400] =	vst v63  }
0x177: {  	s6 =	rddreg [dreg:$0x14];
	s8 =	spop (v2sf)  }
0x178: {  	(v2sf) =	vpush v20, $0xB;
	[tilespmem:s7], [sflag:$0x2] =	stream.linear.gather [hbm4b:s8+s3], $0x400, $0x38;
	[tilespmem:$0x12400] =	vst v63  }
0x179: {  	s7 =	rddreg [dreg:$0x15];
	s8 =	spop (v2sf)  }
0x17a: {  	(v2sf) =	vpush v19, $0xC;
	[tilespmem:s6], [sflag:$0x2] =	stream.linear.gather [hbm4b:s8+s3], $0x400, $0x38;
	[tilespmem:$0x12400] =	vst v63  }
0x17b: {  	s6 =	rddreg [dreg:$0x16];
	s8 =	spop (v2sf)  }
0x17c: {  	(v2sf) =	vpush v20, $0xC;
	[tilespmem:s7], [sflag:$0x2] =	stream.linear.gather [hbm4b:s8+s3], $0x400, $0x38;
	[tilespmem:$0x12400] =	vst v63  }
0x17d: {  	s7 =	rddreg [dreg:$0x17];
	s8 =	spop (v2sf)  }
0x17e: {  	(v2sf) =	vpush v19, $0xD;
	[tilespmem:s6], [sflag:$0x2] =	stream.linear.gather [hbm4b:s8+s3], $0x400, $0x38;
	[tilespmem:$0x12400] =	vst v63  }
0x17f: {  	s6 =	rddreg [dreg:$0x18];
	s8 =	spop (v2sf)  }
0x180: {  	(v2sf) =	vpush v20, $0xD;
	[tilespmem:s7], [sflag:$0x2] =	stream.linear.gather [hbm4b:s8+s3], $0x400, $0x38;
	[tilespmem:$0x12400] =	vst v63  }
0x181: {  	s7 =	rddreg [dreg:$0x19];
	s8 =	spop (v2sf)  }
0x182: {  	(v2sf) =	vpush v19, $0xE;
	[tilespmem:s6], [sflag:$0x2] =	stream.linear.gather [hbm4b:s8+s3], $0x400, $0x38;
	[tilespmem:$0x12400] =	vst v63  }
0x183: {  	s6 =	rddreg [dreg:$0x1a];
	s8 =	spop (v2sf)  }
0x184: {  	(v2sf) =	vpush v20, $0xE;
	[tilespmem:s7], [sflag:$0x2] =	stream.linear.gather [hbm4b:s8+s3], $0x400, $0x38;
	[tilespmem:$0x12400] =	vst v63  }
0x185: {  	s7 =	rddreg [dreg:$0x1b];
	s8 =	spop (v2sf)  }
0x186: {  	(v2sf) =	vpush v19, $0xF;
	[tilespmem:s6], [sflag:$0x2] =	stream.linear.gather [hbm4b:s8+s3], $0x400, $0x38;
	[tilespmem:$0x12400] =	vst v63  }
0x187: {  	s6 =	rddreg [dreg:$0x1c];
	s8 =	spop (v2sf)  }
0x188: {  	(v2sf) =	vpush v20, $0xF;
	[tilespmem:s7], [sflag:$0x2] =	stream.linear.gather [hbm4b:s8+s3], $0x400, $0x38;
	[tilespmem:$0x12400] =	vst v63  }
0x189: {  	s7 =	rddreg [dreg:$0x1d];
	s8 =	spop (v2sf)  }
0x18a: {  	[tilespmem:s6], [sflag:$0x2] =	stream.linear.gather [hbm4b:s8+s3], $0x400, $0x38;
	[tilespmem:$0x12400] =	vst v63  }
0x18b: {  	s6 =	rddreg [dreg:$0x1e];
	s8 =	spop (v2sf)  }
0x18c: {  	[tilespmem:s7], [sflag:$0x2] =	stream.linear.gather [hbm4b:s8+s3], $0x400, $0x38;
	[tilespmem:$0x12400] =	vst v63  }
0x18d: {  	s7 =	rddreg [dreg:$0x1f];
	s8 =	spop (v2sf)  }
0x18e: {  	[tilespmem:s6], [sflag:$0x2] =	stream.linear.gather [hbm4b:s8+s3], $0x400, $0x38;
	[tilespmem:$0x12400] =	vst v63  }
0x18f: {  	s6 =	sld [smem:$0x7D6];
	s8 =	spop (v2sf)  }
0x190: {  	[tilespmem:s7], [sflag:$0x2] =	stream.linear.gather [hbm4b:s8+s3], $0x400, $0x38;
	[tilespmem:$0x12400] =	vst v63  }
0x191: {  	s7 =	sld [smem:$0x7D7];
	s8 =	spop (v2sf)  }
0x192: {  	[tilespmem:s6], [sflag:$0x2] =	stream.linear.gather [hbm4b:s8+s3], $0x400, $0x38;
	[tilespmem:$0x12400] =	vst v63  }
0x193: {  	s6 =	sld [smem:$0x7D8];
	s8 =	spop (v2sf)  }
0x194: {  	[tilespmem:s7], [sflag:$0x2] =	stream.linear.gather [hbm4b:s8+s3], $0x400, $0x38;
	[tilespmem:$0x12400] =	vst v63  }
0x195: {  	s7 =	sld [smem:$0x7D9];
	s8 =	spop (v2sf)  }
0x196: {  	[tilespmem:s6], [sflag:$0x2] =	stream.linear.gather [hbm4b:s8+s3], $0x400, $0x38;
	[tilespmem:$0x12400] =	vst v63  }
0x197: {  	s8 =	spop (v2sf)  }
0x198: {  	[tilespmem:s7], [sflag:$0x2] =	stream.linear.gather [hbm4b:s8+s3], $0x400, $0x38;
	[tilespmem:$0x12400] =	vst v63  }
0x199: {  	v19 =	vld [tilespmem:s24+$0x10];
	_ =	sdelay $0x1  }
0x19a: {  	v18 =	vld [tilespmem:s24+$0x210];
	_ =	sdelay $0x2  }
0x19b: {  	v20 =	vand.u32 $0xFFFFFF80, v19  }
0x19c: {  	v21 =	vadd.s32 s1, v20  }
0x19d: {  	v22 =	vand.u32 $0xFFFFFF80, v18;
	(v2sf) =	vpush v21, $0x0  }
0x19e: {  	v20 =	vadd.s32 s2, v22  }
0x19f: {  	(v2sf) =	vpush v20, $0x0;
	_ =	sdelay $0x1  }
0x1a0: {  	(v2sf) =	vpush v21, $0x1;
	_ =	sdelay $0x1  }
0x1a1: {  	(v2sf) =	vpush v20, $0x1;
	_ =	sdelay $0x1  }
0x1a2: {  	(v2sf) =	vpush v21, $0x2;
	_ =	sdelay $0x1  }
0x1a3: {  	(v2sf) =	vpush v20, $0x2;
	_ =	sdelay $0x1  }
0x1a4: {  	(v2sf) =	vpush v21, $0x3  }
0x1a5: {  	s6 =	sld [smem:$0x7DA]  }
0x1a6: {  	(v2sf) =	vpush v20, $0x3  }
0x1a7: {  	s7 =	sld [smem:$0x7DB];
	s8 =	spop (v2sf)  }
0x1a8: {  	(v2sf) =	vpush v21, $0x4;
	[tilespmem:s6], [sflag:$0x2] =	stream.linear.gather [hbm4b:s8+s3], $0x400, $0x38;
	[tilespmem:$0x12400] =	vst v63  }
0x1a9: {  	s6 =	sld [smem:$0x7DC];
	s8 =	spop (v2sf)  }
0x1aa: {  	(v2sf) =	vpush v20, $0x4;
	[tilespmem:s7], [sflag:$0x2] =	stream.linear.gather [hbm4b:s8+s3], $0x400, $0x38;
	[tilespmem:$0x12400] =	vst v63  }
0x1ab: {  	s7 =	sld [smem:$0x7DD];
	s8 =	spop (v2sf)  }
0x1ac: {  	(v2sf) =	vpush v21, $0x5;
	[tilespmem:s6], [sflag:$0x2] =	stream.linear.gather [hbm4b:s8+s3], $0x400, $0x38;
	[tilespmem:$0x12400] =	vst v63  }
0x1ad: {  	s6 =	sld [smem:$0x7DF];
	s8 =	spop (v2sf)  }
0x1ae: {  	(v2sf) =	vpush v20, $0x5;
	[tilespmem:s7], [sflag:$0x2] =	stream.linear.gather [hbm4b:s8+s3], $0x400, $0x38;
	[tilespmem:$0x12400] =	vst v63  }
0x1af: {  	s7 =	sld [smem:$0x7E1];
	s8 =	spop (v2sf)  }
0x1b0: {  	(v2sf) =	vpush v21, $0x6;
	[tilespmem:s6], [sflag:$0x2] =	stream.linear.gather [hbm4b:s8+s3], $0x400, $0x38;
	[tilespmem:$0x12400] =	vst v63  }
0x1b1: {  	s6 =	sld [smem:$0x7E3];
	s8 =	spop (v2sf)  }
0x1b2: {  	(v2sf) =	vpush v20, $0x6;
	[tilespmem:s7], [sflag:$0x2] =	stream.linear.gather [hbm4b:s8+s3], $0x400, $0x38;
	[tilespmem:$0x12400] =	vst v63  }
0x1b3: {  	s7 =	sld [smem:$0x7E5];
	s8 =	spop (v2sf)  }
0x1b4: {  	(v2sf) =	vpush v21, $0x7;
	[tilespmem:s6], [sflag:$0x2] =	stream.linear.gather [hbm4b:s8+s3], $0x400, $0x38;
	[tilespmem:$0x12400] =	vst v63  }
0x1b5: {  	s6 =	sld [smem:$0x7E6];
	s8 =	spop (v2sf)  }
0x1b6: {  	(v2sf) =	vpush v20, $0x7;
	[tilespmem:s7], [sflag:$0x2] =	stream.linear.gather [hbm4b:s8+s3], $0x400, $0x38;
	[tilespmem:$0x12400] =	vst v63  }
0x1b7: {  	s7 =	sld [smem:$0x7E7];
	s8 =	spop (v2sf)  }
0x1b8: {  	(v2sf) =	vpush v21, $0x8;
	[tilespmem:s6], [sflag:$0x2] =	stream.linear.gather [hbm4b:s8+s3], $0x400, $0x38;
	[tilespmem:$0x12400] =	vst v63  }
0x1b9: {  	s6 =	sld [smem:$0x7E8];
	s8 =	spop (v2sf)  }
0x1ba: {  	(v2sf) =	vpush v20, $0x8;
	[tilespmem:s7], [sflag:$0x2] =	stream.linear.gather [hbm4b:s8+s3], $0x400, $0x38;
	[tilespmem:$0x12400] =	vst v63  }
0x1bb: {  	s7 =	sld [smem:$0x7E9];
	s8 =	spop (v2sf)  }
0x1bc: {  	(v2sf) =	vpush v21, $0x9;
	[tilespmem:s6], [sflag:$0x2] =	stream.linear.gather [hbm4b:s8+s3], $0x400, $0x38;
	[tilespmem:$0x12400] =	vst v63  }
0x1bd: {  	s6 =	sld [smem:$0x7EA];
	s8 =	spop (v2sf)  }
0x1be: {  	(v2sf) =	vpush v20, $0x9;
	[tilespmem:s7], [sflag:$0x2] =	stream.linear.gather [hbm4b:s8+s3], $0x400, $0x38;
	[tilespmem:$0x12400] =	vst v63  }
0x1bf: {  	s7 =	sld [smem:$0x7EB];
	s8 =	spop (v2sf)  }
0x1c0: {  	(v2sf) =	vpush v21, $0xA;
	[tilespmem:s6], [sflag:$0x2] =	stream.linear.gather [hbm4b:s8+s3], $0x400, $0x38;
	[tilespmem:$0x12400] =	vst v63  }
0x1c1: {  	s6 =	sld [smem:$0x7EC];
	s8 =	spop (v2sf)  }
0x1c2: {  	(v2sf) =	vpush v20, $0xA;
	[tilespmem:s7], [sflag:$0x2] =	stream.linear.gather [hbm4b:s8+s3], $0x400, $0x38;
	[tilespmem:$0x12400] =	vst v63  }
0x1c3: {  	s7 =	sld [smem:$0x7ED];
	s8 =	spop (v2sf)  }
0x1c4: {  	(v2sf) =	vpush v21, $0xB;
	[tilespmem:s6], [sflag:$0x2] =	stream.linear.gather [hbm4b:s8+s3], $0x400, $0x38;
	[tilespmem:$0x12400] =	vst v63  }
0x1c5: {  	s6 =	sld [smem:$0x7EE];
	s8 =	spop (v2sf)  }
0x1c6: {  	(v2sf) =	vpush v20, $0xB;
	[tilespmem:s7], [sflag:$0x2] =	stream.linear.gather [hbm4b:s8+s3], $0x400, $0x38;
	[tilespmem:$0x12400] =	vst v63  }
0x1c7: {  	s7 =	sld [smem:$0x7EF];
	s8 =	spop (v2sf)  }
0x1c8: {  	(v2sf) =	vpush v21, $0xC;
	[tilespmem:s6], [sflag:$0x2] =	stream.linear.gather [hbm4b:s8+s3], $0x400, $0x38;
	[tilespmem:$0x12400] =	vst v63  }
0x1c9: {  	s6 =	sld [smem:$0x7F0];
	s8 =	spop (v2sf)  }
0x1ca: {  	(v2sf) =	vpush v20, $0xC;
	[tilespmem:s7], [sflag:$0x2] =	stream.linear.gather [hbm4b:s8+s3], $0x400, $0x38;
	[tilespmem:$0x12400] =	vst v63  }
0x1cb: {  	s7 =	sld [smem:$0x7F1];
	s8 =	spop (v2sf)  }
0x1cc: {  	(v2sf) =	vpush v21, $0xD;
	[tilespmem:s6], [sflag:$0x2] =	stream.linear.gather [hbm4b:s8+s3], $0x400, $0x38;
	[tilespmem:$0x12400] =	vst v63  }
0x1cd: {  	s6 =	sld [smem:$0x7F2];
	s8 =	spop (v2sf)  }
0x1ce: {  	(v2sf) =	vpush v20, $0xD;
	[tilespmem:s7], [sflag:$0x2] =	stream.linear.gather [hbm4b:s8+s3], $0x400, $0x38;
	[tilespmem:$0x12400] =	vst v63  }
0x1cf: {  	s7 =	sld [smem:$0x7F3];
	s8 =	spop (v2sf)  }
0x1d0: {  	(v2sf) =	vpush v21, $0xE;
	[tilespmem:s6], [sflag:$0x2] =	stream.linear.gather [hbm4b:s8+s3], $0x400, $0x38;
	[tilespmem:$0x12400] =	vst v63  }
0x1d1: {  	s6 =	sld [smem:$0x7F4];
	s8 =	spop (v2sf)  }
0x1d2: {  	(v2sf) =	vpush v20, $0xE;
	[tilespmem:s7], [sflag:$0x2] =	stream.linear.gather [hbm4b:s8+s3], $0x400, $0x38;
	[tilespmem:$0x12400] =	vst v63  }
0x1d3: {  	s7 =	sld [smem:$0x7F5];
	s8 =	spop (v2sf)  }
0x1d4: {  	(v2sf) =	vpush v21, $0xF;
	[tilespmem:s6], [sflag:$0x2] =	stream.linear.gather [hbm4b:s8+s3], $0x400, $0x38;
	[tilespmem:$0x12400] =	vst v63  }
0x1d5: {  	s6 =	sld [smem:$0x7F6];
	s8 =	spop (v2sf)  }
0x1d6: {  	(v2sf) =	vpush v20, $0xF;
	[tilespmem:s7], [sflag:$0x2] =	stream.linear.gather [hbm4b:s8+s3], $0x400, $0x38;
	[tilespmem:$0x12400] =	vst v63  }
0x1d7: {  	s7 =	sld [smem:$0x7F7];
	s8 =	spop (v2sf)  }
0x1d8: {  	[tilespmem:s6], [sflag:$0x2] =	stream.linear.gather [hbm4b:s8+s3], $0x400, $0x38;
	[tilespmem:$0x12400] =	vst v63  }
0x1d9: {  	s6 =	sld [smem:$0x7F8];
	s8 =	spop (v2sf)  }
0x1da: {  	[tilespmem:s7], [sflag:$0x2] =	stream.linear.gather [hbm4b:s8+s3], $0x400, $0x38;
	[tilespmem:$0x12400] =	vst v63  }
0x1db: {  	s7 =	sld [smem:$0x7F9];
	s8 =	spop (v2sf)  }
0x1dc: {  	[tilespmem:s6], [sflag:$0x2] =	stream.linear.gather [hbm4b:s8+s3], $0x400, $0x38;
	[tilespmem:$0x12400] =	vst v63  }
0x1dd: {  	s6 =	sld [smem:$0x7FA];
	s8 =	spop (v2sf)  }
0x1de: {  	[tilespmem:s7], [sflag:$0x2] =	stream.linear.gather [hbm4b:s8+s3], $0x400, $0x38;
	[tilespmem:$0x12400] =	vst v63  }
0x1df: {  	s7 =	sld [smem:$0x7FB];
	s8 =	spop (v2sf)  }
0x1e0: {  	[tilespmem:s6], [sflag:$0x2] =	stream.linear.gather [hbm4b:s8+s3], $0x400, $0x38;
	[tilespmem:$0x12400] =	vst v63  }
0x1e1: {  	s6 =	sld [smem:$0x7FC];
	s8 =	spop (v2sf)  }
0x1e2: {  	[tilespmem:s7], [sflag:$0x2] =	stream.linear.gather [hbm4b:s8+s3], $0x400, $0x38;
	[tilespmem:$0x12400] =	vst v63  }
0x1e3: {  	s7 =	sld [smem:$0x7FD];
	s8 =	spop (v2sf)  }
0x1e4: {  	[tilespmem:s6], [sflag:$0x2] =	stream.linear.gather [hbm4b:s8+s3], $0x400, $0x38;
	[tilespmem:$0x12400] =	vst v63  }
0x1e5: {  	s8 =	spop (v2sf)  }
0x1e6: {  	[tilespmem:s7], [sflag:$0x2] =	stream.linear.gather [hbm4b:s8+s3], $0x400, $0x38;
	[tilespmem:$0x12400] =	vst v63  }
0x1e7: {  	_ =	swait.ge [sflag:s29], $0x8000  }
0x1e8: {  	v17 =	vand.u32 $0x7F, v17;
	v20 =	vor.u32 v0, v16;
	[sflag:s29] =	ssyncset.done $0x0  }
0x1e9: {  	v21 =	vor.u32 v0, v17;
	[sflag:s29] =	ssyncadd.s32 $0xFFFF8000  }
0x1ea: {  	_ =	swait.ge [sflag:s29], $0x8000  }
0x1eb: {  	[sflag:s29] =	ssyncset.done $0x0  }
0x1ec: {  	[sflag:s29] =	ssyncadd.s32 $0xFFFF8000  }
0x1ed: {  	v20 =	vld.idx.msk [tilespmem:v20+s26+$0x0], $0xffff  }
0x1ee: {  	v21 =	vld.idx.msk [tilespmem:v21+s28+$0x0], $0xffff  }
0x1ef: {  	v22 =	vor.u32 v1, v16  }
0x1f0: {  	v23 =	vor.u32 v1, v17;
	_ =	sdelay $0x1  }
0x1f1: {  	[tilespmem:s24+$0x10400] =	vst v20  }
0x1f2: {  	[tilespmem:s24+$0x11400] =	vst v21  }
0x1f3: {  	v20 =	vld.idx.msk [tilespmem:v22+s26+$0x0], $0xffff  }
0x1f4: {  	v21 =	vld.idx.msk [tilespmem:v23+s28+$0x0], $0xffff  }
0x1f5: {  	v22 =	vor.u32 v2, v16  }
0x1f6: {  	v23 =	vor.u32 v2, v17;
	_ =	sdelay $0x1  }
0x1f7: {  	[tilespmem:s24+$0x10600] =	vst v20  }
0x1f8: {  	[tilespmem:s24+$0x11600] =	vst v21  }
0x1f9: {  	v20 =	vld.idx.msk [tilespmem:v22+s26+$0x0], $0xffff  }
0x1fa: {  	v21 =	vld.idx.msk [tilespmem:v23+s28+$0x0], $0xffff  }
0x1fb: {  	v22 =	vor.u32 v3, v17  }
0x1fc: {  	v23 =	vor.u32 v3, v16;
	_ =	sdelay $0x1  }
0x1fd: {  	[tilespmem:s24+$0x10800] =	vst v20  }
0x1fe: {  	[tilespmem:s24+$0x11800] =	vst v21  }
0x1ff: {  	v20 =	vld.idx.msk [tilespmem:v22+s28+$0x0], $0xffff  }
0x200: {  	v21 =	vld.idx.msk [tilespmem:v23+s26+$0x0], $0xffff  }
0x201: {  	v22 =	vor.u32 v4, v16  }
0x202: {  	v23 =	vor.u32 v4, v17;
	_ =	sdelay $0x1  }
0x203: {  	[tilespmem:s24+$0x11A00] =	vst v20  }
0x204: {  	[tilespmem:s24+$0x10A00] =	vst v21  }
0x205: {  	v20 =	vld.idx.msk [tilespmem:v22+s26+$0x0], $0xffff  }
0x206: {  	v21 =	vld.idx.msk [tilespmem:v23+s28+$0x0], $0xffff  }
0x207: {  	v22 =	vor.u32 v5, v16  }
0x208: {  	v23 =	vor.u32 v5, v17;
	_ =	sdelay $0x1  }
0x209: {  	[tilespmem:s24+$0x10C00] =	vst v20  }
0x20a: {  	[tilespmem:s24+$0x11C00] =	vst v21  }
0x20b: {  	v20 =	vld.idx.msk [tilespmem:v22+s26+$0x0], $0xffff  }
0x20c: {  	v21 =	vld.idx.msk [tilespmem:v23+s28+$0x0], $0xffff  }
0x20d: {  	v22 =	vor.u32 v6, v16  }
0x20e: {  	v23 =	vor.u32 v6, v17;
	_ =	sdelay $0x1  }
0x20f: {  	[tilespmem:s24+$0x10E00] =	vst v20  }
0x210: {  	[tilespmem:s24+$0x11E00] =	vst v21  }
0x211: {  	v20 =	vld.idx.msk [tilespmem:v22+s26+$0x0], $0xffff  }
0x212: {  	v21 =	vld.idx.msk [tilespmem:v23+s28+$0x0], $0xffff  }
0x213: {  	v16 =	vor.u32 v7, v16  }
0x214: {  	v17 =	vor.u32 v7, v17;
	_ =	sdelay $0x1  }
0x215: {  	[tilespmem:s24+$0x11000] =	vst v20  }
0x216: {  	[tilespmem:s24+$0x12000] =	vst v21  }
0x217: {  	v16 =	vld.idx.msk [tilespmem:v16+s26+$0x0], $0xffff  }
0x218: {  	v21 =	vand.u32 $0x7F, v19;
	v17 =	vld.idx.msk [tilespmem:v17+s28+$0x0], $0xffff  }
0x219: {  	v18 =	vand.u32 $0x7F, v18;
	v19 =	vor.u32 v8, v21  }
0x21a: {  	v20 =	vor.u32 v8, v18;
	_ =	sdelay $0x1  }
0x21b: {  	[tilespmem:s24+$0x11200] =	vst v16  }
0x21c: {  	[tilespmem:s24+$0x12200] =	vst v17  }
0x21d: {  	v16 =	vld.idx.msk [tilespmem:v19+s26+$0x0], $0xffff  }
0x21e: {  	v17 =	vld.idx.msk [tilespmem:v20+s28+$0x0], $0xffff  }
0x21f: {  	v19 =	vor.u32 v9, v21  }
0x220: {  	v20 =	vor.u32 v9, v18;
	_ =	sdelay $0x1  }
0x221: {  	[tilespmem:s24+$0x10410] =	vst v16  }
0x222: {  	[tilespmem:s24+$0x11410] =	vst v17  }
0x223: {  	v16 =	vld.idx.msk [tilespmem:v19+s26+$0x0], $0xffff  }
0x224: {  	v17 =	vld.idx.msk [tilespmem:v20+s28+$0x0], $0xffff  }
0x225: {  	v19 =	vor.u32 v10, v21  }
0x226: {  	v20 =	vor.u32 v10, v18;
	_ =	sdelay $0x1  }
0x227: {  	[tilespmem:s24+$0x10610] =	vst v16  }
0x228: {  	[tilespmem:s24+$0x11610] =	vst v17  }
0x229: {  	v16 =	vld.idx.msk [tilespmem:v19+s26+$0x0], $0xffff  }
0x22a: {  	v17 =	vld.idx.msk [tilespmem:v20+s28+$0x0], $0xffff  }
0x22b: {  	v19 =	vor.u32 v11, v21  }
0x22c: {  	v20 =	vor.u32 v11, v18;
	_ =	sdelay $0x1  }
0x22d: {  	[tilespmem:s24+$0x10810] =	vst v16  }
0x22e: {  	[tilespmem:s24+$0x11810] =	vst v17  }
0x22f: {  	v16 =	vld.idx.msk [tilespmem:v19+s26+$0x0], $0xffff  }
0x230: {  	v17 =	vld.idx.msk [tilespmem:v20+s28+$0x0], $0xffff  }
0x231: {  	v19 =	vor.u32 v12, v21;
	_ =	sdelay $0x2  }
0x232: {  	v20 =	vor.u32 v12, v18;
	[tilespmem:s24+$0x10A10] =	vst v16  }
0x233: {  	[tilespmem:s24+$0x11A10] =	vst v17  }
0x234: {  	v16 =	vld.idx.msk [tilespmem:v19+s26+$0x0], $0xffff;
	_ =	sdelay $0x2  }
0x235: {  	v17 =	vld.idx.msk [tilespmem:v20+s28+$0x0], $0xffff  }
0x236: {  	s5 =	smov.u32 s31;
	v19 =	vor.u32 v13, v21  }
0x237: {  	s6 =	sshra.s32 s5, $0x2;
	v20 =	vor.u32 v13, v18;
	[tilespmem:s24+$0x10C10] =	vst v16  }
0x238: {  	p0 =	sne.s32 s31, $0x780;
	v16 =	vld [tilespmem:s6+$0x0]  }
.Ltmp0:
0x239: {  	_ = 	snop;
	(pc) =	sbr.rel @p0 .LBB2_2-.Ltmp0, $4  }
0x23a: {  	[tilespmem:s24+$0x11C10] =	vst v17  }
0x23b: {  	v23 =	vld.idx.msk [tilespmem:v19+s26+$0x0], $0xffff  }
0x23c: {  	v24 =	vor.u32 v14, v18;
	v20 =	vld.idx.msk [tilespmem:v20+s28+$0x0], $0xffff  }
0x23d: {  	s31 =	sadd.s32 $0x80, s31;
	v22 =	vor.u32 v14, v21;
	v17 =	vld [tilespmem:s6+$0x200];
	v19 =	vand.u32 $0xFFFFFF80, v16;
	v16 =	vand.u32 $0x7F, v16  }
0x23e: {  	_ =	sdelay $0x2  }
0x23f: {  	v19 =	vadd.s32 s1, v19  }
0x240: {  	(v2sf) =	vpush v19, $0x0;
	[tilespmem:s24+$0x10E10] =	vst v23;
	v30 =	vand.u32 $0xFFFFFF80, v17  }
0x241: {  	[tilespmem:s24+$0x11E10] =	vst v20;
	v31 =	vadd.s32 s2, v30  }
0x242: {  	v22 =	vld.idx.msk [tilespmem:v22+s26+$0x0], $0xffff;
	(v2sf) =	vpush v31, $0x0  }
0x243: {  	v32 =	vld.idx.msk [tilespmem:v24+s28+$0x0], $0xffff  }
0x244: {  	v21 =	vor.u32 v15, v21;
	(v2sf) =	vpush v19, $0x1  }
0x245: {  	v18 =	vor.u32 v15, v18  }
0x246: {  	(v2sf) =	vpush v31, $0x1  }
0x247: {  	[tilespmem:s24+$0x11010] =	vst v22  }
0x248: {  	[tilespmem:s24+$0x12010] =	vst v32;
	(v2sf) =	vpush v19, $0x2  }
0x249: {  	v21 =	vld.idx.msk [tilespmem:v21+s26+$0x0], $0xffff  }
0x24a: {  	v18 =	vld.idx.msk [tilespmem:v18+s28+$0x0], $0xffff;
	(v2sf) =	vpush v31, $0x2;
	_ =	sdelay $0x1  }
0x24b: {  	(v2sf) =	vpush v19, $0x3;
	_ =	sdelay $0x1  }
0x24c: {  	(v2sf) =	vpush v31, $0x3;
	[tilespmem:s24+$0x11210] =	vst v21  }
0x24d: {  	[tilespmem:s24+$0x12210] =	vst v18;
	s5 =	spop (v2sf)  }
0x24e: {  	(v2sf) =	vpush v19, $0x4;
	[tilespmem:s26], [sflag:$0x2] =	stream.linear.gather [hbm4b:s5+s3], $0x400, $0x38;
	[tilespmem:$0x12400] =	vst v63  }
0x24f: {  	s31 =	rddreg [dreg:$0x6];
	s7 =	spop (v2sf)  }
0x250: {  	(v2sf) =	vpush v31, $0x4;
	[tilespmem:s28], [sflag:$0x2] =	stream.linear.gather [hbm4b:s7+s3], $0x400, $0x38;
	[tilespmem:$0x12400] =	vst v63  }
0x251: {  	s24 =	rddreg [dreg:$0x7];
	s8 =	spop (v2sf)  }
0x252: {  	(v2sf) =	vpush v19, $0x5;
	[tilespmem:s31], [sflag:$0x2] =	stream.linear.gather [hbm4b:s8+s3], $0x400, $0x38;
	[tilespmem:$0x12400] =	vst v63  }
0x253: {  	s5 =	rddreg [dreg:$0x8];
	s31 =	spop (v2sf)  }
0x254: {  	(v2sf) =	vpush v31, $0x5;
	[tilespmem:s24], [sflag:$0x2] =	stream.linear.gather [hbm4b:s31+s3], $0x400, $0x38;
	[tilespmem:$0x12400] =	vst v63  }
0x255: {  	s7 =	rddreg [dreg:$0x9];
	s24 =	spop (v2sf)  }
0x256: {  	(v2sf) =	vpush v19, $0x6;
	[tilespmem:s5], [sflag:$0x2] =	stream.linear.gather [hbm4b:s24+s3], $0x400, $0x38;
	[tilespmem:$0x12400] =	vst v63  }
0x257: {  	s31 =	spop (v2sf);
	s5 =	rddreg [dreg:$0xa]  }
0x258: {  	(v2sf) =	vpush v31, $0x6;
	[tilespmem:s7], [sflag:$0x2] =	stream.linear.gather [hbm4b:s31+s3], $0x400, $0x38;
	[tilespmem:$0x12400] =	vst v63  }
0x259: {  	s24 =	spop (v2sf);
	s7 =	rddreg [dreg:$0xb]  }
0x25a: {  	(v2sf) =	vpush v19, $0x7;
	[tilespmem:s5], [sflag:$0x2] =	stream.linear.gather [hbm4b:s24+s3], $0x400, $0x38;
	[tilespmem:$0x12400] =	vst v63  }
0x25b: {  	s31 =	spop (v2sf);
	s5 =	rddreg [dreg:$0xc]  }
0x25c: {  	(v2sf) =	vpush v31, $0x7;
	[tilespmem:s7], [sflag:$0x2] =	stream.linear.gather [hbm4b:s31+s3], $0x400, $0x38;
	[tilespmem:$0x12400] =	vst v63  }
0x25d: {  	s24 =	spop (v2sf);
	s7 =	rddreg [dreg:$0xd]  }
0x25e: {  	(v2sf) =	vpush v19, $0x8;
	[tilespmem:s5], [sflag:$0x2] =	stream.linear.gather [hbm4b:s24+s3], $0x400, $0x38;
	[tilespmem:$0x12400] =	vst v63  }
0x25f: {  	s5 =	rddreg [dreg:$0xe];
	s31 =	spop (v2sf)  }
0x260: {  	(v2sf) =	vpush v31, $0x8;
	[tilespmem:s7], [sflag:$0x2] =	stream.linear.gather [hbm4b:s31+s3], $0x400, $0x38;
	[tilespmem:$0x12400] =	vst v63  }
0x261: {  	s24 =	spop (v2sf);
	s7 =	rddreg [dreg:$0xf]  }
0x262: {  	(v2sf) =	vpush v19, $0x9;
	[tilespmem:s5], [sflag:$0x2] =	stream.linear.gather [hbm4b:s24+s3], $0x400, $0x38;
	[tilespmem:$0x12400] =	vst v63  }
0x263: {  	s31 =	spop (v2sf);
	s5 =	rddreg [dreg:$0x10]  }
0x264: {  	(v2sf) =	vpush v31, $0x9;
	[tilespmem:s7], [sflag:$0x2] =	stream.linear.gather [hbm4b:s31+s3], $0x400, $0x38;
	[tilespmem:$0x12400] =	vst v63  }
0x265: {  	s24 =	spop (v2sf);
	s7 =	rddreg [dreg:$0x11]  }
0x266: {  	(v2sf) =	vpush v19, $0xA;
	[tilespmem:s5], [sflag:$0x2] =	stream.linear.gather [hbm4b:s24+s3], $0x400, $0x38;
	[tilespmem:$0x12400] =	vst v63  }
0x267: {  	s31 =	spop (v2sf);
	s5 =	rddreg [dreg:$0x12]  }
0x268: {  	(v2sf) =	vpush v31, $0xA;
	[tilespmem:s7], [sflag:$0x2] =	stream.linear.gather [hbm4b:s31+s3], $0x400, $0x38;
	[tilespmem:$0x12400] =	vst v63  }
0x269: {  	s24 =	spop (v2sf);
	s7 =	rddreg [dreg:$0x13]  }
0x26a: {  	(v2sf) =	vpush v19, $0xB;
	[tilespmem:s5], [sflag:$0x2] =	stream.linear.gather [hbm4b:s24+s3], $0x400, $0x38;
	[tilespmem:$0x12400] =	vst v63  }
0x26b: {  	s31 =	spop (v2sf);
	s5 =	rddreg [dreg:$0x14]  }
0x26c: {  	(v2sf) =	vpush v31, $0xB;
	[tilespmem:s7], [sflag:$0x2] =	stream.linear.gather [hbm4b:s31+s3], $0x400, $0x38;
	[tilespmem:$0x12400] =	vst v63  }
0x26d: {  	s24 =	spop (v2sf);
	s7 =	rddreg [dreg:$0x15]  }
0x26e: {  	(v2sf) =	vpush v19, $0xC;
	[tilespmem:s5], [sflag:$0x2] =	stream.linear.gather [hbm4b:s24+s3], $0x400, $0x38;
	[tilespmem:$0x12400] =	vst v63  }
0x26f: {  	s31 =	spop (v2sf);
	s5 =	rddreg [dreg:$0x16]  }
0x270: {  	(v2sf) =	vpush v31, $0xC;
	[tilespmem:s7], [sflag:$0x2] =	stream.linear.gather [hbm4b:s31+s3], $0x400, $0x38;
	[tilespmem:$0x12400] =	vst v63  }
0x271: {  	s24 =	spop (v2sf);
	s7 =	rddreg [dreg:$0x17]  }
0x272: {  	(v2sf) =	vpush v19, $0xD;
	[tilespmem:s5], [sflag:$0x2] =	stream.linear.gather [hbm4b:s24+s3], $0x400, $0x38;
	[tilespmem:$0x12400] =	vst v63  }
0x273: {  	s31 =	spop (v2sf);
	s5 =	rddreg [dreg:$0x18]  }
0x274: {  	(v2sf) =	vpush v31, $0xD;
	[tilespmem:s7], [sflag:$0x2] =	stream.linear.gather [hbm4b:s31+s3], $0x400, $0x38;
	[tilespmem:$0x12400] =	vst v63  }
0x275: {  	s24 =	spop (v2sf);
	s7 =	rddreg [dreg:$0x19]  }
0x276: {  	(v2sf) =	vpush v19, $0xE;
	[tilespmem:s5], [sflag:$0x2] =	stream.linear.gather [hbm4b:s24+s3], $0x400, $0x38;
	[tilespmem:$0x12400] =	vst v63  }
0x277: {  	s31 =	spop (v2sf);
	s5 =	rddreg [dreg:$0x1a]  }
0x278: {  	(v2sf) =	vpush v31, $0xE;
	[tilespmem:s7], [sflag:$0x2] =	stream.linear.gather [hbm4b:s31+s3], $0x400, $0x38;
	[tilespmem:$0x12400] =	vst v63  }
0x279: {  	s24 =	spop (v2sf);
	s7 =	rddreg [dreg:$0x1b]  }
0x27a: {  	(v2sf) =	vpush v19, $0xF;
	[tilespmem:s5], [sflag:$0x2] =	stream.linear.gather [hbm4b:s24+s3], $0x400, $0x38;
	[tilespmem:$0x12400] =	vst v63  }
0x27b: {  	s31 =	spop (v2sf);
	s5 =	rddreg [dreg:$0x1c]  }
0x27c: {  	(v2sf) =	vpush v31, $0xF;
	[tilespmem:s7], [sflag:$0x2] =	stream.linear.gather [hbm4b:s31+s3], $0x400, $0x38;
	[tilespmem:$0x12400] =	vst v63  }
0x27d: {  	s24 =	spop (v2sf);
	s7 =	rddreg [dreg:$0x1d]  }
0x27e: {  	[tilespmem:s5], [sflag:$0x2] =	stream.linear.gather [hbm4b:s24+s3], $0x400, $0x38;
	[tilespmem:$0x12400] =	vst v63  }
0x27f: {  	s31 =	spop (v2sf);
	s5 =	rddreg [dreg:$0x1e]  }
0x280: {  	[tilespmem:s7], [sflag:$0x2] =	stream.linear.gather [hbm4b:s31+s3], $0x400, $0x38;
	[tilespmem:$0x12400] =	vst v63  }
0x281: {  	s24 =	spop (v2sf);
	s7 =	rddreg [dreg:$0x1f]  }
0x282: {  	[tilespmem:s5], [sflag:$0x2] =	stream.linear.gather [hbm4b:s24+s3], $0x400, $0x38;
	[tilespmem:$0x12400] =	vst v63  }
0x283: {  	s31 =	spop (v2sf);
	s5 =	sld [smem:$0x7D6]  }
0x284: {  	[tilespmem:s7], [sflag:$0x2] =	stream.linear.gather [hbm4b:s31+s3], $0x400, $0x38;
	[tilespmem:$0x12400] =	vst v63  }
0x285: {  	s24 =	spop (v2sf);
	s7 =	sld [smem:$0x7D7]  }
0x286: {  	[tilespmem:s5], [sflag:$0x2] =	stream.linear.gather [hbm4b:s24+s3], $0x400, $0x38;
	[tilespmem:$0x12400] =	vst v63  }
0x287: {  	s31 =	spop (v2sf);
	s5 =	sld [smem:$0x7D8]  }
0x288: {  	[tilespmem:s7], [sflag:$0x2] =	stream.linear.gather [hbm4b:s31+s3], $0x400, $0x38;
	[tilespmem:$0x12400] =	vst v63  }
0x289: {  	s24 =	spop (v2sf);
	s7 =	sld [smem:$0x7D9]  }
0x28a: {  	[tilespmem:s5], [sflag:$0x2] =	stream.linear.gather [hbm4b:s24+s3], $0x400, $0x38;
	[tilespmem:$0x12400] =	vst v63  }
0x28b: {  	s31 =	spop (v2sf)  }
0x28c: {  	[tilespmem:s7], [sflag:$0x2] =	stream.linear.gather [hbm4b:s31+s3], $0x400, $0x38;
	[tilespmem:$0x12400] =	vst v63  }
0x28d: {  	v18 =	vld [tilespmem:s6+$0x10];
	_ =	sdelay $0x1  }
0x28e: {  	v33 =	vld [tilespmem:s6+$0x210];
	_ =	sdelay $0x2  }
0x28f: {  	v34 =	vand.u32 $0xFFFFFF80, v18  }
0x290: {  	v20 =	vadd.s32 s1, v34  }
0x291: {  	v35 =	vand.u32 $0xFFFFFF80, v33;
	(v2sf) =	vpush v20, $0x0  }
0x292: {  	v21 =	vadd.s32 s2, v35  }
0x293: {  	(v2sf) =	vpush v21, $0x0;
	_ =	sdelay $0x1  }
0x294: {  	(v2sf) =	vpush v20, $0x1;
	_ =	sdelay $0x1  }
0x295: {  	(v2sf) =	vpush v21, $0x1;
	_ =	sdelay $0x1  }
0x296: {  	(v2sf) =	vpush v20, $0x2;
	_ =	sdelay $0x1  }
0x297: {  	(v2sf) =	vpush v21, $0x2;
	_ =	sdelay $0x1  }
0x298: {  	(v2sf) =	vpush v20, $0x3  }
0x299: {  	s8 =	sld [smem:$0x7DA]  }
0x29a: {  	(v2sf) =	vpush v21, $0x3  }
0x29b: {  	s7 =	sld [smem:$0x7DB];
	s24 =	spop (v2sf)  }
0x29c: {  	(v2sf) =	vpush v20, $0x4;
	[tilespmem:s8], [sflag:$0x2] =	stream.linear.gather [hbm4b:s24+s3], $0x400, $0x38;
	[tilespmem:$0x12400] =	vst v63  }
0x29d: {  	s5 =	sld [smem:$0x7DC];
	s31 =	spop (v2sf)  }
0x29e: {  	(v2sf) =	vpush v21, $0x4;
	[tilespmem:s7], [sflag:$0x2] =	stream.linear.gather [hbm4b:s31+s3], $0x400, $0x38;
	[tilespmem:$0x12400] =	vst v63  }
0x29f: {  	s24 =	spop (v2sf);
	s7 =	sld [smem:$0x7DD]  }
0x2a0: {  	(v2sf) =	vpush v20, $0x5;
	[tilespmem:s5], [sflag:$0x2] =	stream.linear.gather [hbm4b:s24+s3], $0x400, $0x38;
	[tilespmem:$0x12400] =	vst v63  }
0x2a1: {  	s31 =	spop (v2sf);
	s5 =	sld [smem:$0x7DF]  }
0x2a2: {  	(v2sf) =	vpush v21, $0x5;
	[tilespmem:s7], [sflag:$0x2] =	stream.linear.gather [hbm4b:s31+s3], $0x400, $0x38;
	[tilespmem:$0x12400] =	vst v63  }
0x2a3: {  	s24 =	spop (v2sf);
	s7 =	sld [smem:$0x7E1]  }
0x2a4: {  	(v2sf) =	vpush v20, $0x6;
	[tilespmem:s5], [sflag:$0x2] =	stream.linear.gather [hbm4b:s24+s3], $0x400, $0x38;
	[tilespmem:$0x12400] =	vst v63  }
0x2a5: {  	s31 =	spop (v2sf);
	s5 =	sld [smem:$0x7E3]  }
0x2a6: {  	(v2sf) =	vpush v21, $0x6;
	[tilespmem:s7], [sflag:$0x2] =	stream.linear.gather [hbm4b:s31+s3], $0x400, $0x38;
	[tilespmem:$0x12400] =	vst v63  }
0x2a7: {  	s24 =	spop (v2sf);
	s7 =	sld [smem:$0x7E5]  }
0x2a8: {  	(v2sf) =	vpush v20, $0x7;
	[tilespmem:s5], [sflag:$0x2] =	stream.linear.gather [hbm4b:s24+s3], $0x400, $0x38;
	[tilespmem:$0x12400] =	vst v63  }
0x2a9: {  	s31 =	spop (v2sf);
	s5 =	sld [smem:$0x7E6]  }
0x2aa: {  	(v2sf) =	vpush v21, $0x7;
	[tilespmem:s7], [sflag:$0x2] =	stream.linear.gather [hbm4b:s31+s3], $0x400, $0x38;
	[tilespmem:$0x12400] =	vst v63  }
0x2ab: {  	s7 =	sld [smem:$0x7E7];
	s24 =	spop (v2sf)  }
0x2ac: {  	(v2sf) =	vpush v20, $0x8;
	[tilespmem:s5], [sflag:$0x2] =	stream.linear.gather [hbm4b:s24+s3], $0x400, $0x38;
	[tilespmem:$0x12400] =	vst v63  }
0x2ad: {  	s31 =	spop (v2sf);
	s5 =	sld [smem:$0x7E8]  }
0x2ae: {  	(v2sf) =	vpush v21, $0x8;
	[tilespmem:s7], [sflag:$0x2] =	stream.linear.gather [hbm4b:s31+s3], $0x400, $0x38;
	[tilespmem:$0x12400] =	vst v63  }
0x2af: {  	s24 =	spop (v2sf);
	s7 =	sld [smem:$0x7E9]  }
0x2b0: {  	(v2sf) =	vpush v20, $0x9;
	[tilespmem:s5], [sflag:$0x2] =	stream.linear.gather [hbm4b:s24+s3], $0x400, $0x38;
	[tilespmem:$0x12400] =	vst v63  }
0x2b1: {  	s31 =	spop (v2sf);
	s5 =	sld [smem:$0x7EA]  }
0x2b2: {  	(v2sf) =	vpush v21, $0x9;
	[tilespmem:s7], [sflag:$0x2] =	stream.linear.gather [hbm4b:s31+s3], $0x400, $0x38;
	[tilespmem:$0x12400] =	vst v63  }
0x2b3: {  	s24 =	spop (v2sf);
	s7 =	sld [smem:$0x7EB]  }
0x2b4: {  	(v2sf) =	vpush v20, $0xA;
	[tilespmem:s5], [sflag:$0x2] =	stream.linear.gather [hbm4b:s24+s3], $0x400, $0x38;
	[tilespmem:$0x12400] =	vst v63  }
0x2b5: {  	s31 =	spop (v2sf);
	s5 =	sld [smem:$0x7EC]  }
0x2b6: {  	(v2sf) =	vpush v21, $0xA;
	[tilespmem:s7], [sflag:$0x2] =	stream.linear.gather [hbm4b:s31+s3], $0x400, $0x38;
	[tilespmem:$0x12400] =	vst v63  }
0x2b7: {  	s24 =	spop (v2sf);
	s7 =	sld [smem:$0x7ED]  }
0x2b8: {  	(v2sf) =	vpush v20, $0xB;
	[tilespmem:s5], [sflag:$0x2] =	stream.linear.gather [hbm4b:s24+s3], $0x400, $0x38;
	[tilespmem:$0x12400] =	vst v63  }
0x2b9: {  	s31 =	spop (v2sf);
	s5 =	sld [smem:$0x7EE]  }
0x2ba: {  	(v2sf) =	vpush v21, $0xB;
	[tilespmem:s7], [sflag:$0x2] =	stream.linear.gather [hbm4b:s31+s3], $0x400, $0x38;
	[tilespmem:$0x12400] =	vst v63  }
0x2bb: {  	s24 =	spop (v2sf);
	s7 =	sld [smem:$0x7EF]  }
0x2bc: {  	(v2sf) =	vpush v20, $0xC;
	[tilespmem:s5], [sflag:$0x2] =	stream.linear.gather [hbm4b:s24+s3], $0x400, $0x38;
	[tilespmem:$0x12400] =	vst v63  }
0x2bd: {  	s31 =	spop (v2sf);
	s5 =	sld [smem:$0x7F0]  }
0x2be: {  	(v2sf) =	vpush v21, $0xC;
	[tilespmem:s7], [sflag:$0x2] =	stream.linear.gather [hbm4b:s31+s3], $0x400, $0x38;
	[tilespmem:$0x12400] =	vst v63  }
0x2bf: {  	s24 =	spop (v2sf);
	s7 =	sld [smem:$0x7F1]  }
0x2c0: {  	(v2sf) =	vpush v20, $0xD;
	[tilespmem:s5], [sflag:$0x2] =	stream.linear.gather [hbm4b:s24+s3], $0x400, $0x38;
	[tilespmem:$0x12400] =	vst v63  }
0x2c1: {  	s31 =	spop (v2sf);
	s5 =	sld [smem:$0x7F2]  }
0x2c2: {  	(v2sf) =	vpush v21, $0xD;
	[tilespmem:s7], [sflag:$0x2] =	stream.linear.gather [hbm4b:s31+s3], $0x400, $0x38;
	[tilespmem:$0x12400] =	vst v63  }
0x2c3: {  	s24 =	spop (v2sf);
	s7 =	sld [smem:$0x7F3]  }
0x2c4: {  	(v2sf) =	vpush v20, $0xE;
	[tilespmem:s5], [sflag:$0x2] =	stream.linear.gather [hbm4b:s24+s3], $0x400, $0x38;
	[tilespmem:$0x12400] =	vst v63  }
0x2c5: {  	s31 =	spop (v2sf);
	s5 =	sld [smem:$0x7F4]  }
0x2c6: {  	(v2sf) =	vpush v21, $0xE;
	[tilespmem:s7], [sflag:$0x2] =	stream.linear.gather [hbm4b:s31+s3], $0x400, $0x38;
	[tilespmem:$0x12400] =	vst v63  }
0x2c7: {  	s24 =	spop (v2sf);
	s7 =	sld [smem:$0x7F5]  }
0x2c8: {  	(v2sf) =	vpush v20, $0xF;
	[tilespmem:s5], [sflag:$0x2] =	stream.linear.gather [hbm4b:s24+s3], $0x400, $0x38;
	[tilespmem:$0x12400] =	vst v63  }
0x2c9: {  	s31 =	spop (v2sf);
	s5 =	sld [smem:$0x7F6]  }
0x2ca: {  	(v2sf) =	vpush v21, $0xF;
	[tilespmem:s7], [sflag:$0x2] =	stream.linear.gather [hbm4b:s31+s3], $0x400, $0x38;
	[tilespmem:$0x12400] =	vst v63  }
0x2cb: {  	s24 =	spop (v2sf);
	s7 =	sld [smem:$0x7F7]  }
0x2cc: {  	[tilespmem:s5], [sflag:$0x2] =	stream.linear.gather [hbm4b:s24+s3], $0x400, $0x38;
	[tilespmem:$0x12400] =	vst v63  }
0x2cd: {  	s31 =	spop (v2sf);
	s5 =	sld [smem:$0x7F8]  }
0x2ce: {  	[tilespmem:s7], [sflag:$0x2] =	stream.linear.gather [hbm4b:s31+s3], $0x400, $0x38;
	[tilespmem:$0x12400] =	vst v63  }
0x2cf: {  	s24 =	spop (v2sf);
	s7 =	sld [smem:$0x7F9]  }
0x2d0: {  	[tilespmem:s5], [sflag:$0x2] =	stream.linear.gather [hbm4b:s24+s3], $0x400, $0x38;
	[tilespmem:$0x12400] =	vst v63  }
0x2d1: {  	s31 =	spop (v2sf);
	s5 =	sld [smem:$0x7FA]  }
0x2d2: {  	[tilespmem:s7], [sflag:$0x2] =	stream.linear.gather [hbm4b:s31+s3], $0x400, $0x38;
	[tilespmem:$0x12400] =	vst v63  }
0x2d3: {  	s24 =	spop (v2sf);
	s7 =	sld [smem:$0x7FB]  }
0x2d4: {  	[tilespmem:s5], [sflag:$0x2] =	stream.linear.gather [hbm4b:s24+s3], $0x400, $0x38;
	[tilespmem:$0x12400] =	vst v63  }
0x2d5: {  	s31 =	spop (v2sf);
	s5 =	sld [smem:$0x7FC]  }
0x2d6: {  	[tilespmem:s7], [sflag:$0x2] =	stream.linear.gather [hbm4b:s31+s3], $0x400, $0x38;
	[tilespmem:$0x12400] =	vst v63  }
0x2d7: {  	s24 =	spop (v2sf);
	s7 =	sld [smem:$0x7FD]  }
0x2d8: {  	[tilespmem:s5], [sflag:$0x2] =	stream.linear.gather [hbm4b:s24+s3], $0x400, $0x38;
	[tilespmem:$0x12400] =	vst v63  }
0x2d9: {  	s31 =	spop (v2sf)  }
0x2da: {  	[tilespmem:s7], [sflag:$0x2] =	stream.linear.gather [hbm4b:s31+s3], $0x400, $0x38;
	[tilespmem:$0x12400] =	vst v63  }
0x2db: {  	_ =	swait.ge [sflag:s29], $0x8000  }
0x2dc: {  	v36 =	vor.u32 v0, v16;
	v17 =	vand.u32 $0x7F, v17;
	[sflag:s29] =	ssyncset.done $0x0  }
0x2dd: {  	v37 =	vor.u32 v0, v17;
	[sflag:s29] =	ssyncadd.s32 $0xFFFF8000  }
0x2de: {  	_ =	swait.ge [sflag:s29], $0x8000  }
0x2df: {  	[sflag:s29] =	ssyncset.done $0x0  }
0x2e0: {  	[sflag:s29] =	ssyncadd.s32 $0xFFFF8000  }
0x2e1: {  	v20 =	vld.idx.msk [tilespmem:v36+s26+$0x0], $0xffff  }
0x2e2: {  	v21 =	vld.idx.msk [tilespmem:v37+s28+$0x0], $0xffff  }
0x2e3: {  	v38 =	vor.u32 v1, v16  }
0x2e4: {  	v39 =	vor.u32 v1, v17;
	_ =	sdelay $0x1  }
0x2e5: {  	[tilespmem:s6+$0x10400] =	vst v20  }
0x2e6: {  	[tilespmem:s6+$0x11400] =	vst v21  }
0x2e7: {  	v20 =	vld.idx.msk [tilespmem:v38+s26+$0x0], $0xffff  }
0x2e8: {  	v21 =	vld.idx.msk [tilespmem:v39+s28+$0x0], $0xffff  }
0x2e9: {  	v40 =	vor.u32 v2, v16  }
0x2ea: {  	v41 =	vor.u32 v2, v17;
	_ =	sdelay $0x1  }
0x2eb: {  	[tilespmem:s6+$0x10600] =	vst v20  }
0x2ec: {  	[tilespmem:s6+$0x11600] =	vst v21  }
0x2ed: {  	v20 =	vld.idx.msk [tilespmem:v40+s26+$0x0], $0xffff  }
0x2ee: {  	v21 =	vld.idx.msk [tilespmem:v41+s28+$0x0], $0xffff  }
0x2ef: {  	v42 =	vor.u32 v3, v17  }
0x2f0: {  	v43 =	vor.u32 v3, v16;
	_ =	sdelay $0x1  }
0x2f1: {  	[tilespmem:s6+$0x10800] =	vst v20  }
0x2f2: {  	[tilespmem:s6+$0x11800] =	vst v21  }
0x2f3: {  	v20 =	vld.idx.msk [tilespmem:v42+s28+$0x0], $0xffff  }
0x2f4: {  	v21 =	vld.idx.msk [tilespmem:v43+s26+$0x0], $0xffff  }
0x2f5: {  	v44 =	vor.u32 v4, v16  }
0x2f6: {  	v45 =	vor.u32 v4, v17;
	_ =	sdelay $0x1  }
0x2f7: {  	[tilespmem:s6+$0x11A00] =	vst v20  }
0x2f8: {  	[tilespmem:s6+$0x10A00] =	vst v21  }
0x2f9: {  	v20 =	vld.idx.msk [tilespmem:v44+s26+$0x0], $0xffff  }
0x2fa: {  	v21 =	vld.idx.msk [tilespmem:v45+s28+$0x0], $0xffff  }
0x2fb: {  	v46 =	vor.u32 v5, v16  }
0x2fc: {  	v47 =	vor.u32 v5, v17;
	_ =	sdelay $0x1  }
0x2fd: {  	[tilespmem:s6+$0x10C00] =	vst v20  }
0x2fe: {  	[tilespmem:s6+$0x11C00] =	vst v21  }
0x2ff: {  	v20 =	vld.idx.msk [tilespmem:v46+s26+$0x0], $0xffff  }
0x300: {  	v21 =	vld.idx.msk [tilespmem:v47+s28+$0x0], $0xffff  }
0x301: {  	v48 =	vor.u32 v6, v16  }
0x302: {  	v49 =	vor.u32 v6, v17;
	_ =	sdelay $0x1  }
0x303: {  	[tilespmem:s6+$0x10E00] =	vst v20  }
0x304: {  	[tilespmem:s6+$0x11E00] =	vst v21  }
0x305: {  	v20 =	vld.idx.msk [tilespmem:v48+s26+$0x0], $0xffff  }
0x306: {  	v21 =	vld.idx.msk [tilespmem:v49+s28+$0x0], $0xffff  }
0x307: {  	v16 =	vor.u32 v7, v16  }
0x308: {  	v17 =	vor.u32 v7, v17;
	_ =	sdelay $0x1  }
0x309: {  	[tilespmem:s6+$0x11000] =	vst v20  }
0x30a: {  	[tilespmem:s6+$0x12000] =	vst v21  }
0x30b: {  	v16 =	vld.idx.msk [tilespmem:v16+s26+$0x0], $0xffff  }
0x30c: {  	v18 =	vand.u32 $0x7F, v18;
	v17 =	vld.idx.msk [tilespmem:v17+s28+$0x0], $0xffff  }
0x30d: {  	v19 =	vand.u32 $0x7F, v33;
	v50 =	vor.u32 v8, v18  }
0x30e: {  	v51 =	vor.u32 v8, v19;
	_ =	sdelay $0x1  }
0x30f: {  	[tilespmem:s6+$0x11200] =	vst v16  }
0x310: {  	[tilespmem:s6+$0x12200] =	vst v17  }
0x311: {  	v16 =	vld.idx.msk [tilespmem:v50+s26+$0x0], $0xffff  }
0x312: {  	v17 =	vld.idx.msk [tilespmem:v51+s28+$0x0], $0xffff  }
0x313: {  	v52 =	vor.u32 v9, v18  }
0x314: {  	v53 =	vor.u32 v9, v19;
	_ =	sdelay $0x1  }
0x315: {  	[tilespmem:s6+$0x10410] =	vst v16  }
0x316: {  	[tilespmem:s6+$0x11410] =	vst v17  }
0x317: {  	v16 =	vld.idx.msk [tilespmem:v52+s26+$0x0], $0xffff  }
0x318: {  	v17 =	vld.idx.msk [tilespmem:v53+s28+$0x0], $0xffff  }
0x319: {  	v54 =	vor.u32 v10, v18  }
0x31a: {  	v55 =	vor.u32 v10, v19;
	_ =	sdelay $0x1  }
0x31b: {  	[tilespmem:s6+$0x10610] =	vst v16  }
0x31c: {  	[tilespmem:s6+$0x11610] =	vst v17  }
0x31d: {  	v16 =	vld.idx.msk [tilespmem:v54+s26+$0x0], $0xffff  }
0x31e: {  	v17 =	vld.idx.msk [tilespmem:v55+s28+$0x0], $0xffff  }
0x31f: {  	v56 =	vor.u32 v11, v18  }
0x320: {  	v57 =	vor.u32 v11, v19;
	_ =	sdelay $0x1  }
0x321: {  	[tilespmem:s6+$0x10810] =	vst v16  }
0x322: {  	[tilespmem:s6+$0x11810] =	vst v17  }
0x323: {  	v16 =	vld.idx.msk [tilespmem:v56+s26+$0x0], $0xffff  }
0x324: {  	v17 =	vld.idx.msk [tilespmem:v57+s28+$0x0], $0xffff  }
0x325: {  	v58 =	vor.u32 v12, v18  }
0x326: {  	v59 =	vor.u32 v12, v19;
	_ =	sdelay $0x1  }
0x327: {  	[tilespmem:s6+$0x10A10] =	vst v16  }
0x328: {  	[tilespmem:s6+$0x11A10] =	vst v17  }
0x329: {  	v16 =	vld.idx.msk [tilespmem:v58+s26+$0x0], $0xffff  }
0x32a: {  	v17 =	vld.idx.msk [tilespmem:v59+s28+$0x0], $0xffff  }
0x32b: {  	v60 =	vor.u32 v13, v18  }
0x32c: {  	v61 =	vor.u32 v13, v19;
	_ =	sdelay $0x1  }
0x32d: {  	[tilespmem:s6+$0x10C10] =	vst v16  }
0x32e: {  	[tilespmem:s6+$0x11C10] =	vst v17  }
0x32f: {  	v16 =	vld.idx.msk [tilespmem:v60+s26+$0x0], $0xffff  }
0x330: {  	v17 =	vld.idx.msk [tilespmem:v61+s28+$0x0], $0xffff  }
0x331: {  	v62 =	vor.u32 v14, v18  }
0x332: {  	v63 =	vor.u32 v14, v19;
	_ =	sdelay $0x1  }
0x333: {  	[tilespmem:s6+$0x10E10] =	vst v16  }
0x334: {  	[tilespmem:s6+$0x11E10] =	vst v17  }
0x335: {  	v16 =	vld.idx.msk [tilespmem:v62+s26+$0x0], $0xffff  }
0x336: {  	v17 =	vld.idx.msk [tilespmem:v63+s28+$0x0], $0xffff  }
0x337: {  	v18 =	vor.u32 v15, v18  }
0x338: {  	v19 =	vor.u32 v15, v19;
	_ =	sdelay $0x1  }
0x339: {  	[tilespmem:s6+$0x11010] =	vst v16  }
0x33a: {  	[tilespmem:s6+$0x12010] =	vst v17  }
0x33b: {  	v16 =	vld.idx.msk [tilespmem:v18+s26+$0x0], $0xffff  }
0x33c: {  	v17 =	vld.idx.msk [tilespmem:v19+s28+$0x0], $0xffff;
	_ =	sdelay $0x2  }
0x33d: {  	s7 =	sld [smem:$0x7E2]  }
0x33e: {  	[tilespmem:s6+$0x11210] =	vst v16  }
0x33f: {  	s8 =	simm.s32 $0x10400;
	[tilespmem:s6+$0x12210] =	vst v17  }
0x340: {  	[hbm4b:s7+s30] =	stream.strided.scatter [tilespmem:s8], [sflag:$0x3], $0x200, s26, s30, $0x38;
	[tilespmem:$0x12400] =	vst v63  }
0x341: {  	_ =	swait.ge [sflag:s0], $0x200  }
0x342: {  	s24 =	sld [smem:$0x7E4]  }
0x343: {  	[sflag:s0] =	ssyncset.done $0x0  }
0x344: {  	s31 =	simm.s32 $0x11400;
	[sflag:s0] =	ssyncadd.s32 $0xFFFFFE00  }
0x345: {  	[hbm4b:s24+s30] =	stream.strided.scatter [tilespmem:s31], [sflag:$0x3], $0x200, s26, s30, $0x38;
	[tilespmem:$0x12400] =	vst v63  }
0x346: {  	_ =	swait.ge [sflag:s0], $0x200  }
0x347: {  	[sflag:s0] =	ssyncset.done $0x0  }
0x348: {  	s7 =	simm.s32 $0x10600;
	[sflag:s0] =	ssyncadd.s32 $0xFFFFFE00  }
0x349: {  	[hbm4b:s9+s30] =	stream.strided.scatter [tilespmem:s7], [sflag:$0x3], $0x200, s26, s30, $0x38;
	[tilespmem:$0x12400] =	vst v63  }
0x34a: {  	_ =	swait.ge [sflag:s0], $0x200  }
0x34b: {  	[sflag:s0] =	ssyncset.done $0x0  }
0x34c: {  	s8 =	simm.s32 $0x11600;
	[sflag:s0] =	ssyncadd.s32 $0xFFFFFE00  }
0x34d: {  	[hbm4b:s10+s30] =	stream.strided.scatter [tilespmem:s8], [sflag:$0x3], $0x200, s26, s30, $0x38;
	[tilespmem:$0x12400] =	vst v63  }
0x34e: {  	_ =	swait.ge [sflag:s0], $0x200  }
0x34f: {  	[sflag:s0] =	ssyncset.done $0x0  }
0x350: {  	s24 =	simm.s32 $0x10800;
	[sflag:s0] =	ssyncadd.s32 $0xFFFFFE00  }
0x351: {  	[hbm4b:s11+s30] =	stream.strided.scatter [tilespmem:s24], [sflag:$0x3], $0x200, s26, s30, $0x38;
	[tilespmem:$0x12400] =	vst v63  }
0x352: {  	_ =	swait.ge [sflag:s0], $0x200  }
0x353: {  	[sflag:s0] =	ssyncset.done $0x0  }
0x354: {  	s31 =	simm.s32 $0x11800;
	[sflag:s0] =	ssyncadd.s32 $0xFFFFFE00  }
0x355: {  	[hbm4b:s12+s30] =	stream.strided.scatter [tilespmem:s31], [sflag:$0x3], $0x200, s26, s30, $0x38;
	[tilespmem:$0x12400] =	vst v63  }
0x356: {  	_ =	swait.ge [sflag:s0], $0x200  }
0x357: {  	[sflag:s0] =	ssyncset.done $0x0  }
0x358: {  	s6 =	simm.s32 $0x10A00;
	[sflag:s0] =	ssyncadd.s32 $0xFFFFFE00  }
0x359: {  	[hbm4b:s13+s30] =	stream.strided.scatter [tilespmem:s6], [sflag:$0x3], $0x200, s26, s30, $0x38;
	[tilespmem:$0x12400] =	vst v63  }
0x35a: {  	_ =	swait.ge [sflag:s0], $0x200  }
0x35b: {  	[sflag:s0] =	ssyncset.done $0x0  }
0x35c: {  	s7 =	simm.s32 $0x11A00;
	[sflag:s0] =	ssyncadd.s32 $0xFFFFFE00  }
0x35d: {  	[hbm4b:s14+s30] =	stream.strided.scatter [tilespmem:s7], [sflag:$0x3], $0x200, s26, s30, $0x38;
	[tilespmem:$0x12400] =	vst v63  }
0x35e: {  	_ =	swait.ge [sflag:s0], $0x200  }
0x35f: {  	[sflag:s0] =	ssyncset.done $0x0  }
0x360: {  	s8 =	simm.s32 $0x10C00;
	[sflag:s0] =	ssyncadd.s32 $0xFFFFFE00  }
0x361: {  	[hbm4b:s15+s30] =	stream.strided.scatter [tilespmem:s8], [sflag:$0x3], $0x200, s26, s30, $0x38;
	[tilespmem:$0x12400] =	vst v63  }
0x362: {  	_ =	swait.ge [sflag:s0], $0x200  }
0x363: {  	[sflag:s0] =	ssyncset.done $0x0  }
0x364: {  	s24 =	simm.s32 $0x11C00;
	[sflag:s0] =	ssyncadd.s32 $0xFFFFFE00  }
0x365: {  	[hbm4b:s16+s30] =	stream.strided.scatter [tilespmem:s24], [sflag:$0x3], $0x200, s26, s30, $0x38;
	[tilespmem:$0x12400] =	vst v63  }
0x366: {  	_ =	swait.ge [sflag:s0], $0x200  }
0x367: {  	[sflag:s0] =	ssyncset.done $0x0  }
0x368: {  	s31 =	simm.s32 $0x10E00;
	[sflag:s0] =	ssyncadd.s32 $0xFFFFFE00  }
0x369: {  	[hbm4b:s17+s30] =	stream.strided.scatter [tilespmem:s31], [sflag:$0x3], $0x200, s26, s30, $0x38;
	[tilespmem:$0x12400] =	vst v63  }
0x36a: {  	_ =	swait.ge [sflag:s0], $0x200  }
0x36b: {  	[sflag:s0] =	ssyncset.done $0x0  }
0x36c: {  	s6 =	simm.s32 $0x11E00;
	[sflag:s0] =	ssyncadd.s32 $0xFFFFFE00  }
0x36d: {  	[hbm4b:s18+s30] =	stream.strided.scatter [tilespmem:s6], [sflag:$0x3], $0x200, s26, s30, $0x38;
	[tilespmem:$0x12400] =	vst v63  }
0x36e: {  	_ =	swait.ge [sflag:s0], $0x200  }
0x36f: {  	[sflag:s0] =	ssyncset.done $0x0  }
0x370: {  	s7 =	simm.s32 $0x11000;
	[sflag:s0] =	ssyncadd.s32 $0xFFFFFE00  }
0x371: {  	[hbm4b:s19+s30] =	stream.strided.scatter [tilespmem:s7], [sflag:$0x3], $0x200, s26, s30, $0x38;
	[tilespmem:$0x12400] =	vst v63  }
0x372: {  	_ =	swait.ge [sflag:s0], $0x200  }
0x373: {  	[sflag:s0] =	ssyncset.done $0x0  }
0x374: {  	s8 =	simm.s32 $0x12000;
	[sflag:s0] =	ssyncadd.s32 $0xFFFFFE00  }
0x375: {  	[hbm4b:s20+s30] =	stream.strided.scatter [tilespmem:s8], [sflag:$0x3], $0x200, s26, s30, $0x38;
	[tilespmem:$0x12400] =	vst v63  }
0x376: {  	_ =	swait.ge [sflag:s0], $0x200  }
0x377: {  	[sflag:s0] =	ssyncset.done $0x0  }
0x378: {  	s24 =	simm.s32 $0x11200;
	[sflag:s0] =	ssyncadd.s32 $0xFFFFFE00  }
0x379: {  	[hbm4b:s21+s30] =	stream.strided.scatter [tilespmem:s24], [sflag:$0x3], $0x200, s26, s30, $0x38;
	[tilespmem:$0x12400] =	vst v63  }
0x37a: {  	s4 =	sadd.s32 $0x1, s4;
	_ =	swait.ge [sflag:s0], $0x200  }
0x37b: {  	p0 =	sne.s32 s4, s23;
	[sflag:s0] =	ssyncset.done $0x0  }
.Ltmp1:
0x37c: {  	s31 =	simm.s32 $0x12200;
	[sflag:s0] =	ssyncadd.s32 $0xFFFFFE00;
	(pc) =	sbr.rel @p0 .LBB2_1-.Ltmp1, $4  }
0x37d: {  	[hbm4b:s22+s30] =	stream.strided.scatter [tilespmem:s31], [sflag:$0x3], $0x200, s26, s30, $0x38;
	[tilespmem:$0x12400] =	vst v63  }
0x37e: {  	_ =	swait.ge [sflag:s0], $0x200  }
0x37f: {  	[sflag:s0] =	ssyncset.done $0x0  }
0x380: {  	[sflag:s0] =	ssyncadd.s32 $0xFFFFFE00  }
0x381: {  	_ =	sfence.sel $0x180000  }
0x382: {  	[bflag:$0x0] =	sbarrier.arrive $0xFFFF  }
0x383: {  	_ =	strace $0x90000047  }
0x384: {  	s0 =	stileid.u32;
	[bflag:$0x2] =	sbarrier.arrive $0xFFFF  }
0x385: {  	p0 =	sne.s32 s0, $0x0;
	s0 =	rddreg [dreg:$0x5]  }
0x386: {  	s0 =	sadd.s32 @!p0 $0x100000, s0  }
0x387: {  	[sflag:s0] =	ssyncadd.tile.s32 @!p0 $0x1;
	_ =	shalt  }
.Lfunc_end2:
_tile_overlayer_lowered:
.L_overlay_start_2:
0x388: {  	(tag) =	ssettag $0x2  }
0x389: {  	s0 =	rddreg [dreg:$0x0];
	s2 =	stileid.u32  }
0x38a: {  	s1 =	rddreg [dreg:$0x1];
	p0 =	sne.s32 s2, $0x0  }
0x38b: {  	s3 =	rddreg [dreg:$0x2];
	[bflag:$0x3] =	sbarrier.arrive $0xFFFF;
	s2 =	simm.s32 @!p0 $0x1C03  }
0x38c: {  	[timem:s3], [sflag:s2] =	dma.local @!p0 [hbm:s0], s1  }
0x38d: {  	s0 =	simm.s32 @!p0 $0x3  }
0x38e: {  	_ =	swait.ge @!p0 [sflag:s0], s1  }
0x38f: {  	s1 =	ssub.s32 @!p0 $0x0, s1;
	[sflag:s0] =	ssyncset.done @!p0 $0x0  }
0x390: {  	[sflag:s0] =	ssyncadd.s32 @!p0 s1  }
0x391: {  	[bflag:$0x3] =	sbarrier.arrive $0xFFFF  }
0x392: {  	_ =	shalt  }

</sc_bundles>
